<compile_context>
chip_gen: v7x
topology: tpu7x:2x2x1
jax: 0.10.2.dev20260603
libtpu: 0.0.44.dev20260713+nightly
codegen_flags: <defaults>
</compile_context>

<pallas_src>
import functools

import jax
import jax.numpy as jnp
from jax import lax
from jax.experimental import pallas as pl
from jax.experimental.pallas import tpu as pltpu
from jax.experimental.pallas import tpu_sc as plsc

N = 10000
E = 320000
D = 128
BN_EPS = 1e-5

NC = 2
NS = 16
NW = NC * NS
EPW = E // NW
K = 80
CH = EPW // K
SEG = 25
NSEG = CH // SEG
RPT = 624
REM = N - NS * RPT


def _sc_aggregate(x, ei):
    mesh = plsc.VectorSubcoreMesh(core_axis_name="c", subcore_axis_name="s")

    @functools.partial(
        pl.kernel,
        mesh=mesh,
        out_type=(jax.ShapeDtypeStruct((N, D), jnp.float32),
                  jax.ShapeDtypeStruct((N, D), jnp.float32)),
        scratch_types=[
            pltpu.VMEM((SEG, K), jnp.int32),
            pltpu.VMEM((SEG, K), jnp.int32),
            pltpu.VMEM((3, K, D), jnp.float32),
            pltpu.VMEM_SHARED((N, D), jnp.float32),
            pltpu.SemaphoreType.DMA,
            pltpu.SemaphoreType.DMA,
        ],
    )
    def agg(x_hbm, ei_hbm, out0_hbm, out1_hbm, src_v, dst_v, rows_v, acc,
            gsem, isem):
        c = lax.axis_index("c")
        s = lax.axis_index("s")
        wid = s * NC + c
        base = s * RPT

        pltpu.async_copy(x_hbm.at[pl.ds(base, RPT)], acc.at[pl.ds(base, RPT)],
                         isem)

        @pl.when(s == NS - 1)
        def _():
            pltpu.async_copy(x_hbm.at[pl.ds(NS * RPT, REM)],
                             acc.at[pl.ds(NS * RPT, REM)], isem)

        pltpu.sync_copy(ei_hbm.at[0, wid, 0], src_v)
        pltpu.sync_copy(ei_hbm.at[1, wid, 0], dst_v)

        pltpu.make_async_copy(x_hbm.at[pl.ds(base, RPT)],
                              acc.at[pl.ds(base, RPT)], isem).wait()

        @pl.when(s == NS - 1)
        def _():
            pltpu.make_async_copy(x_hbm.at[pl.ds(NS * RPT, REM)],
                                  acc.at[pl.ds(NS * RPT, REM)], isem).wait()

        plsc.subcore_barrier()

        def g_start(j, b):
            pltpu.async_copy(x_hbm.at[src_v.at[j]], rows_v.at[b], gsem)

        def g_wait(j, b):
            pltpu.make_async_copy(x_hbm.at[src_v.at[j]], rows_v.at[b],
                                  gsem).wait()

        def seg_body(p, carry):
            @pl.when(p > 0)
            def _():
                pltpu.sync_copy(ei_hbm.at[0, wid, p], src_v)
                pltpu.sync_copy(ei_hbm.at[1, wid, p], dst_v)
            g_start(0, 0)
            g_start(1, 1)
            for j in range(SEG):
                if j + 2 < SEG:
                    g_start(j + 2, (j + 2) % 3)
                g_wait(j, j % 3)
                pltpu.sync_copy(rows_v.at[j % 3], acc.at[dst_v.at[j]],
                                add=True)
            return carry

        lax.fori_loop(0, NSEG, seg_body, 0, unroll=False)

        plsc.subcore_barrier()

        @pl.when(c == 0)
        def _():
            pltpu.sync_copy(acc.at[pl.ds(base, RPT)],
                            out0_hbm.at[pl.ds(base, RPT)])

        @pl.when(c == 1)
        def _():
            pltpu.sync_copy(acc.at[pl.ds(base, RPT)],
                            out1_hbm.at[pl.ds(base, RPT)])

        @pl.when(jnp.logical_and(s == NS - 1, c == 0))
        def _():
            pltpu.sync_copy(acc.at[pl.ds(NS * RPT, REM)],
                            out0_hbm.at[pl.ds(NS * RPT, REM)])

        @pl.when(jnp.logical_and(s == NS - 1, c == 1))
        def _():
            pltpu.sync_copy(acc.at[pl.ds(NS * RPT, REM)],
                            out1_hbm.at[pl.ds(NS * RPT, REM)])

    return agg(x, ei)


def _tc_body(x_ref, p0_ref, p1_ref, eps_ref, w1_ref, b1_ref, g1_ref,
             be1_ref, w2_ref, b2_ref, g2_ref, be2_ref, out_ref):
    eps = eps_ref[0, 0]
    out = p0_ref[...] + p1_ref[...] + (eps - 1.0) * x_ref[...]
    h = lax.dot_general(out, w1_ref[...], (((1,), (1,)), ((), ())),
                        preferred_element_type=jnp.float32) + b1_ref[...]
    m = jnp.mean(h, axis=0, keepdims=True)
    v = jnp.mean((h - m) * (h - m), axis=0, keepdims=True)
    h = (h - m) * lax.rsqrt(v + BN_EPS) * g1_ref[...] + be1_ref[...]
    h = jnp.maximum(h, 0.0)
    h = lax.dot_general(h, w2_ref[...], (((1,), (1,)), ((), ())),
                        preferred_element_type=jnp.float32) + b2_ref[...]
    m = jnp.mean(h, axis=0, keepdims=True)
    v = jnp.mean((h - m) * (h - m), axis=0, keepdims=True)
    h = (h - m) * lax.rsqrt(v + BN_EPS) * g2_ref[...] + be2_ref[...]
    out_ref[...] = jnp.maximum(h, 0.0)


def kernel(x, edge_index, eps, W1, b1, gamma1, beta1, W2, b2, gamma2, beta2):
    ei = edge_index.astype(jnp.int32).reshape(2, NW, NSEG, SEG, K)
    p0, p1 = _sc_aggregate(x, ei)

    tc = pl.pallas_call(
        _tc_body,
        out_shape=jax.ShapeDtypeStruct((N, D), jnp.float32),
    )
    return tc(x, p0, p1, eps.reshape(1, 1),
              W1, b1.reshape(1, D), gamma1.reshape(1, D), beta1.reshape(1, D),
              W2, b2.reshape(1, D), gamma2.reshape(1, D), beta2.reshape(1, D))

# --- scband reference (transcript-rebuilt; emitter-appended) ---
"""Pipeline reference for scband-ginlayer-6957847020296 (READ-ONLY COPY).

The authoritative reference and input builder live on the scoring server;
editing this copy changes nothing except your own understanding.
"""

import jax, jax.numpy as jnp
import numpy as np

N = 10000
E = 320000
D = 128
BN_EPS = 1e-5

def setup_inputs(seed: int = 0) -> dict:
    key = jax.random.key(seed)
    ks = jax.random.split(key, 12)
    x = jax.random.normal(ks[0], (N, D), dtype=jnp.float32)
    edge_index = jax.random.randint(ks[1], (2, E), 0, N, dtype=jnp.int64)
    eps = jnp.array([0.1], dtype=jnp.float32)
    s = 1.0 / np.sqrt(D)
    W1 = jax.random.uniform(ks[2], (D, D), minval=-s, maxval=s, dtype=jnp.float32)
    b1 = jax.random.uniform(ks[3], (D,), minval=-s, maxval=s, dtype=jnp.float32)
    gamma1 = jnp.ones((D,), dtype=jnp.float32)
    beta1 = jnp.zeros((D,), dtype=jnp.float32)
    W2 = jax.random.uniform(ks[4], (D, D), minval=-s, maxval=s, dtype=jnp.float32)
    b2 = jax.random.uniform(ks[5], (D,), minval=-s, maxval=s, dtype=jnp.float32)
    gamma2 = jnp.ones((D,), dtype=jnp.float32)
    beta2 = jnp.zeros((D,), dtype=jnp.float32)
    return {"x": x, "edge_index": edge_index, "eps": eps, "W1": W1, "b1": b1,
            "gamma1": gamma1, "beta1": beta1, "W2": W2, "b2": b2,
            "gamma2": gamma2, "beta2": beta2}

def _batchnorm(h, gamma, beta):
    mean = jnp.mean(h, axis=0)
    var = jnp.var(h, axis=0)
    return (h - mean) / jnp.sqrt(var + BN_EPS) * gamma + beta

def reference(x, edge_index, eps, W1, b1, gamma1, beta1, W2, b2, gamma2, beta2):
    src = edge_index[0]
    dst = edge_index[1]
    aggr = jnp.zeros_like(x).at[dst].add(x[src])
    out = (1.0 + eps) * x + aggr
    h = out @ W1.T + b1
    h = _batchnorm(h, gamma1, beta1)
    h = jax.nn.relu(h)
    h = h @ W2.T + b2
    h = _batchnorm(h, gamma2, beta2)
    h = jax.nn.relu(h)
    return h

if __name__ == "__main__":
    import jax
    _d = setup_inputs()
    print(jax.jit(kernel)(*tuple(_d.values())))

</pallas_src>

<mosaic_0001>
#map = affine_map<(d0, d1) -> (0, 0)>
#map1 = affine_map<(d0, d1) -> (0, 0, 0, 0, 0)>
module attributes {stable_mosaic.version = 14 : i64} {
  func.func @agg(%arg0: i32, %arg1: i32, %arg2: memref<10000x128xf32, #tpu.memory_space<hbm>>, %arg3: memref<2x32x5x25x80xi32, #tpu.memory_space<hbm>>, %arg4: memref<10000x128xf32, #tpu.memory_space<hbm>>, %arg5: memref<10000x128xf32, #tpu.memory_space<hbm>>, %arg6: memref<25x80xi32, #tpu.memory_space<vmem>>, %arg7: memref<25x80xi32, #tpu.memory_space<vmem>>, %arg8: memref<3x80x128xf32, #tpu.memory_space<vmem>>, %arg9: memref<10000x128xf32, #tpu.memory_space<vmem_shared>>, %arg10: memref<!tpu.dma_semaphore, #tpu.memory_space<semaphore_mem>>, %arg11: memref<!tpu.dma_semaphore, #tpu.memory_space<semaphore_mem>>) attributes {dimension_semantics = [#tpu.dimension_semantics<core_parallel>, #tpu.dimension_semantics<subcore_parallel>], iteration_bounds = array<i64: 2, 16>, scalar_prefetch = 0 : i64, scratch_operands = 6 : i64, tpu.core_type = #tpu.core_type<sc_vector_subcore>, window_params = [{transform_indices = #map}, {transform_indices = #map1}, {transform_indices = #map}, {transform_indices = #map}]} {
    %mul3A = arith.constant 2 : i32
    %mul3A_0 = arith.muli %arg1, %mul3A : i32
    %add3A = arith.addi %mul3A_0, %arg0 : i32
    %mul3A_1 = arith.constant 624 : i32
    %mul3A_2 = arith.muli %arg1, %mul3A_1 : i32
    %dma_start3A = arith.constant 0 : i32
    %dma_start3A_3 = tpu.memref_slice %arg9[%mul3A_2, %dma_start3A] : memref<10000x128xf32, #tpu.memory_space<vmem_shared>> -> memref<624x128xf32, #tpu.memory_space<vmem_shared>>
    %dma_start3A_4 = arith.constant 0 : i32
    %dma_start3A_5 = tpu.memref_slice %arg2[%mul3A_2, %dma_start3A_4] : memref<10000x128xf32, #tpu.memory_space<hbm>> -> memref<624x128xf32, #tpu.memory_space<hbm>>
    tpu.enqueue_dma source(%dma_start3A_5 : memref<624x128xf32, #tpu.memory_space<hbm>>) target(%dma_start3A_3 : memref<624x128xf32, #tpu.memory_space<vmem_shared>>) target_semaphore(%arg11 : memref<!tpu.dma_semaphore, #tpu.memory_space<semaphore_mem>>)
    %eq3A = arith.constant 15 : i32
    %eq3A_6 = arith.cmpi eq, %arg1, %eq3A : i32
    %convert_element_type3A = arith.extui %eq3A_6 : i1 to i32
    %cond3A = arith.constant 0 : i32
    %cond3A_7 = arith.cmpi ne, %convert_element_type3A, %cond3A : i32
    scf.if %cond3A_7 {
      %dma_start3A_50 = arith.constant 9984 : i32
      %dma_start3A_51 = arith.constant 0 : i32
      %dma_start3A_52 = tpu.memref_slice %arg9[%dma_start3A_50, %dma_start3A_51] : memref<10000x128xf32, #tpu.memory_space<vmem_shared>> -> memref<16x128xf32, #tpu.memory_space<vmem_shared>>
      %dma_start3A_53 = arith.constant 9984 : i32
      %dma_start3A_54 = arith.constant 0 : i32
      %dma_start3A_55 = tpu.memref_slice %arg2[%dma_start3A_53, %dma_start3A_54] : memref<10000x128xf32, #tpu.memory_space<hbm>> -> memref<16x128xf32, #tpu.memory_space<hbm>>
      tpu.enqueue_dma source(%dma_start3A_55 : memref<16x128xf32, #tpu.memory_space<hbm>>) target(%dma_start3A_52 : memref<16x128xf32, #tpu.memory_space<vmem_shared>>) target_semaphore(%arg11 : memref<!tpu.dma_semaphore, #tpu.memory_space<semaphore_mem>>)
    } else {
    }
    %run_scoped3A = arith.constant 0 : i32
    %run_scoped3A_8 = arith.constant 0 : i32
    "tpu.region"() ({
      %run_scoped3A_50 = tpu.sem_alloc : memref<!tpu.dma_semaphore, #tpu.memory_space<semaphore_mem>>
      %dma_start3A_51 = arith.constant 0 : i32
      %dma_start3A_52 = arith.constant 0 : i32
      %dma_start3A_53 = tpu.memref_slice %arg3[%run_scoped3A, %add3A, %run_scoped3A_8, %dma_start3A_51, %dma_start3A_52] : memref<2x32x5x25x80xi32, #tpu.memory_space<hbm>> -> memref<1x1x1x25x80xi32, #tpu.memory_space<hbm>>
      %dma_start3A_54 = tpu.memref_squeeze %dma_start3A_53 : memref<1x1x1x25x80xi32, #tpu.memory_space<hbm>> -> memref<25x80xi32, #tpu.memory_space<hbm>>
      %dma_start3A_55 = arith.constant 0 : i32
      %dma_start3A_56 = arith.constant 0 : i32
      %dma_start3A_57 = tpu.memref_slice %arg3[%run_scoped3A, %add3A, %run_scoped3A_8, %dma_start3A_55, %dma_start3A_56] : memref<2x32x5x25x80xi32, #tpu.memory_space<hbm>> -> memref<1x1x1x25x80xi32, #tpu.memory_space<hbm>>
      %dma_start3A_58 = tpu.memref_squeeze %dma_start3A_57 : memref<1x1x1x25x80xi32, #tpu.memory_space<hbm>> -> memref<25x80xi32, #tpu.memory_space<hbm>>
      tpu.enqueue_dma source(%dma_start3A_58 : memref<25x80xi32, #tpu.memory_space<hbm>>) target(%arg6 : memref<25x80xi32, #tpu.memory_space<vmem>>) target_semaphore(%run_scoped3A_50 : memref<!tpu.dma_semaphore, #tpu.memory_space<semaphore_mem>>)
      %dma_wait3A_59 = arith.constant 0 : i32
      %dma_wait3A_60 = arith.constant 0 : i32
      %dma_wait3A_61 = tpu.memref_slice %arg3[%run_scoped3A, %add3A, %run_scoped3A_8, %dma_wait3A_59, %dma_wait3A_60] : memref<2x32x5x25x80xi32, #tpu.memory_space<hbm>> -> memref<1x1x1x25x80xi32, #tpu.memory_space<hbm>>
      %dma_wait3A_62 = tpu.memref_squeeze %dma_wait3A_61 : memref<1x1x1x25x80xi32, #tpu.memory_space<hbm>> -> memref<25x80xi32, #tpu.memory_space<hbm>>
      %dma_wait3A_63 = arith.constant 0 : i32
      %dma_wait3A_64 = arith.constant 0 : i32
      %dma_wait3A_65 = tpu.memref_slice %arg3[%run_scoped3A, %add3A, %run_scoped3A_8, %dma_wait3A_63, %dma_wait3A_64] : memref<2x32x5x25x80xi32, #tpu.memory_space<hbm>> -> memref<1x1x1x25x80xi32, #tpu.memory_space<hbm>>
      %dma_wait3A_66 = tpu.memref_squeeze %dma_wait3A_65 : memref<1x1x1x25x80xi32, #tpu.memory_space<hbm>> -> memref<25x80xi32, #tpu.memory_space<hbm>>
      tpu.wait_dma2 semaphore(%run_scoped3A_50 : memref<!tpu.dma_semaphore, #tpu.memory_space<semaphore_mem>>) src(%dma_wait3A_66 : memref<25x80xi32, #tpu.memory_space<hbm>>) dst(%arg6 : memref<25x80xi32, #tpu.memory_space<vmem>>)
      tpu.yield
    }) : () -> ()
    %run_scoped3A_9 = arith.constant 1 : i32
    %run_scoped3A_10 = arith.constant 0 : i32
    "tpu.region"() ({
      %run_scoped3A_50 = tpu.sem_alloc : memref<!tpu.dma_semaphore, #tpu.memory_space<semaphore_mem>>
      %dma_start3A_51 = arith.constant 0 : i32
      %dma_start3A_52 = arith.constant 0 : i32
      %dma_start3A_53 = tpu.memref_slice %arg3[%run_scoped3A_9, %add3A, %run_scoped3A_10, %dma_start3A_51, %dma_start3A_52] : memref<2x32x5x25x80xi32, #tpu.memory_space<hbm>> -> memref<1x1x1x25x80xi32, #tpu.memory_space<hbm>>
      %dma_start3A_54 = tpu.memref_squeeze %dma_start3A_53 : memref<1x1x1x25x80xi32, #tpu.memory_space<hbm>> -> memref<25x80xi32, #tpu.memory_space<hbm>>
      %dma_start3A_55 = arith.constant 0 : i32
      %dma_start3A_56 = arith.constant 0 : i32
      %dma_start3A_57 = tpu.memref_slice %arg3[%run_scoped3A_9, %add3A, %run_scoped3A_10, %dma_start3A_55, %dma_start3A_56] : memref<2x32x5x25x80xi32, #tpu.memory_space<hbm>> -> memref<1x1x1x25x80xi32, #tpu.memory_space<hbm>>
      %dma_start3A_58 = tpu.memref_squeeze %dma_start3A_57 : memref<1x1x1x25x80xi32, #tpu.memory_space<hbm>> -> memref<25x80xi32, #tpu.memory_space<hbm>>
      tpu.enqueue_dma source(%dma_start3A_58 : memref<25x80xi32, #tpu.memory_space<hbm>>) target(%arg7 : memref<25x80xi32, #tpu.memory_space<vmem>>) target_semaphore(%run_scoped3A_50 : memref<!tpu.dma_semaphore, #tpu.memory_space<semaphore_mem>>)
      %dma_wait3A_59 = arith.constant 0 : i32
      %dma_wait3A_60 = arith.constant 0 : i32
      %dma_wait3A_61 = tpu.memref_slice %arg3[%run_scoped3A_9, %add3A, %run_scoped3A_10, %dma_wait3A_59, %dma_wait3A_60] : memref<2x32x5x25x80xi32, #tpu.memory_space<hbm>> -> memref<1x1x1x25x80xi32, #tpu.memory_space<hbm>>
      %dma_wait3A_62 = tpu.memref_squeeze %dma_wait3A_61 : memref<1x1x1x25x80xi32, #tpu.memory_space<hbm>> -> memref<25x80xi32, #tpu.memory_space<hbm>>
      %dma_wait3A_63 = arith.constant 0 : i32
      %dma_wait3A_64 = arith.constant 0 : i32
      %dma_wait3A_65 = tpu.memref_slice %arg3[%run_scoped3A_9, %add3A, %run_scoped3A_10, %dma_wait3A_63, %dma_wait3A_64] : memref<2x32x5x25x80xi32, #tpu.memory_space<hbm>> -> memref<1x1x1x25x80xi32, #tpu.memory_space<hbm>>
      %dma_wait3A_66 = tpu.memref_squeeze %dma_wait3A_65 : memref<1x1x1x25x80xi32, #tpu.memory_space<hbm>> -> memref<25x80xi32, #tpu.memory_space<hbm>>
      tpu.wait_dma2 semaphore(%run_scoped3A_50 : memref<!tpu.dma_semaphore, #tpu.memory_space<semaphore_mem>>) src(%dma_wait3A_66 : memref<25x80xi32, #tpu.memory_space<hbm>>) dst(%arg7 : memref<25x80xi32, #tpu.memory_space<vmem>>)
      tpu.yield
    }) : () -> ()
    %dma_wait3A = arith.constant 0 : i32
    %dma_wait3A_11 = tpu.memref_slice %arg9[%mul3A_2, %dma_wait3A] : memref<10000x128xf32, #tpu.memory_space<vmem_shared>> -> memref<624x128xf32, #tpu.memory_space<vmem_shared>>
    %dma_wait3A_12 = arith.constant 0 : i32
    %dma_wait3A_13 = tpu.memref_slice %arg2[%mul3A_2, %dma_wait3A_12] : memref<10000x128xf32, #tpu.memory_space<hbm>> -> memref<624x128xf32, #tpu.memory_space<hbm>>
    tpu.wait_dma2 semaphore(%arg11 : memref<!tpu.dma_semaphore, #tpu.memory_space<semaphore_mem>>) src(%dma_wait3A_13 : memref<624x128xf32, #tpu.memory_space<hbm>>) dst(%dma_wait3A_11 : memref<624x128xf32, #tpu.memory_space<vmem_shared>>)
    %eq3A_14 = arith.constant 15 : i32
    %eq3A_15 = arith.cmpi eq, %arg1, %eq3A_14 : i32
    %convert_element_type3A_16 = arith.extui %eq3A_15 : i1 to i32
    %cond3A_17 = arith.constant 0 : i32
    %cond3A_18 = arith.cmpi ne, %convert_element_type3A_16, %cond3A_17 : i32
    scf.if %cond3A_18 {
      %dma_wait3A_50 = arith.constant 9984 : i32
      %dma_wait3A_51 = arith.constant 0 : i32
      %dma_wait3A_52 = tpu.memref_slice %arg9[%dma_wait3A_50, %dma_wait3A_51] : memref<10000x128xf32, #tpu.memory_space<vmem_shared>> -> memref<16x128xf32, #tpu.memory_space<vmem_shared>>
      %dma_wait3A_53 = arith.constant 9984 : i32
      %dma_wait3A_54 = arith.constant 0 : i32
      %dma_wait3A_55 = tpu.memref_slice %arg2[%dma_wait3A_53, %dma_wait3A_54] : memref<10000x128xf32, #tpu.memory_space<hbm>> -> memref<16x128xf32, #tpu.memory_space<hbm>>
      tpu.wait_dma2 semaphore(%arg11 : memref<!tpu.dma_semaphore, #tpu.memory_space<semaphore_mem>>) src(%dma_wait3A_55 : memref<16x128xf32, #tpu.memory_space<hbm>>) dst(%dma_wait3A_52 : memref<16x128xf32, #tpu.memory_space<vmem_shared>>)
    } else {
    }
    %barrier3A = arith.constant 0 : index
    tpu.barrier barrier_id(%barrier3A)
    %scan3A = arith.constant 0 : i32
    %scan3A_19 = arith.constant 0 : i32
    %scan3A_20 = arith.constant 5 : i32
    %scan3A_21 = arith.addi %scan3A_19, %scan3A_20 : i32
    %scan3A_22 = arith.constant 1 : i32
    scf.for %scan3A_50 = %scan3A_19 to %scan3A_21 step %scan3A_22  : i32 {
      %gt3A = arith.constant 0 : i32
      %gt3A_51 = arith.cmpi sgt, %scan3A_50, %gt3A : i32
      %convert_element_type3A_52 = arith.extui %gt3A_51 : i1 to i32
      %cond3A_53 = arith.constant 0 : i32
      %cond3A_54 = arith.cmpi ne, %convert_element_type3A_52, %cond3A_53 : i32
      scf.if %cond3A_54 {
        %run_scoped3A_705 = arith.constant 0 : i32
        "tpu.region"() ({
          %run_scoped3A_707 = tpu.sem_alloc : memref<!tpu.dma_semaphore, #tpu.memory_space<semaphore_mem>>
          %dma_start3A_708 = arith.constant 0 : i32
          %dma_start3A_709 = arith.constant 0 : i32
          %dma_start3A_710 = tpu.memref_slice %arg3[%run_scoped3A_705, %add3A, %scan3A_50, %dma_start3A_708, %dma_start3A_709] : memref<2x32x5x25x80xi32, #tpu.memory_space<hbm>> -> memref<1x1x1x25x80xi32, #tpu.memory_space<hbm>>
          %dma_start3A_711 = tpu.memref_squeeze %dma_start3A_710 : memref<1x1x1x25x80xi32, #tpu.memory_space<hbm>> -> memref<25x80xi32, #tpu.memory_space<hbm>>
          %dma_start3A_712 = arith.constant 0 : i32
          %dma_start3A_713 = arith.constant 0 : i32
          %dma_start3A_714 = tpu.memref_slice %arg3[%run_scoped3A_705, %add3A, %scan3A_50, %dma_start3A_712, %dma_start3A_713] : memref<2x32x5x25x80xi32, #tpu.memory_space<hbm>> -> memref<1x1x1x25x80xi32, #tpu.memory_space<hbm>>
          %dma_start3A_715 = tpu.memref_squeeze %dma_start3A_714 : memref<1x1x1x25x80xi32, #tpu.memory_space<hbm>> -> memref<25x80xi32, #tpu.memory_space<hbm>>
          tpu.enqueue_dma source(%dma_start3A_715 : memref<25x80xi32, #tpu.memory_space<hbm>>) target(%arg6 : memref<25x80xi32, #tpu.memory_space<vmem>>) target_semaphore(%run_scoped3A_707 : memref<!tpu.dma_semaphore, #tpu.memory_space<semaphore_mem>>)
          %dma_wait3A_716 = arith.constant 0 : i32
          %dma_wait3A_717 = arith.constant 0 : i32
          %dma_wait3A_718 = tpu.memref_slice %arg3[%run_scoped3A_705, %add3A, %scan3A_50, %dma_wait3A_716, %dma_wait3A_717] : memref<2x32x5x25x80xi32, #tpu.memory_space<hbm>> -> memref<1x1x1x25x80xi32, #tpu.memory_space<hbm>>
          %dma_wait3A_719 = tpu.memref_squeeze %dma_wait3A_718 : memref<1x1x1x25x80xi32, #tpu.memory_space<hbm>> -> memref<25x80xi32, #tpu.memory_space<hbm>>
          %dma_wait3A_720 = arith.constant 0 : i32
          %dma_wait3A_721 = arith.constant 0 : i32
          %dma_wait3A_722 = tpu.memref_slice %arg3[%run_scoped3A_705, %add3A, %scan3A_50, %dma_wait3A_720, %dma_wait3A_721] : memref<2x32x5x25x80xi32, #tpu.memory_space<hbm>> -> memref<1x1x1x25x80xi32, #tpu.memory_space<hbm>>
          %dma_wait3A_723 = tpu.memref_squeeze %dma_wait3A_722 : memref<1x1x1x25x80xi32, #tpu.memory_space<hbm>> -> memref<25x80xi32, #tpu.memory_space<hbm>>
          tpu.wait_dma2 semaphore(%run_scoped3A_707 : memref<!tpu.dma_semaphore, #tpu.memory_space<semaphore_mem>>) src(%dma_wait3A_723 : memref<25x80xi32, #tpu.memory_space<hbm>>) dst(%arg6 : memref<25x80xi32, #tpu.memory_space<vmem>>)
          tpu.yield
        }) : () -> ()
        %run_scoped3A_706 = arith.constant 1 : i32
        "tpu.region"() ({
          %run_scoped3A_707 = tpu.sem_alloc : memref<!tpu.dma_semaphore, #tpu.memory_space<semaphore_mem>>
          %dma_start3A_708 = arith.constant 0 : i32
          %dma_start3A_709 = arith.constant 0 : i32
          %dma_start3A_710 = tpu.memref_slice %arg3[%run_scoped3A_706, %add3A, %scan3A_50, %dma_start3A_708, %dma_start3A_709] : memref<2x32x5x25x80xi32, #tpu.memory_space<hbm>> -> memref<1x1x1x25x80xi32, #tpu.memory_space<hbm>>
          %dma_start3A_711 = tpu.memref_squeeze %dma_start3A_710 : memref<1x1x1x25x80xi32, #tpu.memory_space<hbm>> -> memref<25x80xi32, #tpu.memory_space<hbm>>
          %dma_start3A_712 = arith.constant 0 : i32
          %dma_start3A_713 = arith.constant 0 : i32
          %dma_start3A_714 = tpu.memref_slice %arg3[%run_scoped3A_706, %add3A, %scan3A_50, %dma_start3A_712, %dma_start3A_713] : memref<2x32x5x25x80xi32, #tpu.memory_space<hbm>> -> memref<1x1x1x25x80xi32, #tpu.memory_space<hbm>>
          %dma_start3A_715 = tpu.memref_squeeze %dma_start3A_714 : memref<1x1x1x25x80xi32, #tpu.memory_space<hbm>> -> memref<25x80xi32, #tpu.memory_space<hbm>>
          tpu.enqueue_dma source(%dma_start3A_715 : memref<25x80xi32, #tpu.memory_space<hbm>>) target(%arg7 : memref<25x80xi32, #tpu.memory_space<vmem>>) target_semaphore(%run_scoped3A_707 : memref<!tpu.dma_semaphore, #tpu.memory_space<semaphore_mem>>)
          %dma_wait3A_716 = arith.constant 0 : i32
          %dma_wait3A_717 = arith.constant 0 : i32
          %dma_wait3A_718 = tpu.memref_slice %arg3[%run_scoped3A_706, %add3A, %scan3A_50, %dma_wait3A_716, %dma_wait3A_717] : memref<2x32x5x25x80xi32, #tpu.memory_space<hbm>> -> memref<1x1x1x25x80xi32, #tpu.memory_space<hbm>>
          %dma_wait3A_719 = tpu.memref_squeeze %dma_wait3A_718 : memref<1x1x1x25x80xi32, #tpu.memory_space<hbm>> -> memref<25x80xi32, #tpu.memory_space<hbm>>
          %dma_wait3A_720 = arith.constant 0 : i32
          %dma_wait3A_721 = arith.constant 0 : i32
          %dma_wait3A_722 = tpu.memref_slice %arg3[%run_scoped3A_706, %add3A, %scan3A_50, %dma_wait3A_720, %dma_wait3A_721] : memref<2x32x5x25x80xi32, #tpu.memory_space<hbm>> -> memref<1x1x1x25x80xi32, #tpu.memory_space<hbm>>
          %dma_wait3A_723 = tpu.memref_squeeze %dma_wait3A_722 : memref<1x1x1x25x80xi32, #tpu.memory_space<hbm>> -> memref<25x80xi32, #tpu.memory_space<hbm>>
          tpu.wait_dma2 semaphore(%run_scoped3A_707 : memref<!tpu.dma_semaphore, #tpu.memory_space<semaphore_mem>>) src(%dma_wait3A_723 : memref<25x80xi32, #tpu.memory_space<hbm>>) dst(%arg7 : memref<25x80xi32, #tpu.memory_space<vmem>>)
          tpu.yield
        }) : () -> ()
      } else {
      }
      %dma_start3A_55 = arith.constant 0 : i32
      %dma_start3A_56 = arith.constant 0 : i32
      %dma_start3A_57 = arith.constant 0 : i32
      %dma_start3A_58 = arith.constant 0 : i32
      %dma_start3A_59 = tpu.memref_slice %arg8[%dma_start3A_56, %dma_start3A_57, %dma_start3A_58] : memref<3x80x128xf32, #tpu.memory_space<vmem>> -> memref<1x80x128xf32, #tpu.memory_space<vmem>>
      %dma_start3A_60 = tpu.memref_squeeze %dma_start3A_59 : memref<1x80x128xf32, #tpu.memory_space<vmem>> -> memref<80x128xf32, #tpu.memory_space<vmem>>
      %dma_start3A_61 = arith.constant 0 : i32
      %dma_start3A_62 = tpu.memref_slice %arg6[%dma_start3A_55, %dma_start3A_61] : memref<25x80xi32, #tpu.memory_space<vmem>> -> memref<1x80xi32, #tpu.memory_space<vmem>>
      %dma_start3A_63 = tpu.memref_squeeze %dma_start3A_62 : memref<1x80xi32, #tpu.memory_space<vmem>> -> memref<80xi32, #tpu.memory_space<vmem>>
      %dma_start3A_64 = arith.constant 0 : i32
      %dma_start3A_65 = arith.constant 0 : i32
      %dma_start3A_66 = tpu.memref_slice %arg2[%dma_start3A_64, %dma_start3A_65] : memref<10000x128xf32, #tpu.memory_space<hbm>> -> memref<10000x128xf32, #tpu.memory_space<hbm>>
      tpu.enqueue_indirect_dma source(%dma_start3A_66 : memref<10000x128xf32, #tpu.memory_space<hbm>>) target(%dma_start3A_60 : memref<80x128xf32, #tpu.memory_space<vmem>>) offsets(%dma_start3A_63 : memref<80xi32, #tpu.memory_space<vmem>>) semaphore(%arg10 : memref<!tpu.dma_semaphore, #tpu.memory_space<semaphore_mem>>)
      %dma_start3A_67 = arith.constant 1 : i32
      %dma_start3A_68 = arith.constant 1 : i32
      %dma_start3A_69 = arith.constant 0 : i32
      %dma_start3A_70 = arith.constant 0 : i32
      %dma_start3A_71 = tpu.memref_slice %arg8[%dma_start3A_68, %dma_start3A_69, %dma_start3A_70] : memref<3x80x128xf32, #tpu.memory_space<vmem>> -> memref<1x80x128xf32, #tpu.memory_space<vmem>>
      %dma_start3A_72 = tpu.memref_squeeze %dma_start3A_71 : memref<1x80x128xf32, #tpu.memory_space<vmem>> -> memref<80x128xf32, #tpu.memory_space<vmem>>
      %dma_start3A_73 = arith.constant 0 : i32
      %dma_start3A_74 = tpu.memref_slice %arg6[%dma_start3A_67, %dma_start3A_73] : memref<25x80xi32, #tpu.memory_space<vmem>> -> memref<1x80xi32, #tpu.memory_space<vmem>>
      %dma_start3A_75 = tpu.memref_squeeze %dma_start3A_74 : memref<1x80xi32, #tpu.memory_space<vmem>> -> memref<80xi32, #tpu.memory_space<vmem>>
      %dma_start3A_76 = arith.constant 0 : i32
      %dma_start3A_77 = arith.constant 0 : i32
      %dma_start3A_78 = tpu.memref_slice %arg2[%dma_start3A_76, %dma_start3A_77] : memref<10000x128xf32, #tpu.memory_space<hbm>> -> memref<10000x128xf32, #tpu.memory_space<hbm>>
      tpu.enqueue_indirect_dma source(%dma_start3A_78 : memref<10000x128xf32, #tpu.memory_space<hbm>>) target(%dma_start3A_72 : memref<80x128xf32, #tpu.memory_space<vmem>>) offsets(%dma_start3A_75 : memref<80xi32, #tpu.memory_space<vmem>>) semaphore(%arg10 : memref<!tpu.dma_semaphore, #tpu.memory_space<semaphore_mem>>)
      %dma_start3A_79 = arith.constant 2 : i32
      %dma_start3A_80 = arith.constant 2 : i32
      %dma_start3A_81 = arith.constant 0 : i32
      %dma_start3A_82 = arith.constant 0 : i32
      %dma_start3A_83 = tpu.memref_slice %arg8[%dma_start3A_80, %dma_start3A_81, %dma_start3A_82] : memref<3x80x128xf32, #tpu.memory_space<vmem>> -> memref<1x80x128xf32, #tpu.memory_space<vmem>>
      %dma_start3A_84 = tpu.memref_squeeze %dma_start3A_83 : memref<1x80x128xf32, #tpu.memory_space<vmem>> -> memref<80x128xf32, #tpu.memory_space<vmem>>
      %dma_start3A_85 = arith.constant 0 : i32
      %dma_start3A_86 = tpu.memref_slice %arg6[%dma_start3A_79, %dma_start3A_85] : memref<25x80xi32, #tpu.memory_space<vmem>> -> memref<1x80xi32, #tpu.memory_space<vmem>>
      %dma_start3A_87 = tpu.memref_squeeze %dma_start3A_86 : memref<1x80xi32, #tpu.memory_space<vmem>> -> memref<80xi32, #tpu.memory_space<vmem>>
      %dma_start3A_88 = arith.constant 0 : i32
      %dma_start3A_89 = arith.constant 0 : i32
      %dma_start3A_90 = tpu.memref_slice %arg2[%dma_start3A_88, %dma_start3A_89] : memref<10000x128xf32, #tpu.memory_space<hbm>> -> memref<10000x128xf32, #tpu.memory_space<hbm>>
      tpu.enqueue_indirect_dma source(%dma_start3A_90 : memref<10000x128xf32, #tpu.memory_space<hbm>>) target(%dma_start3A_84 : memref<80x128xf32, #tpu.memory_space<vmem>>) offsets(%dma_start3A_87 : memref<80xi32, #tpu.memory_space<vmem>>) semaphore(%arg10 : memref<!tpu.dma_semaphore, #tpu.memory_space<semaphore_mem>>)
      %dma_wait3A_91 = arith.constant 0 : i32
      %dma_wait3A_92 = arith.constant 0 : i32
      %dma_wait3A_93 = arith.constant 0 : i32
      %dma_wait3A_94 = arith.constant 0 : i32
      %dma_wait3A_95 = tpu.memref_slice %arg8[%dma_wait3A_92, %dma_wait3A_93, %dma_wait3A_94] : memref<3x80x128xf32, #tpu.memory_space<vmem>> -> memref<1x80x128xf32, #tpu.memory_space<vmem>>
      %dma_wait3A_96 = tpu.memref_squeeze %dma_wait3A_95 : memref<1x80x128xf32, #tpu.memory_space<vmem>> -> memref<80x128xf32, #tpu.memory_space<vmem>>
      %dma_wait3A_97 = arith.constant 0 : i32
      %dma_wait3A_98 = tpu.memref_slice %arg6[%dma_wait3A_91, %dma_wait3A_97] : memref<25x80xi32, #tpu.memory_space<vmem>> -> memref<1x80xi32, #tpu.memory_space<vmem>>
      %dma_wait3A_99 = tpu.memref_squeeze %dma_wait3A_98 : memref<1x80xi32, #tpu.memory_space<vmem>> -> memref<80xi32, #tpu.memory_space<vmem>>
      %dma_wait3A_100 = arith.constant 0 : i32
      %dma_wait3A_101 = arith.constant 0 : i32
      %dma_wait3A_102 = tpu.memref_slice %arg2[%dma_wait3A_100, %dma_wait3A_101] : memref<10000x128xf32, #tpu.memory_space<hbm>> -> memref<10000x128xf32, #tpu.memory_space<hbm>>
      tpu.wait_indirect_dma semaphore(%arg10 : memref<!tpu.dma_semaphore, #tpu.memory_space<semaphore_mem>>) src(%dma_wait3A_102 : memref<10000x128xf32, #tpu.memory_space<hbm>>) dst(%dma_wait3A_96 : memref<80x128xf32, #tpu.memory_space<vmem>>)
      %run_scoped3A_103 = arith.constant 0 : i32
      %run_scoped3A_104 = arith.constant 0 : i32
      "tpu.region"() ({
        %run_scoped3A_705 = tpu.sem_alloc : memref<!tpu.dma_semaphore, #tpu.memory_space<semaphore_mem>>
        %dma_start3A_706 = arith.constant 0 : i32
        %dma_start3A_707 = arith.constant 0 : i32
        %dma_start3A_708 = tpu.memref_slice %arg8[%run_scoped3A_103, %dma_start3A_706, %dma_start3A_707] : memref<3x80x128xf32, #tpu.memory_space<vmem>> -> memref<1x80x128xf32, #tpu.memory_space<vmem>>
        %dma_start3A_709 = tpu.memref_squeeze %dma_start3A_708 : memref<1x80x128xf32, #tpu.memory_space<vmem>> -> memref<80x128xf32, #tpu.memory_space<vmem>>
        %dma_start3A_710 = arith.constant 0 : i32
        %dma_start3A_711 = tpu.memref_slice %arg7[%run_scoped3A_104, %dma_start3A_710] : memref<25x80xi32, #tpu.memory_space<vmem>> -> memref<1x80xi32, #tpu.memory_space<vmem>>
        %dma_start3A_712 = tpu.memref_squeeze %dma_start3A_711 : memref<1x80xi32, #tpu.memory_space<vmem>> -> memref<80xi32, #tpu.memory_space<vmem>>
        %dma_start3A_713 = arith.constant 0 : i32
        %dma_start3A_714 = arith.constant 0 : i32
        %dma_start3A_715 = tpu.memref_slice %arg9[%dma_start3A_713, %dma_start3A_714] : memref<10000x128xf32, #tpu.memory_space<vmem_shared>> -> memref<10000x128xf32, #tpu.memory_space<vmem_shared>>
        tpu.enqueue_indirect_dma source(%dma_start3A_709 : memref<80x128xf32, #tpu.memory_space<vmem>>) target(%dma_start3A_715 : memref<10000x128xf32, #tpu.memory_space<vmem_shared>>) offsets(%dma_start3A_712 : memref<80xi32, #tpu.memory_space<vmem>>) semaphore(%run_scoped3A_705 : memref<!tpu.dma_semaphore, #tpu.memory_space<semaphore_mem>>) {add = true}
        %dma_wait3A_716 = arith.constant 0 : i32
        %dma_wait3A_717 = arith.constant 0 : i32
        %dma_wait3A_718 = tpu.memref_slice %arg8[%run_scoped3A_103, %dma_wait3A_716, %dma_wait3A_717] : memref<3x80x128xf32, #tpu.memory_space<vmem>> -> memref<1x80x128xf32, #tpu.memory_space<vmem>>
        %dma_wait3A_719 = tpu.memref_squeeze %dma_wait3A_718 : memref<1x80x128xf32, #tpu.memory_space<vmem>> -> memref<80x128xf32, #tpu.memory_space<vmem>>
        %dma_wait3A_720 = arith.constant 0 : i32
        %dma_wait3A_721 = tpu.memref_slice %arg7[%run_scoped3A_104, %dma_wait3A_720] : memref<25x80xi32, #tpu.memory_space<vmem>> -> memref<1x80xi32, #tpu.memory_space<vmem>>
        %dma_wait3A_722 = tpu.memref_squeeze %dma_wait3A_721 : memref<1x80xi32, #tpu.memory_space<vmem>> -> memref<80xi32, #tpu.memory_space<vmem>>
        %dma_wait3A_723 = arith.constant 0 : i32
        %dma_wait3A_724 = arith.constant 0 : i32
        %dma_wait3A_725 = tpu.memref_slice %arg9[%dma_wait3A_723, %dma_wait3A_724] : memref<10000x128xf32, #tpu.memory_space<vmem_shared>> -> memref<10000x128xf32, #tpu.memory_space<vmem_shared>>
        tpu.wait_indirect_dma semaphore(%run_scoped3A_705 : memref<!tpu.dma_semaphore, #tpu.memory_space<semaphore_mem>>) src(%dma_wait3A_719 : memref<80x128xf32, #tpu.memory_space<vmem>>) dst(%dma_wait3A_725 : memref<10000x128xf32, #tpu.memory_space<vmem_shared>>)
        tpu.yield
      }) : () -> ()
      %dma_start3A_105 = arith.constant 3 : i32
      %dma_start3A_106 = arith.constant 0 : i32
      %dma_start3A_107 = arith.constant 0 : i32
      %dma_start3A_108 = arith.constant 0 : i32
      %dma_start3A_109 = tpu.memref_slice %arg8[%dma_start3A_106, %dma_start3A_107, %dma_start3A_108] : memref<3x80x128xf32, #tpu.memory_space<vmem>> -> memref<1x80x128xf32, #tpu.memory_space<vmem>>
      %dma_start3A_110 = tpu.memref_squeeze %dma_start3A_109 : memref<1x80x128xf32, #tpu.memory_space<vmem>> -> memref<80x128xf32, #tpu.memory_space<vmem>>
      %dma_start3A_111 = arith.constant 0 : i32
      %dma_start3A_112 = tpu.memref_slice %arg6[%dma_start3A_105, %dma_start3A_111] : memref<25x80xi32, #tpu.memory_space<vmem>> -> memref<1x80xi32, #tpu.memory_space<vmem>>
      %dma_start3A_113 = tpu.memref_squeeze %dma_start3A_112 : memref<1x80xi32, #tpu.memory_space<vmem>> -> memref<80xi32, #tpu.memory_space<vmem>>
      %dma_start3A_114 = arith.constant 0 : i32
      %dma_start3A_115 = arith.constant 0 : i32
      %dma_start3A_116 = tpu.memref_slice %arg2[%dma_start3A_114, %dma_start3A_115] : memref<10000x128xf32, #tpu.memory_space<hbm>> -> memref<10000x128xf32, #tpu.memory_space<hbm>>
      tpu.enqueue_indirect_dma source(%dma_start3A_116 : memref<10000x128xf32, #tpu.memory_space<hbm>>) target(%dma_start3A_110 : memref<80x128xf32, #tpu.memory_space<vmem>>) offsets(%dma_start3A_113 : memref<80xi32, #tpu.memory_space<vmem>>) semaphore(%arg10 : memref<!tpu.dma_semaphore, #tpu.memory_space<semaphore_mem>>)
      %dma_wait3A_117 = arith.constant 1 : i32
      %dma_wait3A_118 = arith.constant 1 : i32
      %dma_wait3A_119 = arith.constant 0 : i32
      %dma_wait3A_120 = arith.constant 0 : i32
      %dma_wait3A_121 = tpu.memref_slice %arg8[%dma_wait3A_118, %dma_wait3A_119, %dma_wait3A_120] : memref<3x80x128xf32, #tpu.memory_space<vmem>> -> memref<1x80x128xf32, #tpu.memory_space<vmem>>
      %dma_wait3A_122 = tpu.memref_squeeze %dma_wait3A_121 : memref<1x80x128xf32, #tpu.memory_space<vmem>> -> memref<80x128xf32, #tpu.memory_space<vmem>>
      %dma_wait3A_123 = arith.constant 0 : i32
      %dma_wait3A_124 = tpu.memref_slice %arg6[%dma_wait3A_117, %dma_wait3A_123] : memref<25x80xi32, #tpu.memory_space<vmem>> -> memref<1x80xi32, #tpu.memory_space<vmem>>
      %dma_wait3A_125 = tpu.memref_squeeze %dma_wait3A_124 : memref<1x80xi32, #tpu.memory_space<vmem>> -> memref<80xi32, #tpu.memory_space<vmem>>
      %dma_wait3A_126 = arith.constant 0 : i32
      %dma_wait3A_127 = arith.constant 0 : i32
      %dma_wait3A_128 = tpu.memref_slice %arg2[%dma_wait3A_126, %dma_wait3A_127] : memref<10000x128xf32, #tpu.memory_space<hbm>> -> memref<10000x128xf32, #tpu.memory_space<hbm>>
      tpu.wait_indirect_dma semaphore(%arg10 : memref<!tpu.dma_semaphore, #tpu.memory_space<semaphore_mem>>) src(%dma_wait3A_128 : memref<10000x128xf32, #tpu.memory_space<hbm>>) dst(%dma_wait3A_122 : memref<80x128xf32, #tpu.memory_space<vmem>>)
      %run_scoped3A_129 = arith.constant 1 : i32
      %run_scoped3A_130 = arith.constant 1 : i32
      "tpu.region"() ({
        %run_scoped3A_705 = tpu.sem_alloc : memref<!tpu.dma_semaphore, #tpu.memory_space<semaphore_mem>>
        %dma_start3A_706 = arith.constant 0 : i32
        %dma_start3A_707 = arith.constant 0 : i32
        %dma_start3A_708 = tpu.memref_slice %arg8[%run_scoped3A_129, %dma_start3A_706, %dma_start3A_707] : memref<3x80x128xf32, #tpu.memory_space<vmem>> -> memref<1x80x128xf32, #tpu.memory_space<vmem>>
        %dma_start3A_709 = tpu.memref_squeeze %dma_start3A_708 : memref<1x80x128xf32, #tpu.memory_space<vmem>> -> memref<80x128xf32, #tpu.memory_space<vmem>>
        %dma_start3A_710 = arith.constant 0 : i32
        %dma_start3A_711 = tpu.memref_slice %arg7[%run_scoped3A_130, %dma_start3A_710] : memref<25x80xi32, #tpu.memory_space<vmem>> -> memref<1x80xi32, #tpu.memory_space<vmem>>
        %dma_start3A_712 = tpu.memref_squeeze %dma_start3A_711 : memref<1x80xi32, #tpu.memory_space<vmem>> -> memref<80xi32, #tpu.memory_space<vmem>>
        %dma_start3A_713 = arith.constant 0 : i32
        %dma_start3A_714 = arith.constant 0 : i32
        %dma_start3A_715 = tpu.memref_slice %arg9[%dma_start3A_713, %dma_start3A_714] : memref<10000x128xf32, #tpu.memory_space<vmem_shared>> -> memref<10000x128xf32, #tpu.memory_space<vmem_shared>>
        tpu.enqueue_indirect_dma source(%dma_start3A_709 : memref<80x128xf32, #tpu.memory_space<vmem>>) target(%dma_start3A_715 : memref<10000x128xf32, #tpu.memory_space<vmem_shared>>) offsets(%dma_start3A_712 : memref<80xi32, #tpu.memory_space<vmem>>) semaphore(%run_scoped3A_705 : memref<!tpu.dma_semaphore, #tpu.memory_space<semaphore_mem>>) {add = true}
        %dma_wait3A_716 = arith.constant 0 : i32
        %dma_wait3A_717 = arith.constant 0 : i32
        %dma_wait3A_718 = tpu.memref_slice %arg8[%run_scoped3A_129, %dma_wait3A_716, %dma_wait3A_717] : memref<3x80x128xf32, #tpu.memory_space<vmem>> -> memref<1x80x128xf32, #tpu.memory_space<vmem>>
        %dma_wait3A_719 = tpu.memref_squeeze %dma_wait3A_718 : memref<1x80x128xf32, #tpu.memory_space<vmem>> -> memref<80x128xf32, #tpu.memory_space<vmem>>
        %dma_wait3A_720 = arith.constant 0 : i32
        %dma_wait3A_721 = tpu.memref_slice %arg7[%run_scoped3A_130, %dma_wait3A_720] : memref<25x80xi32, #tpu.memory_space<vmem>> -> memref<1x80xi32, #tpu.memory_space<vmem>>
        %dma_wait3A_722 = tpu.memref_squeeze %dma_wait3A_721 : memref<1x80xi32, #tpu.memory_space<vmem>> -> memref<80xi32, #tpu.memory_space<vmem>>
        %dma_wait3A_723 = arith.constant 0 : i32
        %dma_wait3A_724 = arith.constant 0 : i32
        %dma_wait3A_725 = tpu.memref_slice %arg9[%dma_wait3A_723, %dma_wait3A_724] : memref<10000x128xf32, #tpu.memory_space<vmem_shared>> -> memref<10000x128xf32, #tpu.memory_space<vmem_shared>>
        tpu.wait_indirect_dma semaphore(%run_scoped3A_705 : memref<!tpu.dma_semaphore, #tpu.memory_space<semaphore_mem>>) src(%dma_wait3A_719 : memref<80x128xf32, #tpu.memory_space<vmem>>) dst(%dma_wait3A_725 : memref<10000x128xf32, #tpu.memory_space<vmem_shared>>)
        tpu.yield
      }) : () -> ()
      %dma_start3A_131 = arith.constant 4 : i32
      %dma_start3A_132 = arith.constant 1 : i32
      %dma_start3A_133 = arith.constant 0 : i32
      %dma_start3A_134 = arith.constant 0 : i32
      %dma_start3A_135 = tpu.memref_slice %arg8[%dma_start3A_132, %dma_start3A_133, %dma_start3A_134] : memref<3x80x128xf32, #tpu.memory_space<vmem>> -> memref<1x80x128xf32, #tpu.memory_space<vmem>>
      %dma_start3A_136 = tpu.memref_squeeze %dma_start3A_135 : memref<1x80x128xf32, #tpu.memory_space<vmem>> -> memref<80x128xf32, #tpu.memory_space<vmem>>
      %dma_start3A_137 = arith.constant 0 : i32
      %dma_start3A_138 = tpu.memref_slice %arg6[%dma_start3A_131, %dma_start3A_137] : memref<25x80xi32, #tpu.memory_space<vmem>> -> memref<1x80xi32, #tpu.memory_space<vmem>>
      %dma_start3A_139 = tpu.memref_squeeze %dma_start3A_138 : memref<1x80xi32, #tpu.memory_space<vmem>> -> memref<80xi32, #tpu.memory_space<vmem>>
      %dma_start3A_140 = arith.constant 0 : i32
      %dma_start3A_141 = arith.constant 0 : i32
      %dma_start3A_142 = tpu.memref_slice %arg2[%dma_start3A_140, %dma_start3A_141] : memref<10000x128xf32, #tpu.memory_space<hbm>> -> memref<10000x128xf32, #tpu.memory_space<hbm>>
      tpu.enqueue_indirect_dma source(%dma_start3A_142 : memref<10000x128xf32, #tpu.memory_space<hbm>>) target(%dma_start3A_136 : memref<80x128xf32, #tpu.memory_space<vmem>>) offsets(%dma_start3A_139 : memref<80xi32, #tpu.memory_space<vmem>>) semaphore(%arg10 : memref<!tpu.dma_semaphore, #tpu.memory_space<semaphore_mem>>)
      %dma_wait3A_143 = arith.constant 2 : i32
      %dma_wait3A_144 = arith.constant 2 : i32
      %dma_wait3A_145 = arith.constant 0 : i32
      %dma_wait3A_146 = arith.constant 0 : i32
      %dma_wait3A_147 = tpu.memref_slice %arg8[%dma_wait3A_144, %dma_wait3A_145, %dma_wait3A_146] : memref<3x80x128xf32, #tpu.memory_space<vmem>> -> memref<1x80x128xf32, #tpu.memory_space<vmem>>
      %dma_wait3A_148 = tpu.memref_squeeze %dma_wait3A_147 : memref<1x80x128xf32, #tpu.memory_space<vmem>> -> memref<80x128xf32, #tpu.memory_space<vmem>>
      %dma_wait3A_149 = arith.constant 0 : i32
      %dma_wait3A_150 = tpu.memref_slice %arg6[%dma_wait3A_143, %dma_wait3A_149] : memref<25x80xi32, #tpu.memory_space<vmem>> -> memref<1x80xi32, #tpu.memory_space<vmem>>
      %dma_wait3A_151 = tpu.memref_squeeze %dma_wait3A_150 : memref<1x80xi32, #tpu.memory_space<vmem>> -> memref<80xi32, #tpu.memory_space<vmem>>
      %dma_wait3A_152 = arith.constant 0 : i32
      %dma_wait3A_153 = arith.constant 0 : i32
      %dma_wait3A_154 = tpu.memref_slice %arg2[%dma_wait3A_152, %dma_wait3A_153] : memref<10000x128xf32, #tpu.memory_space<hbm>> -> memref<10000x128xf32, #tpu.memory_space<hbm>>
      tpu.wait_indirect_dma semaphore(%arg10 : memref<!tpu.dma_semaphore, #tpu.memory_space<semaphore_mem>>) src(%dma_wait3A_154 : memref<10000x128xf32, #tpu.memory_space<hbm>>) dst(%dma_wait3A_148 : memref<80x128xf32, #tpu.memory_space<vmem>>)
      %run_scoped3A_155 = arith.constant 2 : i32
      %run_scoped3A_156 = arith.constant 2 : i32
      "tpu.region"() ({
        %run_scoped3A_705 = tpu.sem_alloc : memref<!tpu.dma_semaphore, #tpu.memory_space<semaphore_mem>>
        %dma_start3A_706 = arith.constant 0 : i32
        %dma_start3A_707 = arith.constant 0 : i32
        %dma_start3A_708 = tpu.memref_slice %arg8[%run_scoped3A_155, %dma_start3A_706, %dma_start3A_707] : memref<3x80x128xf32, #tpu.memory_space<vmem>> -> memref<1x80x128xf32, #tpu.memory_space<vmem>>
        %dma_start3A_709 = tpu.memref_squeeze %dma_start3A_708 : memref<1x80x128xf32, #tpu.memory_space<vmem>> -> memref<80x128xf32, #tpu.memory_space<vmem>>
        %dma_start3A_710 = arith.constant 0 : i32
        %dma_start3A_711 = tpu.memref_slice %arg7[%run_scoped3A_156, %dma_start3A_710] : memref<25x80xi32, #tpu.memory_space<vmem>> -> memref<1x80xi32, #tpu.memory_space<vmem>>
        %dma_start3A_712 = tpu.memref_squeeze %dma_start3A_711 : memref<1x80xi32, #tpu.memory_space<vmem>> -> memref<80xi32, #tpu.memory_space<vmem>>
        %dma_start3A_713 = arith.constant 0 : i32
        %dma_start3A_714 = arith.constant 0 : i32
        %dma_start3A_715 = tpu.memref_slice %arg9[%dma_start3A_713, %dma_start3A_714] : memref<10000x128xf32, #tpu.memory_space<vmem_shared>> -> memref<10000x128xf32, #tpu.memory_space<vmem_shared>>
        tpu.enqueue_indirect_dma source(%dma_start3A_709 : memref<80x128xf32, #tpu.memory_space<vmem>>) target(%dma_start3A_715 : memref<10000x128xf32, #tpu.memory_space<vmem_shared>>) offsets(%dma_start3A_712 : memref<80xi32, #tpu.memory_space<vmem>>) semaphore(%run_scoped3A_705 : memref<!tpu.dma_semaphore, #tpu.memory_space<semaphore_mem>>) {add = true}
        %dma_wait3A_716 = arith.constant 0 : i32
        %dma_wait3A_717 = arith.constant 0 : i32
        %dma_wait3A_718 = tpu.memref_slice %arg8[%run_scoped3A_155, %dma_wait3A_716, %dma_wait3A_717] : memref<3x80x128xf32, #tpu.memory_space<vmem>> -> memref<1x80x128xf32, #tpu.memory_space<vmem>>
        %dma_wait3A_719 = tpu.memref_squeeze %dma_wait3A_718 : memref<1x80x128xf32, #tpu.memory_space<vmem>> -> memref<80x128xf32, #tpu.memory_space<vmem>>
        %dma_wait3A_720 = arith.constant 0 : i32
        %dma_wait3A_721 = tpu.memref_slice %arg7[%run_scoped3A_156, %dma_wait3A_720] : memref<25x80xi32, #tpu.memory_space<vmem>> -> memref<1x80xi32, #tpu.memory_space<vmem>>
        %dma_wait3A_722 = tpu.memref_squeeze %dma_wait3A_721 : memref<1x80xi32, #tpu.memory_space<vmem>> -> memref<80xi32, #tpu.memory_space<vmem>>
        %dma_wait3A_723 = arith.constant 0 : i32
        %dma_wait3A_724 = arith.constant 0 : i32
        %dma_wait3A_725 = tpu.memref_slice %arg9[%dma_wait3A_723, %dma_wait3A_724] : memref<10000x128xf32, #tpu.memory_space<vmem_shared>> -> memref<10000x128xf32, #tpu.memory_space<vmem_shared>>
        tpu.wait_indirect_dma semaphore(%run_scoped3A_705 : memref<!tpu.dma_semaphore, #tpu.memory_space<semaphore_mem>>) src(%dma_wait3A_719 : memref<80x128xf32, #tpu.memory_space<vmem>>) dst(%dma_wait3A_725 : memref<10000x128xf32, #tpu.memory_space<vmem_shared>>)
        tpu.yield
      }) : () -> ()
      %dma_start3A_157 = arith.constant 5 : i32
      %dma_start3A_158 = arith.constant 2 : i32
      %dma_start3A_159 = arith.constant 0 : i32
      %dma_start3A_160 = arith.constant 0 : i32
      %dma_start3A_161 = tpu.memref_slice %arg8[%dma_start3A_158, %dma_start3A_159, %dma_start3A_160] : memref<3x80x128xf32, #tpu.memory_space<vmem>> -> memref<1x80x128xf32, #tpu.memory_space<vmem>>
      %dma_start3A_162 = tpu.memref_squeeze %dma_start3A_161 : memref<1x80x128xf32, #tpu.memory_space<vmem>> -> memref<80x128xf32, #tpu.memory_space<vmem>>
      %dma_start3A_163 = arith.constant 0 : i32
      %dma_start3A_164 = tpu.memref_slice %arg6[%dma_start3A_157, %dma_start3A_163] : memref<25x80xi32, #tpu.memory_space<vmem>> -> memref<1x80xi32, #tpu.memory_space<vmem>>
      %dma_start3A_165 = tpu.memref_squeeze %dma_start3A_164 : memref<1x80xi32, #tpu.memory_space<vmem>> -> memref<80xi32, #tpu.memory_space<vmem>>
      %dma_start3A_166 = arith.constant 0 : i32
      %dma_start3A_167 = arith.constant 0 : i32
      %dma_start3A_168 = tpu.memref_slice %arg2[%dma_start3A_166, %dma_start3A_167] : memref<10000x128xf32, #tpu.memory_space<hbm>> -> memref<10000x128xf32, #tpu.memory_space<hbm>>
      tpu.enqueue_indirect_dma source(%dma_start3A_168 : memref<10000x128xf32, #tpu.memory_space<hbm>>) target(%dma_start3A_162 : memref<80x128xf32, #tpu.memory_space<vmem>>) offsets(%dma_start3A_165 : memref<80xi32, #tpu.memory_space<vmem>>) semaphore(%arg10 : memref<!tpu.dma_semaphore, #tpu.memory_space<semaphore_mem>>)
      %dma_wait3A_169 = arith.constant 3 : i32
      %dma_wait3A_170 = arith.constant 0 : i32
      %dma_wait3A_171 = arith.constant 0 : i32
      %dma_wait3A_172 = arith.constant 0 : i32
      %dma_wait3A_173 = tpu.memref_slice %arg8[%dma_wait3A_170, %dma_wait3A_171, %dma_wait3A_172] : memref<3x80x128xf32, #tpu.memory_space<vmem>> -> memref<1x80x128xf32, #tpu.memory_space<vmem>>
      %dma_wait3A_174 = tpu.memref_squeeze %dma_wait3A_173 : memref<1x80x128xf32, #tpu.memory_space<vmem>> -> memref<80x128xf32, #tpu.memory_space<vmem>>
      %dma_wait3A_175 = arith.constant 0 : i32
      %dma_wait3A_176 = tpu.memref_slice %arg6[%dma_wait3A_169, %dma_wait3A_175] : memref<25x80xi32, #tpu.memory_space<vmem>> -> memref<1x80xi32, #tpu.memory_space<vmem>>
      %dma_wait3A_177 = tpu.memref_squeeze %dma_wait3A_176 : memref<1x80xi32, #tpu.memory_space<vmem>> -> memref<80xi32, #tpu.memory_space<vmem>>
      %dma_wait3A_178 = arith.constant 0 : i32
      %dma_wait3A_179 = arith.constant 0 : i32
      %dma_wait3A_180 = tpu.memref_slice %arg2[%dma_wait3A_178, %dma_wait3A_179] : memref<10000x128xf32, #tpu.memory_space<hbm>> -> memref<10000x128xf32, #tpu.memory_space<hbm>>
      tpu.wait_indirect_dma semaphore(%arg10 : memref<!tpu.dma_semaphore, #tpu.memory_space<semaphore_mem>>) src(%dma_wait3A_180 : memref<10000x128xf32, #tpu.memory_space<hbm>>) dst(%dma_wait3A_174 : memref<80x128xf32, #tpu.memory_space<vmem>>)
      %run_scoped3A_181 = arith.constant 0 : i32
      %run_scoped3A_182 = arith.constant 3 : i32
      "tpu.region"() ({
        %run_scoped3A_705 = tpu.sem_alloc : memref<!tpu.dma_semaphore, #tpu.memory_space<semaphore_mem>>
        %dma_start3A_706 = arith.constant 0 : i32
        %dma_start3A_707 = arith.constant 0 : i32
        %dma_start3A_708 = tpu.memref_slice %arg8[%run_scoped3A_181, %dma_start3A_706, %dma_start3A_707] : memref<3x80x128xf32, #tpu.memory_space<vmem>> -> memref<1x80x128xf32, #tpu.memory_space<vmem>>
        %dma_start3A_709 = tpu.memref_squeeze %dma_start3A_708 : memref<1x80x128xf32, #tpu.memory_space<vmem>> -> memref<80x128xf32, #tpu.memory_space<vmem>>
        %dma_start3A_710 = arith.constant 0 : i32
        %dma_start3A_711 = tpu.memref_slice %arg7[%run_scoped3A_182, %dma_start3A_710] : memref<25x80xi32, #tpu.memory_space<vmem>> -> memref<1x80xi32, #tpu.memory_space<vmem>>
        %dma_start3A_712 = tpu.memref_squeeze %dma_start3A_711 : memref<1x80xi32, #tpu.memory_space<vmem>> -> memref<80xi32, #tpu.memory_space<vmem>>
        %dma_start3A_713 = arith.constant 0 : i32
        %dma_start3A_714 = arith.constant 0 : i32
        %dma_start3A_715 = tpu.memref_slice %arg9[%dma_start3A_713, %dma_start3A_714] : memref<10000x128xf32, #tpu.memory_space<vmem_shared>> -> memref<10000x128xf32, #tpu.memory_space<vmem_shared>>
        tpu.enqueue_indirect_dma source(%dma_start3A_709 : memref<80x128xf32, #tpu.memory_space<vmem>>) target(%dma_start3A_715 : memref<10000x128xf32, #tpu.memory_space<vmem_shared>>) offsets(%dma_start3A_712 : memref<80xi32, #tpu.memory_space<vmem>>) semaphore(%run_scoped3A_705 : memref<!tpu.dma_semaphore, #tpu.memory_space<semaphore_mem>>) {add = true}
        %dma_wait3A_716 = arith.constant 0 : i32
        %dma_wait3A_717 = arith.constant 0 : i32
        %dma_wait3A_718 = tpu.memref_slice %arg8[%run_scoped3A_181, %dma_wait3A_716, %dma_wait3A_717] : memref<3x80x128xf32, #tpu.memory_space<vmem>> -> memref<1x80x128xf32, #tpu.memory_space<vmem>>
        %dma_wait3A_719 = tpu.memref_squeeze %dma_wait3A_718 : memref<1x80x128xf32, #tpu.memory_space<vmem>> -> memref<80x128xf32, #tpu.memory_space<vmem>>
        %dma_wait3A_720 = arith.constant 0 : i32
        %dma_wait3A_721 = tpu.memref_slice %arg7[%run_scoped3A_182, %dma_wait3A_720] : memref<25x80xi32, #tpu.memory_space<vmem>> -> memref<1x80xi32, #tpu.memory_space<vmem>>
        %dma_wait3A_722 = tpu.memref_squeeze %dma_wait3A_721 : memref<1x80xi32, #tpu.memory_space<vmem>> -> memref<80xi32, #tpu.memory_space<vmem>>
        %dma_wait3A_723 = arith.constant 0 : i32
        %dma_wait3A_724 = arith.constant 0 : i32
        %dma_wait3A_725 = tpu.memref_slice %arg9[%dma_wait3A_723, %dma_wait3A_724] : memref<10000x128xf32, #tpu.memory_space<vmem_shared>> -> memref<10000x128xf32, #tpu.memory_space<vmem_shared>>
        tpu.wait_indirect_dma semaphore(%run_scoped3A_705 : memref<!tpu.dma_semaphore, #tpu.memory_space<semaphore_mem>>) src(%dma_wait3A_719 : memref<80x128xf32, #tpu.memory_space<vmem>>) dst(%dma_wait3A_725 : memref<10000x128xf32, #tpu.memory_space<vmem_shared>>)
        tpu.yield
      }) : () -> ()
      %dma_start3A_183 = arith.constant 6 : i32
      %dma_start3A_184 = arith.constant 0 : i32
      %dma_start3A_185 = arith.constant 0 : i32
      %dma_start3A_186 = arith.constant 0 : i32
      %dma_start3A_187 = tpu.memref_slice %arg8[%dma_start3A_184, %dma_start3A_185, %dma_start3A_186] : memref<3x80x128xf32, #tpu.memory_space<vmem>> -> memref<1x80x128xf32, #tpu.memory_space<vmem>>
      %dma_start3A_188 = tpu.memref_squeeze %dma_start3A_187 : memref<1x80x128xf32, #tpu.memory_space<vmem>> -> memref<80x128xf32, #tpu.memory_space<vmem>>
      %dma_start3A_189 = arith.constant 0 : i32
      %dma_start3A_190 = tpu.memref_slice %arg6[%dma_start3A_183, %dma_start3A_189] : memref<25x80xi32, #tpu.memory_space<vmem>> -> memref<1x80xi32, #tpu.memory_space<vmem>>
      %dma_start3A_191 = tpu.memref_squeeze %dma_start3A_190 : memref<1x80xi32, #tpu.memory_space<vmem>> -> memref<80xi32, #tpu.memory_space<vmem>>
      %dma_start3A_192 = arith.constant 0 : i32
      %dma_start3A_193 = arith.constant 0 : i32
      %dma_start3A_194 = tpu.memref_slice %arg2[%dma_start3A_192, %dma_start3A_193] : memref<10000x128xf32, #tpu.memory_space<hbm>> -> memref<10000x128xf32, #tpu.memory_space<hbm>>
      tpu.enqueue_indirect_dma source(%dma_start3A_194 : memref<10000x128xf32, #tpu.memory_space<hbm>>) target(%dma_start3A_188 : memref<80x128xf32, #tpu.memory_space<vmem>>) offsets(%dma_start3A_191 : memref<80xi32, #tpu.memory_space<vmem>>) semaphore(%arg10 : memref<!tpu.dma_semaphore, #tpu.memory_space<semaphore_mem>>)
      %dma_wait3A_195 = arith.constant 4 : i32
      %dma_wait3A_196 = arith.constant 1 : i32
      %dma_wait3A_197 = arith.constant 0 : i32
      %dma_wait3A_198 = arith.constant 0 : i32
      %dma_wait3A_199 = tpu.memref_slice %arg8[%dma_wait3A_196, %dma_wait3A_197, %dma_wait3A_198] : memref<3x80x128xf32, #tpu.memory_space<vmem>> -> memref<1x80x128xf32, #tpu.memory_space<vmem>>
      %dma_wait3A_200 = tpu.memref_squeeze %dma_wait3A_199 : memref<1x80x128xf32, #tpu.memory_space<vmem>> -> memref<80x128xf32, #tpu.memory_space<vmem>>
      %dma_wait3A_201 = arith.constant 0 : i32
      %dma_wait3A_202 = tpu.memref_slice %arg6[%dma_wait3A_195, %dma_wait3A_201] : memref<25x80xi32, #tpu.memory_space<vmem>> -> memref<1x80xi32, #tpu.memory_space<vmem>>
      %dma_wait3A_203 = tpu.memref_squeeze %dma_wait3A_202 : memref<1x80xi32, #tpu.memory_space<vmem>> -> memref<80xi32, #tpu.memory_space<vmem>>
      %dma_wait3A_204 = arith.constant 0 : i32
      %dma_wait3A_205 = arith.constant 0 : i32
      %dma_wait3A_206 = tpu.memref_slice %arg2[%dma_wait3A_204, %dma_wait3A_205] : memref<10000x128xf32, #tpu.memory_space<hbm>> -> memref<10000x128xf32, #tpu.memory_space<hbm>>
      tpu.wait_indirect_dma semaphore(%arg10 : memref<!tpu.dma_semaphore, #tpu.memory_space<semaphore_mem>>) src(%dma_wait3A_206 : memref<10000x128xf32, #tpu.memory_space<hbm>>) dst(%dma_wait3A_200 : memref<80x128xf32, #tpu.memory_space<vmem>>)
      %run_scoped3A_207 = arith.constant 1 : i32
      %run_scoped3A_208 = arith.constant 4 : i32
      "tpu.region"() ({
        %run_scoped3A_705 = tpu.sem_alloc : memref<!tpu.dma_semaphore, #tpu.memory_space<semaphore_mem>>
        %dma_start3A_706 = arith.constant 0 : i32
        %dma_start3A_707 = arith.constant 0 : i32
        %dma_start3A_708 = tpu.memref_slice %arg8[%run_scoped3A_207, %dma_start3A_706, %dma_start3A_707] : memref<3x80x128xf32, #tpu.memory_space<vmem>> -> memref<1x80x128xf32, #tpu.memory_space<vmem>>
        %dma_start3A_709 = tpu.memref_squeeze %dma_start3A_708 : memref<1x80x128xf32, #tpu.memory_space<vmem>> -> memref<80x128xf32, #tpu.memory_space<vmem>>
        %dma_start3A_710 = arith.constant 0 : i32
        %dma_start3A_711 = tpu.memref_slice %arg7[%run_scoped3A_208, %dma_start3A_710] : memref<25x80xi32, #tpu.memory_space<vmem>> -> memref<1x80xi32, #tpu.memory_space<vmem>>
        %dma_start3A_712 = tpu.memref_squeeze %dma_start3A_711 : memref<1x80xi32, #tpu.memory_space<vmem>> -> memref<80xi32, #tpu.memory_space<vmem>>
        %dma_start3A_713 = arith.constant 0 : i32
        %dma_start3A_714 = arith.constant 0 : i32
        %dma_start3A_715 = tpu.memref_slice %arg9[%dma_start3A_713, %dma_start3A_714] : memref<10000x128xf32, #tpu.memory_space<vmem_shared>> -> memref<10000x128xf32, #tpu.memory_space<vmem_shared>>
        tpu.enqueue_indirect_dma source(%dma_start3A_709 : memref<80x128xf32, #tpu.memory_space<vmem>>) target(%dma_start3A_715 : memref<10000x128xf32, #tpu.memory_space<vmem_shared>>) offsets(%dma_start3A_712 : memref<80xi32, #tpu.memory_space<vmem>>) semaphore(%run_scoped3A_705 : memref<!tpu.dma_semaphore, #tpu.memory_space<semaphore_mem>>) {add = true}
        %dma_wait3A_716 = arith.constant 0 : i32
        %dma_wait3A_717 = arith.constant 0 : i32
        %dma_wait3A_718 = tpu.memref_slice %arg8[%run_scoped3A_207, %dma_wait3A_716, %dma_wait3A_717] : memref<3x80x128xf32, #tpu.memory_space<vmem>> -> memref<1x80x128xf32, #tpu.memory_space<vmem>>
        %dma_wait3A_719 = tpu.memref_squeeze %dma_wait3A_718 : memref<1x80x128xf32, #tpu.memory_space<vmem>> -> memref<80x128xf32, #tpu.memory_space<vmem>>
        %dma_wait3A_720 = arith.constant 0 : i32
        %dma_wait3A_721 = tpu.memref_slice %arg7[%run_scoped3A_208, %dma_wait3A_720] : memref<25x80xi32, #tpu.memory_space<vmem>> -> memref<1x80xi32, #tpu.memory_space<vmem>>
        %dma_wait3A_722 = tpu.memref_squeeze %dma_wait3A_721 : memref<1x80xi32, #tpu.memory_space<vmem>> -> memref<80xi32, #tpu.memory_space<vmem>>
        %dma_wait3A_723 = arith.constant 0 : i32
        %dma_wait3A_724 = arith.constant 0 : i32
        %dma_wait3A_725 = tpu.memref_slice %arg9[%dma_wait3A_723, %dma_wait3A_724] : memref<10000x128xf32, #tpu.memory_space<vmem_shared>> -> memref<10000x128xf32, #tpu.memory_space<vmem_shared>>
        tpu.wait_indirect_dma semaphore(%run_scoped3A_705 : memref<!tpu.dma_semaphore, #tpu.memory_space<semaphore_mem>>) src(%dma_wait3A_719 : memref<80x128xf32, #tpu.memory_space<vmem>>) dst(%dma_wait3A_725 : memref<10000x128xf32, #tpu.memory_space<vmem_shared>>)
        tpu.yield
      }) : () -> ()
      %dma_start3A_209 = arith.constant 7 : i32
      %dma_start3A_210 = arith.constant 1 : i32
      %dma_start3A_211 = arith.constant 0 : i32
      %dma_start3A_212 = arith.constant 0 : i32
      %dma_start3A_213 = tpu.memref_slice %arg8[%dma_start3A_210, %dma_start3A_211, %dma_start3A_212] : memref<3x80x128xf32, #tpu.memory_space<vmem>> -> memref<1x80x128xf32, #tpu.memory_space<vmem>>
      %dma_start3A_214 = tpu.memref_squeeze %dma_start3A_213 : memref<1x80x128xf32, #tpu.memory_space<vmem>> -> memref<80x128xf32, #tpu.memory_space<vmem>>
      %dma_start3A_215 = arith.constant 0 : i32
      %dma_start3A_216 = tpu.memref_slice %arg6[%dma_start3A_209, %dma_start3A_215] : memref<25x80xi32, #tpu.memory_space<vmem>> -> memref<1x80xi32, #tpu.memory_space<vmem>>
      %dma_start3A_217 = tpu.memref_squeeze %dma_start3A_216 : memref<1x80xi32, #tpu.memory_space<vmem>> -> memref<80xi32, #tpu.memory_space<vmem>>
      %dma_start3A_218 = arith.constant 0 : i32
      %dma_start3A_219 = arith.constant 0 : i32
      %dma_start3A_220 = tpu.memref_slice %arg2[%dma_start3A_218, %dma_start3A_219] : memref<10000x128xf32, #tpu.memory_space<hbm>> -> memref<10000x128xf32, #tpu.memory_space<hbm>>
      tpu.enqueue_indirect_dma source(%dma_start3A_220 : memref<10000x128xf32, #tpu.memory_space<hbm>>) target(%dma_start3A_214 : memref<80x128xf32, #tpu.memory_space<vmem>>) offsets(%dma_start3A_217 : memref<80xi32, #tpu.memory_space<vmem>>) semaphore(%arg10 : memref<!tpu.dma_semaphore, #tpu.memory_space<semaphore_mem>>)
      %dma_wait3A_221 = arith.constant 5 : i32
      %dma_wait3A_222 = arith.constant 2 : i32
      %dma_wait3A_223 = arith.constant 0 : i32
      %dma_wait3A_224 = arith.constant 0 : i32
      %dma_wait3A_225 = tpu.memref_slice %arg8[%dma_wait3A_222, %dma_wait3A_223, %dma_wait3A_224] : memref<3x80x128xf32, #tpu.memory_space<vmem>> -> memref<1x80x128xf32, #tpu.memory_space<vmem>>
      %dma_wait3A_226 = tpu.memref_squeeze %dma_wait3A_225 : memref<1x80x128xf32, #tpu.memory_space<vmem>> -> memref<80x128xf32, #tpu.memory_space<vmem>>
      %dma_wait3A_227 = arith.constant 0 : i32
      %dma_wait3A_228 = tpu.memref_slice %arg6[%dma_wait3A_221, %dma_wait3A_227] : memref<25x80xi32, #tpu.memory_space<vmem>> -> memref<1x80xi32, #tpu.memory_space<vmem>>
      %dma_wait3A_229 = tpu.memref_squeeze %dma_wait3A_228 : memref<1x80xi32, #tpu.memory_space<vmem>> -> memref<80xi32, #tpu.memory_space<vmem>>
      %dma_wait3A_230 = arith.constant 0 : i32
      %dma_wait3A_231 = arith.constant 0 : i32
      %dma_wait3A_232 = tpu.memref_slice %arg2[%dma_wait3A_230, %dma_wait3A_231] : memref<10000x128xf32, #tpu.memory_space<hbm>> -> memref<10000x128xf32, #tpu.memory_space<hbm>>
      tpu.wait_indirect_dma semaphore(%arg10 : memref<!tpu.dma_semaphore, #tpu.memory_space<semaphore_mem>>) src(%dma_wait3A_232 : memref<10000x128xf32, #tpu.memory_space<hbm>>) dst(%dma_wait3A_226 : memref<80x128xf32, #tpu.memory_space<vmem>>)
      %run_scoped3A_233 = arith.constant 2 : i32
      %run_scoped3A_234 = arith.constant 5 : i32
      "tpu.region"() ({
        %run_scoped3A_705 = tpu.sem_alloc : memref<!tpu.dma_semaphore, #tpu.memory_space<semaphore_mem>>
        %dma_start3A_706 = arith.constant 0 : i32
        %dma_start3A_707 = arith.constant 0 : i32
        %dma_start3A_708 = tpu.memref_slice %arg8[%run_scoped3A_233, %dma_start3A_706, %dma_start3A_707] : memref<3x80x128xf32, #tpu.memory_space<vmem>> -> memref<1x80x128xf32, #tpu.memory_space<vmem>>
        %dma_start3A_709 = tpu.memref_squeeze %dma_start3A_708 : memref<1x80x128xf32, #tpu.memory_space<vmem>> -> memref<80x128xf32, #tpu.memory_space<vmem>>
        %dma_start3A_710 = arith.constant 0 : i32
        %dma_start3A_711 = tpu.memref_slice %arg7[%run_scoped3A_234, %dma_start3A_710] : memref<25x80xi32, #tpu.memory_space<vmem>> -> memref<1x80xi32, #tpu.memory_space<vmem>>
        %dma_start3A_712 = tpu.memref_squeeze %dma_start3A_711 : memref<1x80xi32, #tpu.memory_space<vmem>> -> memref<80xi32, #tpu.memory_space<vmem>>
        %dma_start3A_713 = arith.constant 0 : i32
        %dma_start3A_714 = arith.constant 0 : i32
        %dma_start3A_715 = tpu.memref_slice %arg9[%dma_start3A_713, %dma_start3A_714] : memref<10000x128xf32, #tpu.memory_space<vmem_shared>> -> memref<10000x128xf32, #tpu.memory_space<vmem_shared>>
        tpu.enqueue_indirect_dma source(%dma_start3A_709 : memref<80x128xf32, #tpu.memory_space<vmem>>) target(%dma_start3A_715 : memref<10000x128xf32, #tpu.memory_space<vmem_shared>>) offsets(%dma_start3A_712 : memref<80xi32, #tpu.memory_space<vmem>>) semaphore(%run_scoped3A_705 : memref<!tpu.dma_semaphore, #tpu.memory_space<semaphore_mem>>) {add = true}
        %dma_wait3A_716 = arith.constant 0 : i32
        %dma_wait3A_717 = arith.constant 0 : i32
        %dma_wait3A_718 = tpu.memref_slice %arg8[%run_scoped3A_233, %dma_wait3A_716, %dma_wait3A_717] : memref<3x80x128xf32, #tpu.memory_space<vmem>> -> memref<1x80x128xf32, #tpu.memory_space<vmem>>
        %dma_wait3A_719 = tpu.memref_squeeze %dma_wait3A_718 : memref<1x80x128xf32, #tpu.memory_space<vmem>> -> memref<80x128xf32, #tpu.memory_space<vmem>>
        %dma_wait3A_720 = arith.constant 0 : i32
        %dma_wait3A_721 = tpu.memref_slice %arg7[%run_scoped3A_234, %dma_wait3A_720] : memref<25x80xi32, #tpu.memory_space<vmem>> -> memref<1x80xi32, #tpu.memory_space<vmem>>
        %dma_wait3A_722 = tpu.memref_squeeze %dma_wait3A_721 : memref<1x80xi32, #tpu.memory_space<vmem>> -> memref<80xi32, #tpu.memory_space<vmem>>
        %dma_wait3A_723 = arith.constant 0 : i32
        %dma_wait3A_724 = arith.constant 0 : i32
        %dma_wait3A_725 = tpu.memref_slice %arg9[%dma_wait3A_723, %dma_wait3A_724] : memref<10000x128xf32, #tpu.memory_space<vmem_shared>> -> memref<10000x128xf32, #tpu.memory_space<vmem_shared>>
        tpu.wait_indirect_dma semaphore(%run_scoped3A_705 : memref<!tpu.dma_semaphore, #tpu.memory_space<semaphore_mem>>) src(%dma_wait3A_719 : memref<80x128xf32, #tpu.memory_space<vmem>>) dst(%dma_wait3A_725 : memref<10000x128xf32, #tpu.memory_space<vmem_shared>>)
        tpu.yield
      }) : () -> ()
      %dma_start3A_235 = arith.constant 8 : i32
      %dma_start3A_236 = arith.constant 2 : i32
      %dma_start3A_237 = arith.constant 0 : i32
      %dma_start3A_238 = arith.constant 0 : i32
      %dma_start3A_239 = tpu.memref_slice %arg8[%dma_start3A_236, %dma_start3A_237, %dma_start3A_238] : memref<3x80x128xf32, #tpu.memory_space<vmem>> -> memref<1x80x128xf32, #tpu.memory_space<vmem>>
      %dma_start3A_240 = tpu.memref_squeeze %dma_start3A_239 : memref<1x80x128xf32, #tpu.memory_space<vmem>> -> memref<80x128xf32, #tpu.memory_space<vmem>>
      %dma_start3A_241 = arith.constant 0 : i32
      %dma_start3A_242 = tpu.memref_slice %arg6[%dma_start3A_235, %dma_start3A_241] : memref<25x80xi32, #tpu.memory_space<vmem>> -> memref<1x80xi32, #tpu.memory_space<vmem>>
      %dma_start3A_243 = tpu.memref_squeeze %dma_start3A_242 : memref<1x80xi32, #tpu.memory_space<vmem>> -> memref<80xi32, #tpu.memory_space<vmem>>
      %dma_start3A_244 = arith.constant 0 : i32
      %dma_start3A_245 = arith.constant 0 : i32
      %dma_start3A_246 = tpu.memref_slice %arg2[%dma_start3A_244, %dma_start3A_245] : memref<10000x128xf32, #tpu.memory_space<hbm>> -> memref<10000x128xf32, #tpu.memory_space<hbm>>
      tpu.enqueue_indirect_dma source(%dma_start3A_246 : memref<10000x128xf32, #tpu.memory_space<hbm>>) target(%dma_start3A_240 : memref<80x128xf32, #tpu.memory_space<vmem>>) offsets(%dma_start3A_243 : memref<80xi32, #tpu.memory_space<vmem>>) semaphore(%arg10 : memref<!tpu.dma_semaphore, #tpu.memory_space<semaphore_mem>>)
      %dma_wait3A_247 = arith.constant 6 : i32
      %dma_wait3A_248 = arith.constant 0 : i32
      %dma_wait3A_249 = arith.constant 0 : i32
      %dma_wait3A_250 = arith.constant 0 : i32
      %dma_wait3A_251 = tpu.memref_slice %arg8[%dma_wait3A_248, %dma_wait3A_249, %dma_wait3A_250] : memref<3x80x128xf32, #tpu.memory_space<vmem>> -> memref<1x80x128xf32, #tpu.memory_space<vmem>>
      %dma_wait3A_252 = tpu.memref_squeeze %dma_wait3A_251 : memref<1x80x128xf32, #tpu.memory_space<vmem>> -> memref<80x128xf32, #tpu.memory_space<vmem>>
      %dma_wait3A_253 = arith.constant 0 : i32
      %dma_wait3A_254 = tpu.memref_slice %arg6[%dma_wait3A_247, %dma_wait3A_253] : memref<25x80xi32, #tpu.memory_space<vmem>> -> memref<1x80xi32, #tpu.memory_space<vmem>>
      %dma_wait3A_255 = tpu.memref_squeeze %dma_wait3A_254 : memref<1x80xi32, #tpu.memory_space<vmem>> -> memref<80xi32, #tpu.memory_space<vmem>>
      %dma_wait3A_256 = arith.constant 0 : i32
      %dma_wait3A_257 = arith.constant 0 : i32
      %dma_wait3A_258 = tpu.memref_slice %arg2[%dma_wait3A_256, %dma_wait3A_257] : memref<10000x128xf32, #tpu.memory_space<hbm>> -> memref<10000x128xf32, #tpu.memory_space<hbm>>
      tpu.wait_indirect_dma semaphore(%arg10 : memref<!tpu.dma_semaphore, #tpu.memory_space<semaphore_mem>>) src(%dma_wait3A_258 : memref<10000x128xf32, #tpu.memory_space<hbm>>) dst(%dma_wait3A_252 : memref<80x128xf32, #tpu.memory_space<vmem>>)
      %run_scoped3A_259 = arith.constant 0 : i32
      %run_scoped3A_260 = arith.constant 6 : i32
      "tpu.region"() ({
        %run_scoped3A_705 = tpu.sem_alloc : memref<!tpu.dma_semaphore, #tpu.memory_space<semaphore_mem>>
        %dma_start3A_706 = arith.constant 0 : i32
        %dma_start3A_707 = arith.constant 0 : i32
        %dma_start3A_708 = tpu.memref_slice %arg8[%run_scoped3A_259, %dma_start3A_706, %dma_start3A_707] : memref<3x80x128xf32, #tpu.memory_space<vmem>> -> memref<1x80x128xf32, #tpu.memory_space<vmem>>
        %dma_start3A_709 = tpu.memref_squeeze %dma_start3A_708 : memref<1x80x128xf32, #tpu.memory_space<vmem>> -> memref<80x128xf32, #tpu.memory_space<vmem>>
        %dma_start3A_710 = arith.constant 0 : i32
        %dma_start3A_711 = tpu.memref_slice %arg7[%run_scoped3A_260, %dma_start3A_710] : memref<25x80xi32, #tpu.memory_space<vmem>> -> memref<1x80xi32, #tpu.memory_space<vmem>>
        %dma_start3A_712 = tpu.memref_squeeze %dma_start3A_711 : memref<1x80xi32, #tpu.memory_space<vmem>> -> memref<80xi32, #tpu.memory_space<vmem>>
        %dma_start3A_713 = arith.constant 0 : i32
        %dma_start3A_714 = arith.constant 0 : i32
        %dma_start3A_715 = tpu.memref_slice %arg9[%dma_start3A_713, %dma_start3A_714] : memref<10000x128xf32, #tpu.memory_space<vmem_shared>> -> memref<10000x128xf32, #tpu.memory_space<vmem_shared>>
        tpu.enqueue_indirect_dma source(%dma_start3A_709 : memref<80x128xf32, #tpu.memory_space<vmem>>) target(%dma_start3A_715 : memref<10000x128xf32, #tpu.memory_space<vmem_shared>>) offsets(%dma_start3A_712 : memref<80xi32, #tpu.memory_space<vmem>>) semaphore(%run_scoped3A_705 : memref<!tpu.dma_semaphore, #tpu.memory_space<semaphore_mem>>) {add = true}
        %dma_wait3A_716 = arith.constant 0 : i32
        %dma_wait3A_717 = arith.constant 0 : i32
        %dma_wait3A_718 = tpu.memref_slice %arg8[%run_scoped3A_259, %dma_wait3A_716, %dma_wait3A_717] : memref<3x80x128xf32, #tpu.memory_space<vmem>> -> memref<1x80x128xf32, #tpu.memory_space<vmem>>
        %dma_wait3A_719 = tpu.memref_squeeze %dma_wait3A_718 : memref<1x80x128xf32, #tpu.memory_space<vmem>> -> memref<80x128xf32, #tpu.memory_space<vmem>>
        %dma_wait3A_720 = arith.constant 0 : i32
        %dma_wait3A_721 = tpu.memref_slice %arg7[%run_scoped3A_260, %dma_wait3A_720] : memref<25x80xi32, #tpu.memory_space<vmem>> -> memref<1x80xi32, #tpu.memory_space<vmem>>
        %dma_wait3A_722 = tpu.memref_squeeze %dma_wait3A_721 : memref<1x80xi32, #tpu.memory_space<vmem>> -> memref<80xi32, #tpu.memory_space<vmem>>
        %dma_wait3A_723 = arith.constant 0 : i32
        %dma_wait3A_724 = arith.constant 0 : i32
        %dma_wait3A_725 = tpu.memref_slice %arg9[%dma_wait3A_723, %dma_wait3A_724] : memref<10000x128xf32, #tpu.memory_space<vmem_shared>> -> memref<10000x128xf32, #tpu.memory_space<vmem_shared>>
        tpu.wait_indirect_dma semaphore(%run_scoped3A_705 : memref<!tpu.dma_semaphore, #tpu.memory_space<semaphore_mem>>) src(%dma_wait3A_719 : memref<80x128xf32, #tpu.memory_space<vmem>>) dst(%dma_wait3A_725 : memref<10000x128xf32, #tpu.memory_space<vmem_shared>>)
        tpu.yield
      }) : () -> ()
      %dma_start3A_261 = arith.constant 9 : i32
      %dma_start3A_262 = arith.constant 0 : i32
      %dma_start3A_263 = arith.constant 0 : i32
      %dma_start3A_264 = arith.constant 0 : i32
      %dma_start3A_265 = tpu.memref_slice %arg8[%dma_start3A_262, %dma_start3A_263, %dma_start3A_264] : memref<3x80x128xf32, #tpu.memory_space<vmem>> -> memref<1x80x128xf32, #tpu.memory_space<vmem>>
      %dma_start3A_266 = tpu.memref_squeeze %dma_start3A_265 : memref<1x80x128xf32, #tpu.memory_space<vmem>> -> memref<80x128xf32, #tpu.memory_space<vmem>>
      %dma_start3A_267 = arith.constant 0 : i32
      %dma_start3A_268 = tpu.memref_slice %arg6[%dma_start3A_261, %dma_start3A_267] : memref<25x80xi32, #tpu.memory_space<vmem>> -> memref<1x80xi32, #tpu.memory_space<vmem>>
      %dma_start3A_269 = tpu.memref_squeeze %dma_start3A_268 : memref<1x80xi32, #tpu.memory_space<vmem>> -> memref<80xi32, #tpu.memory_space<vmem>>
      %dma_start3A_270 = arith.constant 0 : i32
      %dma_start3A_271 = arith.constant 0 : i32
      %dma_start3A_272 = tpu.memref_slice %arg2[%dma_start3A_270, %dma_start3A_271] : memref<10000x128xf32, #tpu.memory_space<hbm>> -> memref<10000x128xf32, #tpu.memory_space<hbm>>
      tpu.enqueue_indirect_dma source(%dma_start3A_272 : memref<10000x128xf32, #tpu.memory_space<hbm>>) target(%dma_start3A_266 : memref<80x128xf32, #tpu.memory_space<vmem>>) offsets(%dma_start3A_269 : memref<80xi32, #tpu.memory_space<vmem>>) semaphore(%arg10 : memref<!tpu.dma_semaphore, #tpu.memory_space<semaphore_mem>>)
      %dma_wait3A_273 = arith.constant 7 : i32
      %dma_wait3A_274 = arith.constant 1 : i32
      %dma_wait3A_275 = arith.constant 0 : i32
      %dma_wait3A_276 = arith.constant 0 : i32
      %dma_wait3A_277 = tpu.memref_slice %arg8[%dma_wait3A_274, %dma_wait3A_275, %dma_wait3A_276] : memref<3x80x128xf32, #tpu.memory_space<vmem>> -> memref<1x80x128xf32, #tpu.memory_space<vmem>>
      %dma_wait3A_278 = tpu.memref_squeeze %dma_wait3A_277 : memref<1x80x128xf32, #tpu.memory_space<vmem>> -> memref<80x128xf32, #tpu.memory_space<vmem>>
      %dma_wait3A_279 = arith.constant 0 : i32
      %dma_wait3A_280 = tpu.memref_slice %arg6[%dma_wait3A_273, %dma_wait3A_279] : memref<25x80xi32, #tpu.memory_space<vmem>> -> memref<1x80xi32, #tpu.memory_space<vmem>>
      %dma_wait3A_281 = tpu.memref_squeeze %dma_wait3A_280 : memref<1x80xi32, #tpu.memory_space<vmem>> -> memref<80xi32, #tpu.memory_space<vmem>>
      %dma_wait3A_282 = arith.constant 0 : i32
      %dma_wait3A_283 = arith.constant 0 : i32
      %dma_wait3A_284 = tpu.memref_slice %arg2[%dma_wait3A_282, %dma_wait3A_283] : memref<10000x128xf32, #tpu.memory_space<hbm>> -> memref<10000x128xf32, #tpu.memory_space<hbm>>
      tpu.wait_indirect_dma semaphore(%arg10 : memref<!tpu.dma_semaphore, #tpu.memory_space<semaphore_mem>>) src(%dma_wait3A_284 : memref<10000x128xf32, #tpu.memory_space<hbm>>) dst(%dma_wait3A_278 : memref<80x128xf32, #tpu.memory_space<vmem>>)
      %run_scoped3A_285 = arith.constant 1 : i32
      %run_scoped3A_286 = arith.constant 7 : i32
      "tpu.region"() ({
        %run_scoped3A_705 = tpu.sem_alloc : memref<!tpu.dma_semaphore, #tpu.memory_space<semaphore_mem>>
        %dma_start3A_706 = arith.constant 0 : i32
        %dma_start3A_707 = arith.constant 0 : i32
        %dma_start3A_708 = tpu.memref_slice %arg8[%run_scoped3A_285, %dma_start3A_706, %dma_start3A_707] : memref<3x80x128xf32, #tpu.memory_space<vmem>> -> memref<1x80x128xf32, #tpu.memory_space<vmem>>
        %dma_start3A_709 = tpu.memref_squeeze %dma_start3A_708 : memref<1x80x128xf32, #tpu.memory_space<vmem>> -> memref<80x128xf32, #tpu.memory_space<vmem>>
        %dma_start3A_710 = arith.constant 0 : i32
        %dma_start3A_711 = tpu.memref_slice %arg7[%run_scoped3A_286, %dma_start3A_710] : memref<25x80xi32, #tpu.memory_space<vmem>> -> memref<1x80xi32, #tpu.memory_space<vmem>>
        %dma_start3A_712 = tpu.memref_squeeze %dma_start3A_711 : memref<1x80xi32, #tpu.memory_space<vmem>> -> memref<80xi32, #tpu.memory_space<vmem>>
        %dma_start3A_713 = arith.constant 0 : i32
        %dma_start3A_714 = arith.constant 0 : i32
        %dma_start3A_715 = tpu.memref_slice %arg9[%dma_start3A_713, %dma_start3A_714] : memref<10000x128xf32, #tpu.memory_space<vmem_shared>> -> memref<10000x128xf32, #tpu.memory_space<vmem_shared>>
        tpu.enqueue_indirect_dma source(%dma_start3A_709 : memref<80x128xf32, #tpu.memory_space<vmem>>) target(%dma_start3A_715 : memref<10000x128xf32, #tpu.memory_space<vmem_shared>>) offsets(%dma_start3A_712 : memref<80xi32, #tpu.memory_space<vmem>>) semaphore(%run_scoped3A_705 : memref<!tpu.dma_semaphore, #tpu.memory_space<semaphore_mem>>) {add = true}
        %dma_wait3A_716 = arith.constant 0 : i32
        %dma_wait3A_717 = arith.constant 0 : i32
        %dma_wait3A_718 = tpu.memref_slice %arg8[%run_scoped3A_285, %dma_wait3A_716, %dma_wait3A_717] : memref<3x80x128xf32, #tpu.memory_space<vmem>> -> memref<1x80x128xf32, #tpu.memory_space<vmem>>
        %dma_wait3A_719 = tpu.memref_squeeze %dma_wait3A_718 : memref<1x80x128xf32, #tpu.memory_space<vmem>> -> memref<80x128xf32, #tpu.memory_space<vmem>>
        %dma_wait3A_720 = arith.constant 0 : i32
        %dma_wait3A_721 = tpu.memref_slice %arg7[%run_scoped3A_286, %dma_wait3A_720] : memref<25x80xi32, #tpu.memory_space<vmem>> -> memref<1x80xi32, #tpu.memory_space<vmem>>
        %dma_wait3A_722 = tpu.memref_squeeze %dma_wait3A_721 : memref<1x80xi32, #tpu.memory_space<vmem>> -> memref<80xi32, #tpu.memory_space<vmem>>
        %dma_wait3A_723 = arith.constant 0 : i32
        %dma_wait3A_724 = arith.constant 0 : i32
        %dma_wait3A_725 = tpu.memref_slice %arg9[%dma_wait3A_723, %dma_wait3A_724] : memref<10000x128xf32, #tpu.memory_space<vmem_shared>> -> memref<10000x128xf32, #tpu.memory_space<vmem_shared>>
        tpu.wait_indirect_dma semaphore(%run_scoped3A_705 : memref<!tpu.dma_semaphore, #tpu.memory_space<semaphore_mem>>) src(%dma_wait3A_719 : memref<80x128xf32, #tpu.memory_space<vmem>>) dst(%dma_wait3A_725 : memref<10000x128xf32, #tpu.memory_space<vmem_shared>>)
        tpu.yield
      }) : () -> ()
      %dma_start3A_287 = arith.constant 10 : i32
      %dma_start3A_288 = arith.constant 1 : i32
      %dma_start3A_289 = arith.constant 0 : i32
      %dma_start3A_290 = arith.constant 0 : i32
      %dma_start3A_291 = tpu.memref_slice %arg8[%dma_start3A_288, %dma_start3A_289, %dma_start3A_290] : memref<3x80x128xf32, #tpu.memory_space<vmem>> -> memref<1x80x128xf32, #tpu.memory_space<vmem>>
      %dma_start3A_292 = tpu.memref_squeeze %dma_start3A_291 : memref<1x80x128xf32, #tpu.memory_space<vmem>> -> memref<80x128xf32, #tpu.memory_space<vmem>>
      %dma_start3A_293 = arith.constant 0 : i32
      %dma_start3A_294 = tpu.memref_slice %arg6[%dma_start3A_287, %dma_start3A_293] : memref<25x80xi32, #tpu.memory_space<vmem>> -> memref<1x80xi32, #tpu.memory_space<vmem>>
      %dma_start3A_295 = tpu.memref_squeeze %dma_start3A_294 : memref<1x80xi32, #tpu.memory_space<vmem>> -> memref<80xi32, #tpu.memory_space<vmem>>
      %dma_start3A_296 = arith.constant 0 : i32
      %dma_start3A_297 = arith.constant 0 : i32
      %dma_start3A_298 = tpu.memref_slice %arg2[%dma_start3A_296, %dma_start3A_297] : memref<10000x128xf32, #tpu.memory_space<hbm>> -> memref<10000x128xf32, #tpu.memory_space<hbm>>
      tpu.enqueue_indirect_dma source(%dma_start3A_298 : memref<10000x128xf32, #tpu.memory_space<hbm>>) target(%dma_start3A_292 : memref<80x128xf32, #tpu.memory_space<vmem>>) offsets(%dma_start3A_295 : memref<80xi32, #tpu.memory_space<vmem>>) semaphore(%arg10 : memref<!tpu.dma_semaphore, #tpu.memory_space<semaphore_mem>>)
      %dma_wait3A_299 = arith.constant 8 : i32
      %dma_wait3A_300 = arith.constant 2 : i32
      %dma_wait3A_301 = arith.constant 0 : i32
      %dma_wait3A_302 = arith.constant 0 : i32
      %dma_wait3A_303 = tpu.memref_slice %arg8[%dma_wait3A_300, %dma_wait3A_301, %dma_wait3A_302] : memref<3x80x128xf32, #tpu.memory_space<vmem>> -> memref<1x80x128xf32, #tpu.memory_space<vmem>>
      %dma_wait3A_304 = tpu.memref_squeeze %dma_wait3A_303 : memref<1x80x128xf32, #tpu.memory_space<vmem>> -> memref<80x128xf32, #tpu.memory_space<vmem>>
      %dma_wait3A_305 = arith.constant 0 : i32
      %dma_wait3A_306 = tpu.memref_slice %arg6[%dma_wait3A_299, %dma_wait3A_305] : memref<25x80xi32, #tpu.memory_space<vmem>> -> memref<1x80xi32, #tpu.memory_space<vmem>>
      %dma_wait3A_307 = tpu.memref_squeeze %dma_wait3A_306 : memref<1x80xi32, #tpu.memory_space<vmem>> -> memref<80xi32, #tpu.memory_space<vmem>>
      %dma_wait3A_308 = arith.constant 0 : i32
      %dma_wait3A_309 = arith.constant 0 : i32
      %dma_wait3A_310 = tpu.memref_slice %arg2[%dma_wait3A_308, %dma_wait3A_309] : memref<10000x128xf32, #tpu.memory_space<hbm>> -> memref<10000x128xf32, #tpu.memory_space<hbm>>
      tpu.wait_indirect_dma semaphore(%arg10 : memref<!tpu.dma_semaphore, #tpu.memory_space<semaphore_mem>>) src(%dma_wait3A_310 : memref<10000x128xf32, #tpu.memory_space<hbm>>) dst(%dma_wait3A_304 : memref<80x128xf32, #tpu.memory_space<vmem>>)
      %run_scoped3A_311 = arith.constant 2 : i32
      %run_scoped3A_312 = arith.constant 8 : i32
      "tpu.region"() ({
        %run_scoped3A_705 = tpu.sem_alloc : memref<!tpu.dma_semaphore, #tpu.memory_space<semaphore_mem>>
        %dma_start3A_706 = arith.constant 0 : i32
        %dma_start3A_707 = arith.constant 0 : i32
        %dma_start3A_708 = tpu.memref_slice %arg8[%run_scoped3A_311, %dma_start3A_706, %dma_start3A_707] : memref<3x80x128xf32, #tpu.memory_space<vmem>> -> memref<1x80x128xf32, #tpu.memory_space<vmem>>
        %dma_start3A_709 = tpu.memref_squeeze %dma_start3A_708 : memref<1x80x128xf32, #tpu.memory_space<vmem>> -> memref<80x128xf32, #tpu.memory_space<vmem>>
        %dma_start3A_710 = arith.constant 0 : i32
        %dma_start3A_711 = tpu.memref_slice %arg7[%run_scoped3A_312, %dma_start3A_710] : memref<25x80xi32, #tpu.memory_space<vmem>> -> memref<1x80xi32, #tpu.memory_space<vmem>>
        %dma_start3A_712 = tpu.memref_squeeze %dma_start3A_711 : memref<1x80xi32, #tpu.memory_space<vmem>> -> memref<80xi32, #tpu.memory_space<vmem>>
        %dma_start3A_713 = arith.constant 0 : i32
        %dma_start3A_714 = arith.constant 0 : i32
        %dma_start3A_715 = tpu.memref_slice %arg9[%dma_start3A_713, %dma_start3A_714] : memref<10000x128xf32, #tpu.memory_space<vmem_shared>> -> memref<10000x128xf32, #tpu.memory_space<vmem_shared>>
        tpu.enqueue_indirect_dma source(%dma_start3A_709 : memref<80x128xf32, #tpu.memory_space<vmem>>) target(%dma_start3A_715 : memref<10000x128xf32, #tpu.memory_space<vmem_shared>>) offsets(%dma_start3A_712 : memref<80xi32, #tpu.memory_space<vmem>>) semaphore(%run_scoped3A_705 : memref<!tpu.dma_semaphore, #tpu.memory_space<semaphore_mem>>) {add = true}
        %dma_wait3A_716 = arith.constant 0 : i32
        %dma_wait3A_717 = arith.constant 0 : i32
        %dma_wait3A_718 = tpu.memref_slice %arg8[%run_scoped3A_311, %dma_wait3A_716, %dma_wait3A_717] : memref<3x80x128xf32, #tpu.memory_space<vmem>> -> memref<1x80x128xf32, #tpu.memory_space<vmem>>
        %dma_wait3A_719 = tpu.memref_squeeze %dma_wait3A_718 : memref<1x80x128xf32, #tpu.memory_space<vmem>> -> memref<80x128xf32, #tpu.memory_space<vmem>>
        %dma_wait3A_720 = arith.constant 0 : i32
        %dma_wait3A_721 = tpu.memref_slice %arg7[%run_scoped3A_312, %dma_wait3A_720] : memref<25x80xi32, #tpu.memory_space<vmem>> -> memref<1x80xi32, #tpu.memory_space<vmem>>
        %dma_wait3A_722 = tpu.memref_squeeze %dma_wait3A_721 : memref<1x80xi32, #tpu.memory_space<vmem>> -> memref<80xi32, #tpu.memory_space<vmem>>
        %dma_wait3A_723 = arith.constant 0 : i32
        %dma_wait3A_724 = arith.constant 0 : i32
        %dma_wait3A_725 = tpu.memref_slice %arg9[%dma_wait3A_723, %dma_wait3A_724] : memref<10000x128xf32, #tpu.memory_space<vmem_shared>> -> memref<10000x128xf32, #tpu.memory_space<vmem_shared>>
        tpu.wait_indirect_dma semaphore(%run_scoped3A_705 : memref<!tpu.dma_semaphore, #tpu.memory_space<semaphore_mem>>) src(%dma_wait3A_719 : memref<80x128xf32, #tpu.memory_space<vmem>>) dst(%dma_wait3A_725 : memref<10000x128xf32, #tpu.memory_space<vmem_shared>>)
        tpu.yield
      }) : () -> ()
      %dma_start3A_313 = arith.constant 11 : i32
      %dma_start3A_314 = arith.constant 2 : i32
      %dma_start3A_315 = arith.constant 0 : i32
      %dma_start3A_316 = arith.constant 0 : i32
      %dma_start3A_317 = tpu.memref_slice %arg8[%dma_start3A_314, %dma_start3A_315, %dma_start3A_316] : memref<3x80x128xf32, #tpu.memory_space<vmem>> -> memref<1x80x128xf32, #tpu.memory_space<vmem>>
      %dma_start3A_318 = tpu.memref_squeeze %dma_start3A_317 : memref<1x80x128xf32, #tpu.memory_space<vmem>> -> memref<80x128xf32, #tpu.memory_space<vmem>>
      %dma_start3A_319 = arith.constant 0 : i32
      %dma_start3A_320 = tpu.memref_slice %arg6[%dma_start3A_313, %dma_start3A_319] : memref<25x80xi32, #tpu.memory_space<vmem>> -> memref<1x80xi32, #tpu.memory_space<vmem>>
      %dma_start3A_321 = tpu.memref_squeeze %dma_start3A_320 : memref<1x80xi32, #tpu.memory_space<vmem>> -> memref<80xi32, #tpu.memory_space<vmem>>
      %dma_start3A_322 = arith.constant 0 : i32
      %dma_start3A_323 = arith.constant 0 : i32
      %dma_start3A_324 = tpu.memref_slice %arg2[%dma_start3A_322, %dma_start3A_323] : memref<10000x128xf32, #tpu.memory_space<hbm>> -> memref<10000x128xf32, #tpu.memory_space<hbm>>
      tpu.enqueue_indirect_dma source(%dma_start3A_324 : memref<10000x128xf32, #tpu.memory_space<hbm>>) target(%dma_start3A_318 : memref<80x128xf32, #tpu.memory_space<vmem>>) offsets(%dma_start3A_321 : memref<80xi32, #tpu.memory_space<vmem>>) semaphore(%arg10 : memref<!tpu.dma_semaphore, #tpu.memory_space<semaphore_mem>>)
      %dma_wait3A_325 = arith.constant 9 : i32
      %dma_wait3A_326 = arith.constant 0 : i32
      %dma_wait3A_327 = arith.constant 0 : i32
      %dma_wait3A_328 = arith.constant 0 : i32
      %dma_wait3A_329 = tpu.memref_slice %arg8[%dma_wait3A_326, %dma_wait3A_327, %dma_wait3A_328] : memref<3x80x128xf32, #tpu.memory_space<vmem>> -> memref<1x80x128xf32, #tpu.memory_space<vmem>>
      %dma_wait3A_330 = tpu.memref_squeeze %dma_wait3A_329 : memref<1x80x128xf32, #tpu.memory_space<vmem>> -> memref<80x128xf32, #tpu.memory_space<vmem>>
      %dma_wait3A_331 = arith.constant 0 : i32
      %dma_wait3A_332 = tpu.memref_slice %arg6[%dma_wait3A_325, %dma_wait3A_331] : memref<25x80xi32, #tpu.memory_space<vmem>> -> memref<1x80xi32, #tpu.memory_space<vmem>>
      %dma_wait3A_333 = tpu.memref_squeeze %dma_wait3A_332 : memref<1x80xi32, #tpu.memory_space<vmem>> -> memref<80xi32, #tpu.memory_space<vmem>>
      %dma_wait3A_334 = arith.constant 0 : i32
      %dma_wait3A_335 = arith.constant 0 : i32
      %dma_wait3A_336 = tpu.memref_slice %arg2[%dma_wait3A_334, %dma_wait3A_335] : memref<10000x128xf32, #tpu.memory_space<hbm>> -> memref<10000x128xf32, #tpu.memory_space<hbm>>
      tpu.wait_indirect_dma semaphore(%arg10 : memref<!tpu.dma_semaphore, #tpu.memory_space<semaphore_mem>>) src(%dma_wait3A_336 : memref<10000x128xf32, #tpu.memory_space<hbm>>) dst(%dma_wait3A_330 : memref<80x128xf32, #tpu.memory_space<vmem>>)
      %run_scoped3A_337 = arith.constant 0 : i32
      %run_scoped3A_338 = arith.constant 9 : i32
      "tpu.region"() ({
        %run_scoped3A_705 = tpu.sem_alloc : memref<!tpu.dma_semaphore, #tpu.memory_space<semaphore_mem>>
        %dma_start3A_706 = arith.constant 0 : i32
        %dma_start3A_707 = arith.constant 0 : i32
        %dma_start3A_708 = tpu.memref_slice %arg8[%run_scoped3A_337, %dma_start3A_706, %dma_start3A_707] : memref<3x80x128xf32, #tpu.memory_space<vmem>> -> memref<1x80x128xf32, #tpu.memory_space<vmem>>
        %dma_start3A_709 = tpu.memref_squeeze %dma_start3A_708 : memref<1x80x128xf32, #tpu.memory_space<vmem>> -> memref<80x128xf32, #tpu.memory_space<vmem>>
        %dma_start3A_710 = arith.constant 0 : i32
        %dma_start3A_711 = tpu.memref_slice %arg7[%run_scoped3A_338, %dma_start3A_710] : memref<25x80xi32, #tpu.memory_space<vmem>> -> memref<1x80xi32, #tpu.memory_space<vmem>>
        %dma_start3A_712 = tpu.memref_squeeze %dma_start3A_711 : memref<1x80xi32, #tpu.memory_space<vmem>> -> memref<80xi32, #tpu.memory_space<vmem>>
        %dma_start3A_713 = arith.constant 0 : i32
        %dma_start3A_714 = arith.constant 0 : i32
        %dma_start3A_715 = tpu.memref_slice %arg9[%dma_start3A_713, %dma_start3A_714] : memref<10000x128xf32, #tpu.memory_space<vmem_shared>> -> memref<10000x128xf32, #tpu.memory_space<vmem_shared>>
        tpu.enqueue_indirect_dma source(%dma_start3A_709 : memref<80x128xf32, #tpu.memory_space<vmem>>) target(%dma_start3A_715 : memref<10000x128xf32, #tpu.memory_space<vmem_shared>>) offsets(%dma_start3A_712 : memref<80xi32, #tpu.memory_space<vmem>>) semaphore(%run_scoped3A_705 : memref<!tpu.dma_semaphore, #tpu.memory_space<semaphore_mem>>) {add = true}
        %dma_wait3A_716 = arith.constant 0 : i32
        %dma_wait3A_717 = arith.constant 0 : i32
        %dma_wait3A_718 = tpu.memref_slice %arg8[%run_scoped3A_337, %dma_wait3A_716, %dma_wait3A_717] : memref<3x80x128xf32, #tpu.memory_space<vmem>> -> memref<1x80x128xf32, #tpu.memory_space<vmem>>
        %dma_wait3A_719 = tpu.memref_squeeze %dma_wait3A_718 : memref<1x80x128xf32, #tpu.memory_space<vmem>> -> memref<80x128xf32, #tpu.memory_space<vmem>>
        %dma_wait3A_720 = arith.constant 0 : i32
        %dma_wait3A_721 = tpu.memref_slice %arg7[%run_scoped3A_338, %dma_wait3A_720] : memref<25x80xi32, #tpu.memory_space<vmem>> -> memref<1x80xi32, #tpu.memory_space<vmem>>
        %dma_wait3A_722 = tpu.memref_squeeze %dma_wait3A_721 : memref<1x80xi32, #tpu.memory_space<vmem>> -> memref<80xi32, #tpu.memory_space<vmem>>
        %dma_wait3A_723 = arith.constant 0 : i32
        %dma_wait3A_724 = arith.constant 0 : i32
        %dma_wait3A_725 = tpu.memref_slice %arg9[%dma_wait3A_723, %dma_wait3A_724] : memref<10000x128xf32, #tpu.memory_space<vmem_shared>> -> memref<10000x128xf32, #tpu.memory_space<vmem_shared>>
        tpu.wait_indirect_dma semaphore(%run_scoped3A_705 : memref<!tpu.dma_semaphore, #tpu.memory_space<semaphore_mem>>) src(%dma_wait3A_719 : memref<80x128xf32, #tpu.memory_space<vmem>>) dst(%dma_wait3A_725 : memref<10000x128xf32, #tpu.memory_space<vmem_shared>>)
        tpu.yield
      }) : () -> ()
      %dma_start3A_339 = arith.constant 12 : i32
      %dma_start3A_340 = arith.constant 0 : i32
      %dma_start3A_341 = arith.constant 0 : i32
      %dma_start3A_342 = arith.constant 0 : i32
      %dma_start3A_343 = tpu.memref_slice %arg8[%dma_start3A_340, %dma_start3A_341, %dma_start3A_342] : memref<3x80x128xf32, #tpu.memory_space<vmem>> -> memref<1x80x128xf32, #tpu.memory_space<vmem>>
      %dma_start3A_344 = tpu.memref_squeeze %dma_start3A_343 : memref<1x80x128xf32, #tpu.memory_space<vmem>> -> memref<80x128xf32, #tpu.memory_space<vmem>>
      %dma_start3A_345 = arith.constant 0 : i32
      %dma_start3A_346 = tpu.memref_slice %arg6[%dma_start3A_339, %dma_start3A_345] : memref<25x80xi32, #tpu.memory_space<vmem>> -> memref<1x80xi32, #tpu.memory_space<vmem>>
      %dma_start3A_347 = tpu.memref_squeeze %dma_start3A_346 : memref<1x80xi32, #tpu.memory_space<vmem>> -> memref<80xi32, #tpu.memory_space<vmem>>
      %dma_start3A_348 = arith.constant 0 : i32
      %dma_start3A_349 = arith.constant 0 : i32
      %dma_start3A_350 = tpu.memref_slice %arg2[%dma_start3A_348, %dma_start3A_349] : memref<10000x128xf32, #tpu.memory_space<hbm>> -> memref<10000x128xf32, #tpu.memory_space<hbm>>
      tpu.enqueue_indirect_dma source(%dma_start3A_350 : memref<10000x128xf32, #tpu.memory_space<hbm>>) target(%dma_start3A_344 : memref<80x128xf32, #tpu.memory_space<vmem>>) offsets(%dma_start3A_347 : memref<80xi32, #tpu.memory_space<vmem>>) semaphore(%arg10 : memref<!tpu.dma_semaphore, #tpu.memory_space<semaphore_mem>>)
      %dma_wait3A_351 = arith.constant 10 : i32
      %dma_wait3A_352 = arith.constant 1 : i32
      %dma_wait3A_353 = arith.constant 0 : i32
      %dma_wait3A_354 = arith.constant 0 : i32
      %dma_wait3A_355 = tpu.memref_slice %arg8[%dma_wait3A_352, %dma_wait3A_353, %dma_wait3A_354] : memref<3x80x128xf32, #tpu.memory_space<vmem>> -> memref<1x80x128xf32, #tpu.memory_space<vmem>>
      %dma_wait3A_356 = tpu.memref_squeeze %dma_wait3A_355 : memref<1x80x128xf32, #tpu.memory_space<vmem>> -> memref<80x128xf32, #tpu.memory_space<vmem>>
      %dma_wait3A_357 = arith.constant 0 : i32
      %dma_wait3A_358 = tpu.memref_slice %arg6[%dma_wait3A_351, %dma_wait3A_357] : memref<25x80xi32, #tpu.memory_space<vmem>> -> memref<1x80xi32, #tpu.memory_space<vmem>>
      %dma_wait3A_359 = tpu.memref_squeeze %dma_wait3A_358 : memref<1x80xi32, #tpu.memory_space<vmem>> -> memref<80xi32, #tpu.memory_space<vmem>>
      %dma_wait3A_360 = arith.constant 0 : i32
      %dma_wait3A_361 = arith.constant 0 : i32
      %dma_wait3A_362 = tpu.memref_slice %arg2[%dma_wait3A_360, %dma_wait3A_361] : memref<10000x128xf32, #tpu.memory_space<hbm>> -> memref<10000x128xf32, #tpu.memory_space<hbm>>
      tpu.wait_indirect_dma semaphore(%arg10 : memref<!tpu.dma_semaphore, #tpu.memory_space<semaphore_mem>>) src(%dma_wait3A_362 : memref<10000x128xf32, #tpu.memory_space<hbm>>) dst(%dma_wait3A_356 : memref<80x128xf32, #tpu.memory_space<vmem>>)
      %run_scoped3A_363 = arith.constant 1 : i32
      %run_scoped3A_364 = arith.constant 10 : i32
      "tpu.region"() ({
        %run_scoped3A_705 = tpu.sem_alloc : memref<!tpu.dma_semaphore, #tpu.memory_space<semaphore_mem>>
        %dma_start3A_706 = arith.constant 0 : i32
        %dma_start3A_707 = arith.constant 0 : i32
        %dma_start3A_708 = tpu.memref_slice %arg8[%run_scoped3A_363, %dma_start3A_706, %dma_start3A_707] : memref<3x80x128xf32, #tpu.memory_space<vmem>> -> memref<1x80x128xf32, #tpu.memory_space<vmem>>
        %dma_start3A_709 = tpu.memref_squeeze %dma_start3A_708 : memref<1x80x128xf32, #tpu.memory_space<vmem>> -> memref<80x128xf32, #tpu.memory_space<vmem>>
        %dma_start3A_710 = arith.constant 0 : i32
        %dma_start3A_711 = tpu.memref_slice %arg7[%run_scoped3A_364, %dma_start3A_710] : memref<25x80xi32, #tpu.memory_space<vmem>> -> memref<1x80xi32, #tpu.memory_space<vmem>>
        %dma_start3A_712 = tpu.memref_squeeze %dma_start3A_711 : memref<1x80xi32, #tpu.memory_space<vmem>> -> memref<80xi32, #tpu.memory_space<vmem>>
        %dma_start3A_713 = arith.constant 0 : i32
        %dma_start3A_714 = arith.constant 0 : i32
        %dma_start3A_715 = tpu.memref_slice %arg9[%dma_start3A_713, %dma_start3A_714] : memref<10000x128xf32, #tpu.memory_space<vmem_shared>> -> memref<10000x128xf32, #tpu.memory_space<vmem_shared>>
        tpu.enqueue_indirect_dma source(%dma_start3A_709 : memref<80x128xf32, #tpu.memory_space<vmem>>) target(%dma_start3A_715 : memref<10000x128xf32, #tpu.memory_space<vmem_shared>>) offsets(%dma_start3A_712 : memref<80xi32, #tpu.memory_space<vmem>>) semaphore(%run_scoped3A_705 : memref<!tpu.dma_semaphore, #tpu.memory_space<semaphore_mem>>) {add = true}
        %dma_wait3A_716 = arith.constant 0 : i32
        %dma_wait3A_717 = arith.constant 0 : i32
        %dma_wait3A_718 = tpu.memref_slice %arg8[%run_scoped3A_363, %dma_wait3A_716, %dma_wait3A_717] : memref<3x80x128xf32, #tpu.memory_space<vmem>> -> memref<1x80x128xf32, #tpu.memory_space<vmem>>
        %dma_wait3A_719 = tpu.memref_squeeze %dma_wait3A_718 : memref<1x80x128xf32, #tpu.memory_space<vmem>> -> memref<80x128xf32, #tpu.memory_space<vmem>>
        %dma_wait3A_720 = arith.constant 0 : i32
        %dma_wait3A_721 = tpu.memref_slice %arg7[%run_scoped3A_364, %dma_wait3A_720] : memref<25x80xi32, #tpu.memory_space<vmem>> -> memref<1x80xi32, #tpu.memory_space<vmem>>
        %dma_wait3A_722 = tpu.memref_squeeze %dma_wait3A_721 : memref<1x80xi32, #tpu.memory_space<vmem>> -> memref<80xi32, #tpu.memory_space<vmem>>
        %dma_wait3A_723 = arith.constant 0 : i32
        %dma_wait3A_724 = arith.constant 0 : i32
        %dma_wait3A_725 = tpu.memref_slice %arg9[%dma_wait3A_723, %dma_wait3A_724] : memref<10000x128xf32, #tpu.memory_space<vmem_shared>> -> memref<10000x128xf32, #tpu.memory_space<vmem_shared>>
        tpu.wait_indirect_dma semaphore(%run_scoped3A_705 : memref<!tpu.dma_semaphore, #tpu.memory_space<semaphore_mem>>) src(%dma_wait3A_719 : memref<80x128xf32, #tpu.memory_space<vmem>>) dst(%dma_wait3A_725 : memref<10000x128xf32, #tpu.memory_space<vmem_shared>>)
        tpu.yield
      }) : () -> ()
      %dma_start3A_365 = arith.constant 13 : i32
      %dma_start3A_366 = arith.constant 1 : i32
      %dma_start3A_367 = arith.constant 0 : i32
      %dma_start3A_368 = arith.constant 0 : i32
      %dma_start3A_369 = tpu.memref_slice %arg8[%dma_start3A_366, %dma_start3A_367, %dma_start3A_368] : memref<3x80x128xf32, #tpu.memory_space<vmem>> -> memref<1x80x128xf32, #tpu.memory_space<vmem>>
      %dma_start3A_370 = tpu.memref_squeeze %dma_start3A_369 : memref<1x80x128xf32, #tpu.memory_space<vmem>> -> memref<80x128xf32, #tpu.memory_space<vmem>>
      %dma_start3A_371 = arith.constant 0 : i32
      %dma_start3A_372 = tpu.memref_slice %arg6[%dma_start3A_365, %dma_start3A_371] : memref<25x80xi32, #tpu.memory_space<vmem>> -> memref<1x80xi32, #tpu.memory_space<vmem>>
      %dma_start3A_373 = tpu.memref_squeeze %dma_start3A_372 : memref<1x80xi32, #tpu.memory_space<vmem>> -> memref<80xi32, #tpu.memory_space<vmem>>
      %dma_start3A_374 = arith.constant 0 : i32
      %dma_start3A_375 = arith.constant 0 : i32
      %dma_start3A_376 = tpu.memref_slice %arg2[%dma_start3A_374, %dma_start3A_375] : memref<10000x128xf32, #tpu.memory_space<hbm>> -> memref<10000x128xf32, #tpu.memory_space<hbm>>
      tpu.enqueue_indirect_dma source(%dma_start3A_376 : memref<10000x128xf32, #tpu.memory_space<hbm>>) target(%dma_start3A_370 : memref<80x128xf32, #tpu.memory_space<vmem>>) offsets(%dma_start3A_373 : memref<80xi32, #tpu.memory_space<vmem>>) semaphore(%arg10 : memref<!tpu.dma_semaphore, #tpu.memory_space<semaphore_mem>>)
      %dma_wait3A_377 = arith.constant 11 : i32
      %dma_wait3A_378 = arith.constant 2 : i32
      %dma_wait3A_379 = arith.constant 0 : i32
      %dma_wait3A_380 = arith.constant 0 : i32
      %dma_wait3A_381 = tpu.memref_slice %arg8[%dma_wait3A_378, %dma_wait3A_379, %dma_wait3A_380] : memref<3x80x128xf32, #tpu.memory_space<vmem>> -> memref<1x80x128xf32, #tpu.memory_space<vmem>>
      %dma_wait3A_382 = tpu.memref_squeeze %dma_wait3A_381 : memref<1x80x128xf32, #tpu.memory_space<vmem>> -> memref<80x128xf32, #tpu.memory_space<vmem>>
      %dma_wait3A_383 = arith.constant 0 : i32
      %dma_wait3A_384 = tpu.memref_slice %arg6[%dma_wait3A_377, %dma_wait3A_383] : memref<25x80xi32, #tpu.memory_space<vmem>> -> memref<1x80xi32, #tpu.memory_space<vmem>>
      %dma_wait3A_385 = tpu.memref_squeeze %dma_wait3A_384 : memref<1x80xi32, #tpu.memory_space<vmem>> -> memref<80xi32, #tpu.memory_space<vmem>>
      %dma_wait3A_386 = arith.constant 0 : i32
      %dma_wait3A_387 = arith.constant 0 : i32
      %dma_wait3A_388 = tpu.memref_slice %arg2[%dma_wait3A_386, %dma_wait3A_387] : memref<10000x128xf32, #tpu.memory_space<hbm>> -> memref<10000x128xf32, #tpu.memory_space<hbm>>
      tpu.wait_indirect_dma semaphore(%arg10 : memref<!tpu.dma_semaphore, #tpu.memory_space<semaphore_mem>>) src(%dma_wait3A_388 : memref<10000x128xf32, #tpu.memory_space<hbm>>) dst(%dma_wait3A_382 : memref<80x128xf32, #tpu.memory_space<vmem>>)
      %run_scoped3A_389 = arith.constant 2 : i32
      %run_scoped3A_390 = arith.constant 11 : i32
      "tpu.region"() ({
        %run_scoped3A_705 = tpu.sem_alloc : memref<!tpu.dma_semaphore, #tpu.memory_space<semaphore_mem>>
        %dma_start3A_706 = arith.constant 0 : i32
        %dma_start3A_707 = arith.constant 0 : i32
        %dma_start3A_708 = tpu.memref_slice %arg8[%run_scoped3A_389, %dma_start3A_706, %dma_start3A_707] : memref<3x80x128xf32, #tpu.memory_space<vmem>> -> memref<1x80x128xf32, #tpu.memory_space<vmem>>
        %dma_start3A_709 = tpu.memref_squeeze %dma_start3A_708 : memref<1x80x128xf32, #tpu.memory_space<vmem>> -> memref<80x128xf32, #tpu.memory_space<vmem>>
        %dma_start3A_710 = arith.constant 0 : i32
        %dma_start3A_711 = tpu.memref_slice %arg7[%run_scoped3A_390, %dma_start3A_710] : memref<25x80xi32, #tpu.memory_space<vmem>> -> memref<1x80xi32, #tpu.memory_space<vmem>>
        %dma_start3A_712 = tpu.memref_squeeze %dma_start3A_711 : memref<1x80xi32, #tpu.memory_space<vmem>> -> memref<80xi32, #tpu.memory_space<vmem>>
        %dma_start3A_713 = arith.constant 0 : i32
        %dma_start3A_714 = arith.constant 0 : i32
        %dma_start3A_715 = tpu.memref_slice %arg9[%dma_start3A_713, %dma_start3A_714] : memref<10000x128xf32, #tpu.memory_space<vmem_shared>> -> memref<10000x128xf32, #tpu.memory_space<vmem_shared>>
        tpu.enqueue_indirect_dma source(%dma_start3A_709 : memref<80x128xf32, #tpu.memory_space<vmem>>) target(%dma_start3A_715 : memref<10000x128xf32, #tpu.memory_space<vmem_shared>>) offsets(%dma_start3A_712 : memref<80xi32, #tpu.memory_space<vmem>>) semaphore(%run_scoped3A_705 : memref<!tpu.dma_semaphore, #tpu.memory_space<semaphore_mem>>) {add = true}
        %dma_wait3A_716 = arith.constant 0 : i32
        %dma_wait3A_717 = arith.constant 0 : i32
        %dma_wait3A_718 = tpu.memref_slice %arg8[%run_scoped3A_389, %dma_wait3A_716, %dma_wait3A_717] : memref<3x80x128xf32, #tpu.memory_space<vmem>> -> memref<1x80x128xf32, #tpu.memory_space<vmem>>
        %dma_wait3A_719 = tpu.memref_squeeze %dma_wait3A_718 : memref<1x80x128xf32, #tpu.memory_space<vmem>> -> memref<80x128xf32, #tpu.memory_space<vmem>>
        %dma_wait3A_720 = arith.constant 0 : i32
        %dma_wait3A_721 = tpu.memref_slice %arg7[%run_scoped3A_390, %dma_wait3A_720] : memref<25x80xi32, #tpu.memory_space<vmem>> -> memref<1x80xi32, #tpu.memory_space<vmem>>
        %dma_wait3A_722 = tpu.memref_squeeze %dma_wait3A_721 : memref<1x80xi32, #tpu.memory_space<vmem>> -> memref<80xi32, #tpu.memory_space<vmem>>
        %dma_wait3A_723 = arith.constant 0 : i32
        %dma_wait3A_724 = arith.constant 0 : i32
        %dma_wait3A_725 = tpu.memref_slice %arg9[%dma_wait3A_723, %dma_wait3A_724] : memref<10000x128xf32, #tpu.memory_space<vmem_shared>> -> memref<10000x128xf32, #tpu.memory_space<vmem_shared>>
        tpu.wait_indirect_dma semaphore(%run_scoped3A_705 : memref<!tpu.dma_semaphore, #tpu.memory_space<semaphore_mem>>) src(%dma_wait3A_719 : memref<80x128xf32, #tpu.memory_space<vmem>>) dst(%dma_wait3A_725 : memref<10000x128xf32, #tpu.memory_space<vmem_shared>>)
        tpu.yield
      }) : () -> ()
      %dma_start3A_391 = arith.constant 14 : i32
      %dma_start3A_392 = arith.constant 2 : i32
      %dma_start3A_393 = arith.constant 0 : i32
      %dma_start3A_394 = arith.constant 0 : i32
      %dma_start3A_395 = tpu.memref_slice %arg8[%dma_start3A_392, %dma_start3A_393, %dma_start3A_394] : memref<3x80x128xf32, #tpu.memory_space<vmem>> -> memref<1x80x128xf32, #tpu.memory_space<vmem>>
      %dma_start3A_396 = tpu.memref_squeeze %dma_start3A_395 : memref<1x80x128xf32, #tpu.memory_space<vmem>> -> memref<80x128xf32, #tpu.memory_space<vmem>>
      %dma_start3A_397 = arith.constant 0 : i32
      %dma_start3A_398 = tpu.memref_slice %arg6[%dma_start3A_391, %dma_start3A_397] : memref<25x80xi32, #tpu.memory_space<vmem>> -> memref<1x80xi32, #tpu.memory_space<vmem>>
      %dma_start3A_399 = tpu.memref_squeeze %dma_start3A_398 : memref<1x80xi32, #tpu.memory_space<vmem>> -> memref<80xi32, #tpu.memory_space<vmem>>
      %dma_start3A_400 = arith.constant 0 : i32
      %dma_start3A_401 = arith.constant 0 : i32
      %dma_start3A_402 = tpu.memref_slice %arg2[%dma_start3A_400, %dma_start3A_401] : memref<10000x128xf32, #tpu.memory_space<hbm>> -> memref<10000x128xf32, #tpu.memory_space<hbm>>
      tpu.enqueue_indirect_dma source(%dma_start3A_402 : memref<10000x128xf32, #tpu.memory_space<hbm>>) target(%dma_start3A_396 : memref<80x128xf32, #tpu.memory_space<vmem>>) offsets(%dma_start3A_399 : memref<80xi32, #tpu.memory_space<vmem>>) semaphore(%arg10 : memref<!tpu.dma_semaphore, #tpu.memory_space<semaphore_mem>>)
      %dma_wait3A_403 = arith.constant 12 : i32
      %dma_wait3A_404 = arith.constant 0 : i32
      %dma_wait3A_405 = arith.constant 0 : i32
      %dma_wait3A_406 = arith.constant 0 : i32
      %dma_wait3A_407 = tpu.memref_slice %arg8[%dma_wait3A_404, %dma_wait3A_405, %dma_wait3A_406] : memref<3x80x128xf32, #tpu.memory_space<vmem>> -> memref<1x80x128xf32, #tpu.memory_space<vmem>>
      %dma_wait3A_408 = tpu.memref_squeeze %dma_wait3A_407 : memref<1x80x128xf32, #tpu.memory_space<vmem>> -> memref<80x128xf32, #tpu.memory_space<vmem>>
      %dma_wait3A_409 = arith.constant 0 : i32
      %dma_wait3A_410 = tpu.memref_slice %arg6[%dma_wait3A_403, %dma_wait3A_409] : memref<25x80xi32, #tpu.memory_space<vmem>> -> memref<1x80xi32, #tpu.memory_space<vmem>>
      %dma_wait3A_411 = tpu.memref_squeeze %dma_wait3A_410 : memref<1x80xi32, #tpu.memory_space<vmem>> -> memref<80xi32, #tpu.memory_space<vmem>>
      %dma_wait3A_412 = arith.constant 0 : i32
      %dma_wait3A_413 = arith.constant 0 : i32
      %dma_wait3A_414 = tpu.memref_slice %arg2[%dma_wait3A_412, %dma_wait3A_413] : memref<10000x128xf32, #tpu.memory_space<hbm>> -> memref<10000x128xf32, #tpu.memory_space<hbm>>
      tpu.wait_indirect_dma semaphore(%arg10 : memref<!tpu.dma_semaphore, #tpu.memory_space<semaphore_mem>>) src(%dma_wait3A_414 : memref<10000x128xf32, #tpu.memory_space<hbm>>) dst(%dma_wait3A_408 : memref<80x128xf32, #tpu.memory_space<vmem>>)
      %run_scoped3A_415 = arith.constant 0 : i32
      %run_scoped3A_416 = arith.constant 12 : i32
      "tpu.region"() ({
        %run_scoped3A_705 = tpu.sem_alloc : memref<!tpu.dma_semaphore, #tpu.memory_space<semaphore_mem>>
        %dma_start3A_706 = arith.constant 0 : i32
        %dma_start3A_707 = arith.constant 0 : i32
        %dma_start3A_708 = tpu.memref_slice %arg8[%run_scoped3A_415, %dma_start3A_706, %dma_start3A_707] : memref<3x80x128xf32, #tpu.memory_space<vmem>> -> memref<1x80x128xf32, #tpu.memory_space<vmem>>
        %dma_start3A_709 = tpu.memref_squeeze %dma_start3A_708 : memref<1x80x128xf32, #tpu.memory_space<vmem>> -> memref<80x128xf32, #tpu.memory_space<vmem>>
        %dma_start3A_710 = arith.constant 0 : i32
        %dma_start3A_711 = tpu.memref_slice %arg7[%run_scoped3A_416, %dma_start3A_710] : memref<25x80xi32, #tpu.memory_space<vmem>> -> memref<1x80xi32, #tpu.memory_space<vmem>>
        %dma_start3A_712 = tpu.memref_squeeze %dma_start3A_711 : memref<1x80xi32, #tpu.memory_space<vmem>> -> memref<80xi32, #tpu.memory_space<vmem>>
        %dma_start3A_713 = arith.constant 0 : i32
        %dma_start3A_714 = arith.constant 0 : i32
        %dma_start3A_715 = tpu.memref_slice %arg9[%dma_start3A_713, %dma_start3A_714] : memref<10000x128xf32, #tpu.memory_space<vmem_shared>> -> memref<10000x128xf32, #tpu.memory_space<vmem_shared>>
        tpu.enqueue_indirect_dma source(%dma_start3A_709 : memref<80x128xf32, #tpu.memory_space<vmem>>) target(%dma_start3A_715 : memref<10000x128xf32, #tpu.memory_space<vmem_shared>>) offsets(%dma_start3A_712 : memref<80xi32, #tpu.memory_space<vmem>>) semaphore(%run_scoped3A_705 : memref<!tpu.dma_semaphore, #tpu.memory_space<semaphore_mem>>) {add = true}
        %dma_wait3A_716 = arith.constant 0 : i32
        %dma_wait3A_717 = arith.constant 0 : i32
        %dma_wait3A_718 = tpu.memref_slice %arg8[%run_scoped3A_415, %dma_wait3A_716, %dma_wait3A_717] : memref<3x80x128xf32, #tpu.memory_space<vmem>> -> memref<1x80x128xf32, #tpu.memory_space<vmem>>
        %dma_wait3A_719 = tpu.memref_squeeze %dma_wait3A_718 : memref<1x80x128xf32, #tpu.memory_space<vmem>> -> memref<80x128xf32, #tpu.memory_space<vmem>>
        %dma_wait3A_720 = arith.constant 0 : i32
        %dma_wait3A_721 = tpu.memref_slice %arg7[%run_scoped3A_416, %dma_wait3A_720] : memref<25x80xi32, #tpu.memory_space<vmem>> -> memref<1x80xi32, #tpu.memory_space<vmem>>
        %dma_wait3A_722 = tpu.memref_squeeze %dma_wait3A_721 : memref<1x80xi32, #tpu.memory_space<vmem>> -> memref<80xi32, #tpu.memory_space<vmem>>
        %dma_wait3A_723 = arith.constant 0 : i32
        %dma_wait3A_724 = arith.constant 0 : i32
        %dma_wait3A_725 = tpu.memref_slice %arg9[%dma_wait3A_723, %dma_wait3A_724] : memref<10000x128xf32, #tpu.memory_space<vmem_shared>> -> memref<10000x128xf32, #tpu.memory_space<vmem_shared>>
        tpu.wait_indirect_dma semaphore(%run_scoped3A_705 : memref<!tpu.dma_semaphore, #tpu.memory_space<semaphore_mem>>) src(%dma_wait3A_719 : memref<80x128xf32, #tpu.memory_space<vmem>>) dst(%dma_wait3A_725 : memref<10000x128xf32, #tpu.memory_space<vmem_shared>>)
        tpu.yield
      }) : () -> ()
      %dma_start3A_417 = arith.constant 15 : i32
      %dma_start3A_418 = arith.constant 0 : i32
      %dma_start3A_419 = arith.constant 0 : i32
      %dma_start3A_420 = arith.constant 0 : i32
      %dma_start3A_421 = tpu.memref_slice %arg8[%dma_start3A_418, %dma_start3A_419, %dma_start3A_420] : memref<3x80x128xf32, #tpu.memory_space<vmem>> -> memref<1x80x128xf32, #tpu.memory_space<vmem>>
      %dma_start3A_422 = tpu.memref_squeeze %dma_start3A_421 : memref<1x80x128xf32, #tpu.memory_space<vmem>> -> memref<80x128xf32, #tpu.memory_space<vmem>>
      %dma_start3A_423 = arith.constant 0 : i32
      %dma_start3A_424 = tpu.memref_slice %arg6[%dma_start3A_417, %dma_start3A_423] : memref<25x80xi32, #tpu.memory_space<vmem>> -> memref<1x80xi32, #tpu.memory_space<vmem>>
      %dma_start3A_425 = tpu.memref_squeeze %dma_start3A_424 : memref<1x80xi32, #tpu.memory_space<vmem>> -> memref<80xi32, #tpu.memory_space<vmem>>
      %dma_start3A_426 = arith.constant 0 : i32
      %dma_start3A_427 = arith.constant 0 : i32
      %dma_start3A_428 = tpu.memref_slice %arg2[%dma_start3A_426, %dma_start3A_427] : memref<10000x128xf32, #tpu.memory_space<hbm>> -> memref<10000x128xf32, #tpu.memory_space<hbm>>
      tpu.enqueue_indirect_dma source(%dma_start3A_428 : memref<10000x128xf32, #tpu.memory_space<hbm>>) target(%dma_start3A_422 : memref<80x128xf32, #tpu.memory_space<vmem>>) offsets(%dma_start3A_425 : memref<80xi32, #tpu.memory_space<vmem>>) semaphore(%arg10 : memref<!tpu.dma_semaphore, #tpu.memory_space<semaphore_mem>>)
      %dma_wait3A_429 = arith.constant 13 : i32
      %dma_wait3A_430 = arith.constant 1 : i32
      %dma_wait3A_431 = arith.constant 0 : i32
      %dma_wait3A_432 = arith.constant 0 : i32
      %dma_wait3A_433 = tpu.memref_slice %arg8[%dma_wait3A_430, %dma_wait3A_431, %dma_wait3A_432] : memref<3x80x128xf32, #tpu.memory_space<vmem>> -> memref<1x80x128xf32, #tpu.memory_space<vmem>>
      %dma_wait3A_434 = tpu.memref_squeeze %dma_wait3A_433 : memref<1x80x128xf32, #tpu.memory_space<vmem>> -> memref<80x128xf32, #tpu.memory_space<vmem>>
      %dma_wait3A_435 = arith.constant 0 : i32
      %dma_wait3A_436 = tpu.memref_slice %arg6[%dma_wait3A_429, %dma_wait3A_435] : memref<25x80xi32, #tpu.memory_space<vmem>> -> memref<1x80xi32, #tpu.memory_space<vmem>>
      %dma_wait3A_437 = tpu.memref_squeeze %dma_wait3A_436 : memref<1x80xi32, #tpu.memory_space<vmem>> -> memref<80xi32, #tpu.memory_space<vmem>>
      %dma_wait3A_438 = arith.constant 0 : i32
      %dma_wait3A_439 = arith.constant 0 : i32
      %dma_wait3A_440 = tpu.memref_slice %arg2[%dma_wait3A_438, %dma_wait3A_439] : memref<10000x128xf32, #tpu.memory_space<hbm>> -> memref<10000x128xf32, #tpu.memory_space<hbm>>
      tpu.wait_indirect_dma semaphore(%arg10 : memref<!tpu.dma_semaphore, #tpu.memory_space<semaphore_mem>>) src(%dma_wait3A_440 : memref<10000x128xf32, #tpu.memory_space<hbm>>) dst(%dma_wait3A_434 : memref<80x128xf32, #tpu.memory_space<vmem>>)
      %run_scoped3A_441 = arith.constant 1 : i32
      %run_scoped3A_442 = arith.constant 13 : i32
      "tpu.region"() ({
        %run_scoped3A_705 = tpu.sem_alloc : memref<!tpu.dma_semaphore, #tpu.memory_space<semaphore_mem>>
        %dma_start3A_706 = arith.constant 0 : i32
        %dma_start3A_707 = arith.constant 0 : i32
        %dma_start3A_708 = tpu.memref_slice %arg8[%run_scoped3A_441, %dma_start3A_706, %dma_start3A_707] : memref<3x80x128xf32, #tpu.memory_space<vmem>> -> memref<1x80x128xf32, #tpu.memory_space<vmem>>
        %dma_start3A_709 = tpu.memref_squeeze %dma_start3A_708 : memref<1x80x128xf32, #tpu.memory_space<vmem>> -> memref<80x128xf32, #tpu.memory_space<vmem>>
        %dma_start3A_710 = arith.constant 0 : i32
        %dma_start3A_711 = tpu.memref_slice %arg7[%run_scoped3A_442, %dma_start3A_710] : memref<25x80xi32, #tpu.memory_space<vmem>> -> memref<1x80xi32, #tpu.memory_space<vmem>>
        %dma_start3A_712 = tpu.memref_squeeze %dma_start3A_711 : memref<1x80xi32, #tpu.memory_space<vmem>> -> memref<80xi32, #tpu.memory_space<vmem>>
        %dma_start3A_713 = arith.constant 0 : i32
        %dma_start3A_714 = arith.constant 0 : i32
        %dma_start3A_715 = tpu.memref_slice %arg9[%dma_start3A_713, %dma_start3A_714] : memref<10000x128xf32, #tpu.memory_space<vmem_shared>> -> memref<10000x128xf32, #tpu.memory_space<vmem_shared>>
        tpu.enqueue_indirect_dma source(%dma_start3A_709 : memref<80x128xf32, #tpu.memory_space<vmem>>) target(%dma_start3A_715 : memref<10000x128xf32, #tpu.memory_space<vmem_shared>>) offsets(%dma_start3A_712 : memref<80xi32, #tpu.memory_space<vmem>>) semaphore(%run_scoped3A_705 : memref<!tpu.dma_semaphore, #tpu.memory_space<semaphore_mem>>) {add = true}
        %dma_wait3A_716 = arith.constant 0 : i32
        %dma_wait3A_717 = arith.constant 0 : i32
        %dma_wait3A_718 = tpu.memref_slice %arg8[%run_scoped3A_441, %dma_wait3A_716, %dma_wait3A_717] : memref<3x80x128xf32, #tpu.memory_space<vmem>> -> memref<1x80x128xf32, #tpu.memory_space<vmem>>
        %dma_wait3A_719 = tpu.memref_squeeze %dma_wait3A_718 : memref<1x80x128xf32, #tpu.memory_space<vmem>> -> memref<80x128xf32, #tpu.memory_space<vmem>>
        %dma_wait3A_720 = arith.constant 0 : i32
        %dma_wait3A_721 = tpu.memref_slice %arg7[%run_scoped3A_442, %dma_wait3A_720] : memref<25x80xi32, #tpu.memory_space<vmem>> -> memref<1x80xi32, #tpu.memory_space<vmem>>
        %dma_wait3A_722 = tpu.memref_squeeze %dma_wait3A_721 : memref<1x80xi32, #tpu.memory_space<vmem>> -> memref<80xi32, #tpu.memory_space<vmem>>
        %dma_wait3A_723 = arith.constant 0 : i32
        %dma_wait3A_724 = arith.constant 0 : i32
        %dma_wait3A_725 = tpu.memref_slice %arg9[%dma_wait3A_723, %dma_wait3A_724] : memref<10000x128xf32, #tpu.memory_space<vmem_shared>> -> memref<10000x128xf32, #tpu.memory_space<vmem_shared>>
        tpu.wait_indirect_dma semaphore(%run_scoped3A_705 : memref<!tpu.dma_semaphore, #tpu.memory_space<semaphore_mem>>) src(%dma_wait3A_719 : memref<80x128xf32, #tpu.memory_space<vmem>>) dst(%dma_wait3A_725 : memref<10000x128xf32, #tpu.memory_space<vmem_shared>>)
        tpu.yield
      }) : () -> ()
      %dma_start3A_443 = arith.constant 16 : i32
      %dma_start3A_444 = arith.constant 1 : i32
      %dma_start3A_445 = arith.constant 0 : i32
      %dma_start3A_446 = arith.constant 0 : i32
      %dma_start3A_447 = tpu.memref_slice %arg8[%dma_start3A_444, %dma_start3A_445, %dma_start3A_446] : memref<3x80x128xf32, #tpu.memory_space<vmem>> -> memref<1x80x128xf32, #tpu.memory_space<vmem>>
      %dma_start3A_448 = tpu.memref_squeeze %dma_start3A_447 : memref<1x80x128xf32, #tpu.memory_space<vmem>> -> memref<80x128xf32, #tpu.memory_space<vmem>>
      %dma_start3A_449 = arith.constant 0 : i32
      %dma_start3A_450 = tpu.memref_slice %arg6[%dma_start3A_443, %dma_start3A_449] : memref<25x80xi32, #tpu.memory_space<vmem>> -> memref<1x80xi32, #tpu.memory_space<vmem>>
      %dma_start3A_451 = tpu.memref_squeeze %dma_start3A_450 : memref<1x80xi32, #tpu.memory_space<vmem>> -> memref<80xi32, #tpu.memory_space<vmem>>
      %dma_start3A_452 = arith.constant 0 : i32
      %dma_start3A_453 = arith.constant 0 : i32
      %dma_start3A_454 = tpu.memref_slice %arg2[%dma_start3A_452, %dma_start3A_453] : memref<10000x128xf32, #tpu.memory_space<hbm>> -> memref<10000x128xf32, #tpu.memory_space<hbm>>
      tpu.enqueue_indirect_dma source(%dma_start3A_454 : memref<10000x128xf32, #tpu.memory_space<hbm>>) target(%dma_start3A_448 : memref<80x128xf32, #tpu.memory_space<vmem>>) offsets(%dma_start3A_451 : memref<80xi32, #tpu.memory_space<vmem>>) semaphore(%arg10 : memref<!tpu.dma_semaphore, #tpu.memory_space<semaphore_mem>>)
      %dma_wait3A_455 = arith.constant 14 : i32
      %dma_wait3A_456 = arith.constant 2 : i32
      %dma_wait3A_457 = arith.constant 0 : i32
      %dma_wait3A_458 = arith.constant 0 : i32
      %dma_wait3A_459 = tpu.memref_slice %arg8[%dma_wait3A_456, %dma_wait3A_457, %dma_wait3A_458] : memref<3x80x128xf32, #tpu.memory_space<vmem>> -> memref<1x80x128xf32, #tpu.memory_space<vmem>>
      %dma_wait3A_460 = tpu.memref_squeeze %dma_wait3A_459 : memref<1x80x128xf32, #tpu.memory_space<vmem>> -> memref<80x128xf32, #tpu.memory_space<vmem>>
      %dma_wait3A_461 = arith.constant 0 : i32
      %dma_wait3A_462 = tpu.memref_slice %arg6[%dma_wait3A_455, %dma_wait3A_461] : memref<25x80xi32, #tpu.memory_space<vmem>> -> memref<1x80xi32, #tpu.memory_space<vmem>>
      %dma_wait3A_463 = tpu.memref_squeeze %dma_wait3A_462 : memref<1x80xi32, #tpu.memory_space<vmem>> -> memref<80xi32, #tpu.memory_space<vmem>>
      %dma_wait3A_464 = arith.constant 0 : i32
      %dma_wait3A_465 = arith.constant 0 : i32
      %dma_wait3A_466 = tpu.memref_slice %arg2[%dma_wait3A_464, %dma_wait3A_465] : memref<10000x128xf32, #tpu.memory_space<hbm>> -> memref<10000x128xf32, #tpu.memory_space<hbm>>
      tpu.wait_indirect_dma semaphore(%arg10 : memref<!tpu.dma_semaphore, #tpu.memory_space<semaphore_mem>>) src(%dma_wait3A_466 : memref<10000x128xf32, #tpu.memory_space<hbm>>) dst(%dma_wait3A_460 : memref<80x128xf32, #tpu.memory_space<vmem>>)
      %run_scoped3A_467 = arith.constant 2 : i32
      %run_scoped3A_468 = arith.constant 14 : i32
      "tpu.region"() ({
        %run_scoped3A_705 = tpu.sem_alloc : memref<!tpu.dma_semaphore, #tpu.memory_space<semaphore_mem>>
        %dma_start3A_706 = arith.constant 0 : i32
        %dma_start3A_707 = arith.constant 0 : i32
        %dma_start3A_708 = tpu.memref_slice %arg8[%run_scoped3A_467, %dma_start3A_706, %dma_start3A_707] : memref<3x80x128xf32, #tpu.memory_space<vmem>> -> memref<1x80x128xf32, #tpu.memory_space<vmem>>
        %dma_start3A_709 = tpu.memref_squeeze %dma_start3A_708 : memref<1x80x128xf32, #tpu.memory_space<vmem>> -> memref<80x128xf32, #tpu.memory_space<vmem>>
        %dma_start3A_710 = arith.constant 0 : i32
        %dma_start3A_711 = tpu.memref_slice %arg7[%run_scoped3A_468, %dma_start3A_710] : memref<25x80xi32, #tpu.memory_space<vmem>> -> memref<1x80xi32, #tpu.memory_space<vmem>>
        %dma_start3A_712 = tpu.memref_squeeze %dma_start3A_711 : memref<1x80xi32, #tpu.memory_space<vmem>> -> memref<80xi32, #tpu.memory_space<vmem>>
        %dma_start3A_713 = arith.constant 0 : i32
        %dma_start3A_714 = arith.constant 0 : i32
        %dma_start3A_715 = tpu.memref_slice %arg9[%dma_start3A_713, %dma_start3A_714] : memref<10000x128xf32, #tpu.memory_space<vmem_shared>> -> memref<10000x128xf32, #tpu.memory_space<vmem_shared>>
        tpu.enqueue_indirect_dma source(%dma_start3A_709 : memref<80x128xf32, #tpu.memory_space<vmem>>) target(%dma_start3A_715 : memref<10000x128xf32, #tpu.memory_space<vmem_shared>>) offsets(%dma_start3A_712 : memref<80xi32, #tpu.memory_space<vmem>>) semaphore(%run_scoped3A_705 : memref<!tpu.dma_semaphore, #tpu.memory_space<semaphore_mem>>) {add = true}
        %dma_wait3A_716 = arith.constant 0 : i32
        %dma_wait3A_717 = arith.constant 0 : i32
        %dma_wait3A_718 = tpu.memref_slice %arg8[%run_scoped3A_467, %dma_wait3A_716, %dma_wait3A_717] : memref<3x80x128xf32, #tpu.memory_space<vmem>> -> memref<1x80x128xf32, #tpu.memory_space<vmem>>
        %dma_wait3A_719 = tpu.memref_squeeze %dma_wait3A_718 : memref<1x80x128xf32, #tpu.memory_space<vmem>> -> memref<80x128xf32, #tpu.memory_space<vmem>>
        %dma_wait3A_720 = arith.constant 0 : i32
        %dma_wait3A_721 = tpu.memref_slice %arg7[%run_scoped3A_468, %dma_wait3A_720] : memref<25x80xi32, #tpu.memory_space<vmem>> -> memref<1x80xi32, #tpu.memory_space<vmem>>
        %dma_wait3A_722 = tpu.memref_squeeze %dma_wait3A_721 : memref<1x80xi32, #tpu.memory_space<vmem>> -> memref<80xi32, #tpu.memory_space<vmem>>
        %dma_wait3A_723 = arith.constant 0 : i32
        %dma_wait3A_724 = arith.constant 0 : i32
        %dma_wait3A_725 = tpu.memref_slice %arg9[%dma_wait3A_723, %dma_wait3A_724] : memref<10000x128xf32, #tpu.memory_space<vmem_shared>> -> memref<10000x128xf32, #tpu.memory_space<vmem_shared>>
        tpu.wait_indirect_dma semaphore(%run_scoped3A_705 : memref<!tpu.dma_semaphore, #tpu.memory_space<semaphore_mem>>) src(%dma_wait3A_719 : memref<80x128xf32, #tpu.memory_space<vmem>>) dst(%dma_wait3A_725 : memref<10000x128xf32, #tpu.memory_space<vmem_shared>>)
        tpu.yield
      }) : () -> ()
      %dma_start3A_469 = arith.constant 17 : i32
      %dma_start3A_470 = arith.constant 2 : i32
      %dma_start3A_471 = arith.constant 0 : i32
      %dma_start3A_472 = arith.constant 0 : i32
      %dma_start3A_473 = tpu.memref_slice %arg8[%dma_start3A_470, %dma_start3A_471, %dma_start3A_472] : memref<3x80x128xf32, #tpu.memory_space<vmem>> -> memref<1x80x128xf32, #tpu.memory_space<vmem>>
      %dma_start3A_474 = tpu.memref_squeeze %dma_start3A_473 : memref<1x80x128xf32, #tpu.memory_space<vmem>> -> memref<80x128xf32, #tpu.memory_space<vmem>>
      %dma_start3A_475 = arith.constant 0 : i32
      %dma_start3A_476 = tpu.memref_slice %arg6[%dma_start3A_469, %dma_start3A_475] : memref<25x80xi32, #tpu.memory_space<vmem>> -> memref<1x80xi32, #tpu.memory_space<vmem>>
      %dma_start3A_477 = tpu.memref_squeeze %dma_start3A_476 : memref<1x80xi32, #tpu.memory_space<vmem>> -> memref<80xi32, #tpu.memory_space<vmem>>
      %dma_start3A_478 = arith.constant 0 : i32
      %dma_start3A_479 = arith.constant 0 : i32
      %dma_start3A_480 = tpu.memref_slice %arg2[%dma_start3A_478, %dma_start3A_479] : memref<10000x128xf32, #tpu.memory_space<hbm>> -> memref<10000x128xf32, #tpu.memory_space<hbm>>
      tpu.enqueue_indirect_dma source(%dma_start3A_480 : memref<10000x128xf32, #tpu.memory_space<hbm>>) target(%dma_start3A_474 : memref<80x128xf32, #tpu.memory_space<vmem>>) offsets(%dma_start3A_477 : memref<80xi32, #tpu.memory_space<vmem>>) semaphore(%arg10 : memref<!tpu.dma_semaphore, #tpu.memory_space<semaphore_mem>>)
      %dma_wait3A_481 = arith.constant 15 : i32
      %dma_wait3A_482 = arith.constant 0 : i32
      %dma_wait3A_483 = arith.constant 0 : i32
      %dma_wait3A_484 = arith.constant 0 : i32
      %dma_wait3A_485 = tpu.memref_slice %arg8[%dma_wait3A_482, %dma_wait3A_483, %dma_wait3A_484] : memref<3x80x128xf32, #tpu.memory_space<vmem>> -> memref<1x80x128xf32, #tpu.memory_space<vmem>>
      %dma_wait3A_486 = tpu.memref_squeeze %dma_wait3A_485 : memref<1x80x128xf32, #tpu.memory_space<vmem>> -> memref<80x128xf32, #tpu.memory_space<vmem>>
      %dma_wait3A_487 = arith.constant 0 : i32
      %dma_wait3A_488 = tpu.memref_slice %arg6[%dma_wait3A_481, %dma_wait3A_487] : memref<25x80xi32, #tpu.memory_space<vmem>> -> memref<1x80xi32, #tpu.memory_space<vmem>>
      %dma_wait3A_489 = tpu.memref_squeeze %dma_wait3A_488 : memref<1x80xi32, #tpu.memory_space<vmem>> -> memref<80xi32, #tpu.memory_space<vmem>>
      %dma_wait3A_490 = arith.constant 0 : i32
      %dma_wait3A_491 = arith.constant 0 : i32
      %dma_wait3A_492 = tpu.memref_slice %arg2[%dma_wait3A_490, %dma_wait3A_491] : memref<10000x128xf32, #tpu.memory_space<hbm>> -> memref<10000x128xf32, #tpu.memory_space<hbm>>
      tpu.wait_indirect_dma semaphore(%arg10 : memref<!tpu.dma_semaphore, #tpu.memory_space<semaphore_mem>>) src(%dma_wait3A_492 : memref<10000x128xf32, #tpu.memory_space<hbm>>) dst(%dma_wait3A_486 : memref<80x128xf32, #tpu.memory_space<vmem>>)
      %run_scoped3A_493 = arith.constant 0 : i32
      %run_scoped3A_494 = arith.constant 15 : i32
      "tpu.region"() ({
        %run_scoped3A_705 = tpu.sem_alloc : memref<!tpu.dma_semaphore, #tpu.memory_space<semaphore_mem>>
        %dma_start3A_706 = arith.constant 0 : i32
        %dma_start3A_707 = arith.constant 0 : i32
        %dma_start3A_708 = tpu.memref_slice %arg8[%run_scoped3A_493, %dma_start3A_706, %dma_start3A_707] : memref<3x80x128xf32, #tpu.memory_space<vmem>> -> memref<1x80x128xf32, #tpu.memory_space<vmem>>
        %dma_start3A_709 = tpu.memref_squeeze %dma_start3A_708 : memref<1x80x128xf32, #tpu.memory_space<vmem>> -> memref<80x128xf32, #tpu.memory_space<vmem>>
        %dma_start3A_710 = arith.constant 0 : i32
        %dma_start3A_711 = tpu.memref_slice %arg7[%run_scoped3A_494, %dma_start3A_710] : memref<25x80xi32, #tpu.memory_space<vmem>> -> memref<1x80xi32, #tpu.memory_space<vmem>>
        %dma_start3A_712 = tpu.memref_squeeze %dma_start3A_711 : memref<1x80xi32, #tpu.memory_space<vmem>> -> memref<80xi32, #tpu.memory_space<vmem>>
        %dma_start3A_713 = arith.constant 0 : i32
        %dma_start3A_714 = arith.constant 0 : i32
        %dma_start3A_715 = tpu.memref_slice %arg9[%dma_start3A_713, %dma_start3A_714] : memref<10000x128xf32, #tpu.memory_space<vmem_shared>> -> memref<10000x128xf32, #tpu.memory_space<vmem_shared>>
        tpu.enqueue_indirect_dma source(%dma_start3A_709 : memref<80x128xf32, #tpu.memory_space<vmem>>) target(%dma_start3A_715 : memref<10000x128xf32, #tpu.memory_space<vmem_shared>>) offsets(%dma_start3A_712 : memref<80xi32, #tpu.memory_space<vmem>>) semaphore(%run_scoped3A_705 : memref<!tpu.dma_semaphore, #tpu.memory_space<semaphore_mem>>) {add = true}
        %dma_wait3A_716 = arith.constant 0 : i32
        %dma_wait3A_717 = arith.constant 0 : i32
        %dma_wait3A_718 = tpu.memref_slice %arg8[%run_scoped3A_493, %dma_wait3A_716, %dma_wait3A_717] : memref<3x80x128xf32, #tpu.memory_space<vmem>> -> memref<1x80x128xf32, #tpu.memory_space<vmem>>
        %dma_wait3A_719 = tpu.memref_squeeze %dma_wait3A_718 : memref<1x80x128xf32, #tpu.memory_space<vmem>> -> memref<80x128xf32, #tpu.memory_space<vmem>>
        %dma_wait3A_720 = arith.constant 0 : i32
        %dma_wait3A_721 = tpu.memref_slice %arg7[%run_scoped3A_494, %dma_wait3A_720] : memref<25x80xi32, #tpu.memory_space<vmem>> -> memref<1x80xi32, #tpu.memory_space<vmem>>
        %dma_wait3A_722 = tpu.memref_squeeze %dma_wait3A_721 : memref<1x80xi32, #tpu.memory_space<vmem>> -> memref<80xi32, #tpu.memory_space<vmem>>
        %dma_wait3A_723 = arith.constant 0 : i32
        %dma_wait3A_724 = arith.constant 0 : i32
        %dma_wait3A_725 = tpu.memref_slice %arg9[%dma_wait3A_723, %dma_wait3A_724] : memref<10000x128xf32, #tpu.memory_space<vmem_shared>> -> memref<10000x128xf32, #tpu.memory_space<vmem_shared>>
        tpu.wait_indirect_dma semaphore(%run_scoped3A_705 : memref<!tpu.dma_semaphore, #tpu.memory_space<semaphore_mem>>) src(%dma_wait3A_719 : memref<80x128xf32, #tpu.memory_space<vmem>>) dst(%dma_wait3A_725 : memref<10000x128xf32, #tpu.memory_space<vmem_shared>>)
        tpu.yield
      }) : () -> ()
      %dma_start3A_495 = arith.constant 18 : i32
      %dma_start3A_496 = arith.constant 0 : i32
      %dma_start3A_497 = arith.constant 0 : i32
      %dma_start3A_498 = arith.constant 0 : i32
      %dma_start3A_499 = tpu.memref_slice %arg8[%dma_start3A_496, %dma_start3A_497, %dma_start3A_498] : memref<3x80x128xf32, #tpu.memory_space<vmem>> -> memref<1x80x128xf32, #tpu.memory_space<vmem>>
      %dma_start3A_500 = tpu.memref_squeeze %dma_start3A_499 : memref<1x80x128xf32, #tpu.memory_space<vmem>> -> memref<80x128xf32, #tpu.memory_space<vmem>>
      %dma_start3A_501 = arith.constant 0 : i32
      %dma_start3A_502 = tpu.memref_slice %arg6[%dma_start3A_495, %dma_start3A_501] : memref<25x80xi32, #tpu.memory_space<vmem>> -> memref<1x80xi32, #tpu.memory_space<vmem>>
      %dma_start3A_503 = tpu.memref_squeeze %dma_start3A_502 : memref<1x80xi32, #tpu.memory_space<vmem>> -> memref<80xi32, #tpu.memory_space<vmem>>
      %dma_start3A_504 = arith.constant 0 : i32
      %dma_start3A_505 = arith.constant 0 : i32
      %dma_start3A_506 = tpu.memref_slice %arg2[%dma_start3A_504, %dma_start3A_505] : memref<10000x128xf32, #tpu.memory_space<hbm>> -> memref<10000x128xf32, #tpu.memory_space<hbm>>
      tpu.enqueue_indirect_dma source(%dma_start3A_506 : memref<10000x128xf32, #tpu.memory_space<hbm>>) target(%dma_start3A_500 : memref<80x128xf32, #tpu.memory_space<vmem>>) offsets(%dma_start3A_503 : memref<80xi32, #tpu.memory_space<vmem>>) semaphore(%arg10 : memref<!tpu.dma_semaphore, #tpu.memory_space<semaphore_mem>>)
      %dma_wait3A_507 = arith.constant 16 : i32
      %dma_wait3A_508 = arith.constant 1 : i32
      %dma_wait3A_509 = arith.constant 0 : i32
      %dma_wait3A_510 = arith.constant 0 : i32
      %dma_wait3A_511 = tpu.memref_slice %arg8[%dma_wait3A_508, %dma_wait3A_509, %dma_wait3A_510] : memref<3x80x128xf32, #tpu.memory_space<vmem>> -> memref<1x80x128xf32, #tpu.memory_space<vmem>>
      %dma_wait3A_512 = tpu.memref_squeeze %dma_wait3A_511 : memref<1x80x128xf32, #tpu.memory_space<vmem>> -> memref<80x128xf32, #tpu.memory_space<vmem>>
      %dma_wait3A_513 = arith.constant 0 : i32
      %dma_wait3A_514 = tpu.memref_slice %arg6[%dma_wait3A_507, %dma_wait3A_513] : memref<25x80xi32, #tpu.memory_space<vmem>> -> memref<1x80xi32, #tpu.memory_space<vmem>>
      %dma_wait3A_515 = tpu.memref_squeeze %dma_wait3A_514 : memref<1x80xi32, #tpu.memory_space<vmem>> -> memref<80xi32, #tpu.memory_space<vmem>>
      %dma_wait3A_516 = arith.constant 0 : i32
      %dma_wait3A_517 = arith.constant 0 : i32
      %dma_wait3A_518 = tpu.memref_slice %arg2[%dma_wait3A_516, %dma_wait3A_517] : memref<10000x128xf32, #tpu.memory_space<hbm>> -> memref<10000x128xf32, #tpu.memory_space<hbm>>
      tpu.wait_indirect_dma semaphore(%arg10 : memref<!tpu.dma_semaphore, #tpu.memory_space<semaphore_mem>>) src(%dma_wait3A_518 : memref<10000x128xf32, #tpu.memory_space<hbm>>) dst(%dma_wait3A_512 : memref<80x128xf32, #tpu.memory_space<vmem>>)
      %run_scoped3A_519 = arith.constant 1 : i32
      %run_scoped3A_520 = arith.constant 16 : i32
      "tpu.region"() ({
        %run_scoped3A_705 = tpu.sem_alloc : memref<!tpu.dma_semaphore, #tpu.memory_space<semaphore_mem>>
        %dma_start3A_706 = arith.constant 0 : i32
        %dma_start3A_707 = arith.constant 0 : i32
        %dma_start3A_708 = tpu.memref_slice %arg8[%run_scoped3A_519, %dma_start3A_706, %dma_start3A_707] : memref<3x80x128xf32, #tpu.memory_space<vmem>> -> memref<1x80x128xf32, #tpu.memory_space<vmem>>
        %dma_start3A_709 = tpu.memref_squeeze %dma_start3A_708 : memref<1x80x128xf32, #tpu.memory_space<vmem>> -> memref<80x128xf32, #tpu.memory_space<vmem>>
        %dma_start3A_710 = arith.constant 0 : i32
        %dma_start3A_711 = tpu.memref_slice %arg7[%run_scoped3A_520, %dma_start3A_710] : memref<25x80xi32, #tpu.memory_space<vmem>> -> memref<1x80xi32, #tpu.memory_space<vmem>>
        %dma_start3A_712 = tpu.memref_squeeze %dma_start3A_711 : memref<1x80xi32, #tpu.memory_space<vmem>> -> memref<80xi32, #tpu.memory_space<vmem>>
        %dma_start3A_713 = arith.constant 0 : i32
        %dma_start3A_714 = arith.constant 0 : i32
        %dma_start3A_715 = tpu.memref_slice %arg9[%dma_start3A_713, %dma_start3A_714] : memref<10000x128xf32, #tpu.memory_space<vmem_shared>> -> memref<10000x128xf32, #tpu.memory_space<vmem_shared>>
        tpu.enqueue_indirect_dma source(%dma_start3A_709 : memref<80x128xf32, #tpu.memory_space<vmem>>) target(%dma_start3A_715 : memref<10000x128xf32, #tpu.memory_space<vmem_shared>>) offsets(%dma_start3A_712 : memref<80xi32, #tpu.memory_space<vmem>>) semaphore(%run_scoped3A_705 : memref<!tpu.dma_semaphore, #tpu.memory_space<semaphore_mem>>) {add = true}
        %dma_wait3A_716 = arith.constant 0 : i32
        %dma_wait3A_717 = arith.constant 0 : i32
        %dma_wait3A_718 = tpu.memref_slice %arg8[%run_scoped3A_519, %dma_wait3A_716, %dma_wait3A_717] : memref<3x80x128xf32, #tpu.memory_space<vmem>> -> memref<1x80x128xf32, #tpu.memory_space<vmem>>
        %dma_wait3A_719 = tpu.memref_squeeze %dma_wait3A_718 : memref<1x80x128xf32, #tpu.memory_space<vmem>> -> memref<80x128xf32, #tpu.memory_space<vmem>>
        %dma_wait3A_720 = arith.constant 0 : i32
        %dma_wait3A_721 = tpu.memref_slice %arg7[%run_scoped3A_520, %dma_wait3A_720] : memref<25x80xi32, #tpu.memory_space<vmem>> -> memref<1x80xi32, #tpu.memory_space<vmem>>
        %dma_wait3A_722 = tpu.memref_squeeze %dma_wait3A_721 : memref<1x80xi32, #tpu.memory_space<vmem>> -> memref<80xi32, #tpu.memory_space<vmem>>
        %dma_wait3A_723 = arith.constant 0 : i32
        %dma_wait3A_724 = arith.constant 0 : i32
        %dma_wait3A_725 = tpu.memref_slice %arg9[%dma_wait3A_723, %dma_wait3A_724] : memref<10000x128xf32, #tpu.memory_space<vmem_shared>> -> memref<10000x128xf32, #tpu.memory_space<vmem_shared>>
        tpu.wait_indirect_dma semaphore(%run_scoped3A_705 : memref<!tpu.dma_semaphore, #tpu.memory_space<semaphore_mem>>) src(%dma_wait3A_719 : memref<80x128xf32, #tpu.memory_space<vmem>>) dst(%dma_wait3A_725 : memref<10000x128xf32, #tpu.memory_space<vmem_shared>>)
        tpu.yield
      }) : () -> ()
      %dma_start3A_521 = arith.constant 19 : i32
      %dma_start3A_522 = arith.constant 1 : i32
      %dma_start3A_523 = arith.constant 0 : i32
      %dma_start3A_524 = arith.constant 0 : i32
      %dma_start3A_525 = tpu.memref_slice %arg8[%dma_start3A_522, %dma_start3A_523, %dma_start3A_524] : memref<3x80x128xf32, #tpu.memory_space<vmem>> -> memref<1x80x128xf32, #tpu.memory_space<vmem>>
      %dma_start3A_526 = tpu.memref_squeeze %dma_start3A_525 : memref<1x80x128xf32, #tpu.memory_space<vmem>> -> memref<80x128xf32, #tpu.memory_space<vmem>>
      %dma_start3A_527 = arith.constant 0 : i32
      %dma_start3A_528 = tpu.memref_slice %arg6[%dma_start3A_521, %dma_start3A_527] : memref<25x80xi32, #tpu.memory_space<vmem>> -> memref<1x80xi32, #tpu.memory_space<vmem>>
      %dma_start3A_529 = tpu.memref_squeeze %dma_start3A_528 : memref<1x80xi32, #tpu.memory_space<vmem>> -> memref<80xi32, #tpu.memory_space<vmem>>
      %dma_start3A_530 = arith.constant 0 : i32
      %dma_start3A_531 = arith.constant 0 : i32
      %dma_start3A_532 = tpu.memref_slice %arg2[%dma_start3A_530, %dma_start3A_531] : memref<10000x128xf32, #tpu.memory_space<hbm>> -> memref<10000x128xf32, #tpu.memory_space<hbm>>
      tpu.enqueue_indirect_dma source(%dma_start3A_532 : memref<10000x128xf32, #tpu.memory_space<hbm>>) target(%dma_start3A_526 : memref<80x128xf32, #tpu.memory_space<vmem>>) offsets(%dma_start3A_529 : memref<80xi32, #tpu.memory_space<vmem>>) semaphore(%arg10 : memref<!tpu.dma_semaphore, #tpu.memory_space<semaphore_mem>>)
      %dma_wait3A_533 = arith.constant 17 : i32
      %dma_wait3A_534 = arith.constant 2 : i32
      %dma_wait3A_535 = arith.constant 0 : i32
      %dma_wait3A_536 = arith.constant 0 : i32
      %dma_wait3A_537 = tpu.memref_slice %arg8[%dma_wait3A_534, %dma_wait3A_535, %dma_wait3A_536] : memref<3x80x128xf32, #tpu.memory_space<vmem>> -> memref<1x80x128xf32, #tpu.memory_space<vmem>>
      %dma_wait3A_538 = tpu.memref_squeeze %dma_wait3A_537 : memref<1x80x128xf32, #tpu.memory_space<vmem>> -> memref<80x128xf32, #tpu.memory_space<vmem>>
      %dma_wait3A_539 = arith.constant 0 : i32
      %dma_wait3A_540 = tpu.memref_slice %arg6[%dma_wait3A_533, %dma_wait3A_539] : memref<25x80xi32, #tpu.memory_space<vmem>> -> memref<1x80xi32, #tpu.memory_space<vmem>>
      %dma_wait3A_541 = tpu.memref_squeeze %dma_wait3A_540 : memref<1x80xi32, #tpu.memory_space<vmem>> -> memref<80xi32, #tpu.memory_space<vmem>>
      %dma_wait3A_542 = arith.constant 0 : i32
      %dma_wait3A_543 = arith.constant 0 : i32
      %dma_wait3A_544 = tpu.memref_slice %arg2[%dma_wait3A_542, %dma_wait3A_543] : memref<10000x128xf32, #tpu.memory_space<hbm>> -> memref<10000x128xf32, #tpu.memory_space<hbm>>
      tpu.wait_indirect_dma semaphore(%arg10 : memref<!tpu.dma_semaphore, #tpu.memory_space<semaphore_mem>>) src(%dma_wait3A_544 : memref<10000x128xf32, #tpu.memory_space<hbm>>) dst(%dma_wait3A_538 : memref<80x128xf32, #tpu.memory_space<vmem>>)
      %run_scoped3A_545 = arith.constant 2 : i32
      %run_scoped3A_546 = arith.constant 17 : i32
      "tpu.region"() ({
        %run_scoped3A_705 = tpu.sem_alloc : memref<!tpu.dma_semaphore, #tpu.memory_space<semaphore_mem>>
        %dma_start3A_706 = arith.constant 0 : i32
        %dma_start3A_707 = arith.constant 0 : i32
        %dma_start3A_708 = tpu.memref_slice %arg8[%run_scoped3A_545, %dma_start3A_706, %dma_start3A_707] : memref<3x80x128xf32, #tpu.memory_space<vmem>> -> memref<1x80x128xf32, #tpu.memory_space<vmem>>
        %dma_start3A_709 = tpu.memref_squeeze %dma_start3A_708 : memref<1x80x128xf32, #tpu.memory_space<vmem>> -> memref<80x128xf32, #tpu.memory_space<vmem>>
        %dma_start3A_710 = arith.constant 0 : i32
        %dma_start3A_711 = tpu.memref_slice %arg7[%run_scoped3A_546, %dma_start3A_710] : memref<25x80xi32, #tpu.memory_space<vmem>> -> memref<1x80xi32, #tpu.memory_space<vmem>>
        %dma_start3A_712 = tpu.memref_squeeze %dma_start3A_711 : memref<1x80xi32, #tpu.memory_space<vmem>> -> memref<80xi32, #tpu.memory_space<vmem>>
        %dma_start3A_713 = arith.constant 0 : i32
        %dma_start3A_714 = arith.constant 0 : i32
        %dma_start3A_715 = tpu.memref_slice %arg9[%dma_start3A_713, %dma_start3A_714] : memref<10000x128xf32, #tpu.memory_space<vmem_shared>> -> memref<10000x128xf32, #tpu.memory_space<vmem_shared>>
        tpu.enqueue_indirect_dma source(%dma_start3A_709 : memref<80x128xf32, #tpu.memory_space<vmem>>) target(%dma_start3A_715 : memref<10000x128xf32, #tpu.memory_space<vmem_shared>>) offsets(%dma_start3A_712 : memref<80xi32, #tpu.memory_space<vmem>>) semaphore(%run_scoped3A_705 : memref<!tpu.dma_semaphore, #tpu.memory_space<semaphore_mem>>) {add = true}
        %dma_wait3A_716 = arith.constant 0 : i32
        %dma_wait3A_717 = arith.constant 0 : i32
        %dma_wait3A_718 = tpu.memref_slice %arg8[%run_scoped3A_545, %dma_wait3A_716, %dma_wait3A_717] : memref<3x80x128xf32, #tpu.memory_space<vmem>> -> memref<1x80x128xf32, #tpu.memory_space<vmem>>
        %dma_wait3A_719 = tpu.memref_squeeze %dma_wait3A_718 : memref<1x80x128xf32, #tpu.memory_space<vmem>> -> memref<80x128xf32, #tpu.memory_space<vmem>>
        %dma_wait3A_720 = arith.constant 0 : i32
        %dma_wait3A_721 = tpu.memref_slice %arg7[%run_scoped3A_546, %dma_wait3A_720] : memref<25x80xi32, #tpu.memory_space<vmem>> -> memref<1x80xi32, #tpu.memory_space<vmem>>
        %dma_wait3A_722 = tpu.memref_squeeze %dma_wait3A_721 : memref<1x80xi32, #tpu.memory_space<vmem>> -> memref<80xi32, #tpu.memory_space<vmem>>
        %dma_wait3A_723 = arith.constant 0 : i32
        %dma_wait3A_724 = arith.constant 0 : i32
        %dma_wait3A_725 = tpu.memref_slice %arg9[%dma_wait3A_723, %dma_wait3A_724] : memref<10000x128xf32, #tpu.memory_space<vmem_shared>> -> memref<10000x128xf32, #tpu.memory_space<vmem_shared>>
        tpu.wait_indirect_dma semaphore(%run_scoped3A_705 : memref<!tpu.dma_semaphore, #tpu.memory_space<semaphore_mem>>) src(%dma_wait3A_719 : memref<80x128xf32, #tpu.memory_space<vmem>>) dst(%dma_wait3A_725 : memref<10000x128xf32, #tpu.memory_space<vmem_shared>>)
        tpu.yield
      }) : () -> ()
      %dma_start3A_547 = arith.constant 20 : i32
      %dma_start3A_548 = arith.constant 2 : i32
      %dma_start3A_549 = arith.constant 0 : i32
      %dma_start3A_550 = arith.constant 0 : i32
      %dma_start3A_551 = tpu.memref_slice %arg8[%dma_start3A_548, %dma_start3A_549, %dma_start3A_550] : memref<3x80x128xf32, #tpu.memory_space<vmem>> -> memref<1x80x128xf32, #tpu.memory_space<vmem>>
      %dma_start3A_552 = tpu.memref_squeeze %dma_start3A_551 : memref<1x80x128xf32, #tpu.memory_space<vmem>> -> memref<80x128xf32, #tpu.memory_space<vmem>>
      %dma_start3A_553 = arith.constant 0 : i32
      %dma_start3A_554 = tpu.memref_slice %arg6[%dma_start3A_547, %dma_start3A_553] : memref<25x80xi32, #tpu.memory_space<vmem>> -> memref<1x80xi32, #tpu.memory_space<vmem>>
      %dma_start3A_555 = tpu.memref_squeeze %dma_start3A_554 : memref<1x80xi32, #tpu.memory_space<vmem>> -> memref<80xi32, #tpu.memory_space<vmem>>
      %dma_start3A_556 = arith.constant 0 : i32
      %dma_start3A_557 = arith.constant 0 : i32
      %dma_start3A_558 = tpu.memref_slice %arg2[%dma_start3A_556, %dma_start3A_557] : memref<10000x128xf32, #tpu.memory_space<hbm>> -> memref<10000x128xf32, #tpu.memory_space<hbm>>
      tpu.enqueue_indirect_dma source(%dma_start3A_558 : memref<10000x128xf32, #tpu.memory_space<hbm>>) target(%dma_start3A_552 : memref<80x128xf32, #tpu.memory_space<vmem>>) offsets(%dma_start3A_555 : memref<80xi32, #tpu.memory_space<vmem>>) semaphore(%arg10 : memref<!tpu.dma_semaphore, #tpu.memory_space<semaphore_mem>>)
      %dma_wait3A_559 = arith.constant 18 : i32
      %dma_wait3A_560 = arith.constant 0 : i32
      %dma_wait3A_561 = arith.constant 0 : i32
      %dma_wait3A_562 = arith.constant 0 : i32
      %dma_wait3A_563 = tpu.memref_slice %arg8[%dma_wait3A_560, %dma_wait3A_561, %dma_wait3A_562] : memref<3x80x128xf32, #tpu.memory_space<vmem>> -> memref<1x80x128xf32, #tpu.memory_space<vmem>>
      %dma_wait3A_564 = tpu.memref_squeeze %dma_wait3A_563 : memref<1x80x128xf32, #tpu.memory_space<vmem>> -> memref<80x128xf32, #tpu.memory_space<vmem>>
      %dma_wait3A_565 = arith.constant 0 : i32
      %dma_wait3A_566 = tpu.memref_slice %arg6[%dma_wait3A_559, %dma_wait3A_565] : memref<25x80xi32, #tpu.memory_space<vmem>> -> memref<1x80xi32, #tpu.memory_space<vmem>>
      %dma_wait3A_567 = tpu.memref_squeeze %dma_wait3A_566 : memref<1x80xi32, #tpu.memory_space<vmem>> -> memref<80xi32, #tpu.memory_space<vmem>>
      %dma_wait3A_568 = arith.constant 0 : i32
      %dma_wait3A_569 = arith.constant 0 : i32
      %dma_wait3A_570 = tpu.memref_slice %arg2[%dma_wait3A_568, %dma_wait3A_569] : memref<10000x128xf32, #tpu.memory_space<hbm>> -> memref<10000x128xf32, #tpu.memory_space<hbm>>
      tpu.wait_indirect_dma semaphore(%arg10 : memref<!tpu.dma_semaphore, #tpu.memory_space<semaphore_mem>>) src(%dma_wait3A_570 : memref<10000x128xf32, #tpu.memory_space<hbm>>) dst(%dma_wait3A_564 : memref<80x128xf32, #tpu.memory_space<vmem>>)
      %run_scoped3A_571 = arith.constant 0 : i32
      %run_scoped3A_572 = arith.constant 18 : i32
      "tpu.region"() ({
        %run_scoped3A_705 = tpu.sem_alloc : memref<!tpu.dma_semaphore, #tpu.memory_space<semaphore_mem>>
        %dma_start3A_706 = arith.constant 0 : i32
        %dma_start3A_707 = arith.constant 0 : i32
        %dma_start3A_708 = tpu.memref_slice %arg8[%run_scoped3A_571, %dma_start3A_706, %dma_start3A_707] : memref<3x80x128xf32, #tpu.memory_space<vmem>> -> memref<1x80x128xf32, #tpu.memory_space<vmem>>
        %dma_start3A_709 = tpu.memref_squeeze %dma_start3A_708 : memref<1x80x128xf32, #tpu.memory_space<vmem>> -> memref<80x128xf32, #tpu.memory_space<vmem>>
        %dma_start3A_710 = arith.constant 0 : i32
        %dma_start3A_711 = tpu.memref_slice %arg7[%run_scoped3A_572, %dma_start3A_710] : memref<25x80xi32, #tpu.memory_space<vmem>> -> memref<1x80xi32, #tpu.memory_space<vmem>>
        %dma_start3A_712 = tpu.memref_squeeze %dma_start3A_711 : memref<1x80xi32, #tpu.memory_space<vmem>> -> memref<80xi32, #tpu.memory_space<vmem>>
        %dma_start3A_713 = arith.constant 0 : i32
        %dma_start3A_714 = arith.constant 0 : i32
        %dma_start3A_715 = tpu.memref_slice %arg9[%dma_start3A_713, %dma_start3A_714] : memref<10000x128xf32, #tpu.memory_space<vmem_shared>> -> memref<10000x128xf32, #tpu.memory_space<vmem_shared>>
        tpu.enqueue_indirect_dma source(%dma_start3A_709 : memref<80x128xf32, #tpu.memory_space<vmem>>) target(%dma_start3A_715 : memref<10000x128xf32, #tpu.memory_space<vmem_shared>>) offsets(%dma_start3A_712 : memref<80xi32, #tpu.memory_space<vmem>>) semaphore(%run_scoped3A_705 : memref<!tpu.dma_semaphore, #tpu.memory_space<semaphore_mem>>) {add = true}
        %dma_wait3A_716 = arith.constant 0 : i32
        %dma_wait3A_717 = arith.constant 0 : i32
        %dma_wait3A_718 = tpu.memref_slice %arg8[%run_scoped3A_571, %dma_wait3A_716, %dma_wait3A_717] : memref<3x80x128xf32, #tpu.memory_space<vmem>> -> memref<1x80x128xf32, #tpu.memory_space<vmem>>
        %dma_wait3A_719 = tpu.memref_squeeze %dma_wait3A_718 : memref<1x80x128xf32, #tpu.memory_space<vmem>> -> memref<80x128xf32, #tpu.memory_space<vmem>>
        %dma_wait3A_720 = arith.constant 0 : i32
        %dma_wait3A_721 = tpu.memref_slice %arg7[%run_scoped3A_572, %dma_wait3A_720] : memref<25x80xi32, #tpu.memory_space<vmem>> -> memref<1x80xi32, #tpu.memory_space<vmem>>
        %dma_wait3A_722 = tpu.memref_squeeze %dma_wait3A_721 : memref<1x80xi32, #tpu.memory_space<vmem>> -> memref<80xi32, #tpu.memory_space<vmem>>
        %dma_wait3A_723 = arith.constant 0 : i32
        %dma_wait3A_724 = arith.constant 0 : i32
        %dma_wait3A_725 = tpu.memref_slice %arg9[%dma_wait3A_723, %dma_wait3A_724] : memref<10000x128xf32, #tpu.memory_space<vmem_shared>> -> memref<10000x128xf32, #tpu.memory_space<vmem_shared>>
        tpu.wait_indirect_dma semaphore(%run_scoped3A_705 : memref<!tpu.dma_semaphore, #tpu.memory_space<semaphore_mem>>) src(%dma_wait3A_719 : memref<80x128xf32, #tpu.memory_space<vmem>>) dst(%dma_wait3A_725 : memref<10000x128xf32, #tpu.memory_space<vmem_shared>>)
        tpu.yield
      }) : () -> ()
      %dma_start3A_573 = arith.constant 21 : i32
      %dma_start3A_574 = arith.constant 0 : i32
      %dma_start3A_575 = arith.constant 0 : i32
      %dma_start3A_576 = arith.constant 0 : i32
      %dma_start3A_577 = tpu.memref_slice %arg8[%dma_start3A_574, %dma_start3A_575, %dma_start3A_576] : memref<3x80x128xf32, #tpu.memory_space<vmem>> -> memref<1x80x128xf32, #tpu.memory_space<vmem>>
      %dma_start3A_578 = tpu.memref_squeeze %dma_start3A_577 : memref<1x80x128xf32, #tpu.memory_space<vmem>> -> memref<80x128xf32, #tpu.memory_space<vmem>>
      %dma_start3A_579 = arith.constant 0 : i32
      %dma_start3A_580 = tpu.memref_slice %arg6[%dma_start3A_573, %dma_start3A_579] : memref<25x80xi32, #tpu.memory_space<vmem>> -> memref<1x80xi32, #tpu.memory_space<vmem>>
      %dma_start3A_581 = tpu.memref_squeeze %dma_start3A_580 : memref<1x80xi32, #tpu.memory_space<vmem>> -> memref<80xi32, #tpu.memory_space<vmem>>
      %dma_start3A_582 = arith.constant 0 : i32
      %dma_start3A_583 = arith.constant 0 : i32
      %dma_start3A_584 = tpu.memref_slice %arg2[%dma_start3A_582, %dma_start3A_583] : memref<10000x128xf32, #tpu.memory_space<hbm>> -> memref<10000x128xf32, #tpu.memory_space<hbm>>
      tpu.enqueue_indirect_dma source(%dma_start3A_584 : memref<10000x128xf32, #tpu.memory_space<hbm>>) target(%dma_start3A_578 : memref<80x128xf32, #tpu.memory_space<vmem>>) offsets(%dma_start3A_581 : memref<80xi32, #tpu.memory_space<vmem>>) semaphore(%arg10 : memref<!tpu.dma_semaphore, #tpu.memory_space<semaphore_mem>>)
      %dma_wait3A_585 = arith.constant 19 : i32
      %dma_wait3A_586 = arith.constant 1 : i32
      %dma_wait3A_587 = arith.constant 0 : i32
      %dma_wait3A_588 = arith.constant 0 : i32
      %dma_wait3A_589 = tpu.memref_slice %arg8[%dma_wait3A_586, %dma_wait3A_587, %dma_wait3A_588] : memref<3x80x128xf32, #tpu.memory_space<vmem>> -> memref<1x80x128xf32, #tpu.memory_space<vmem>>
      %dma_wait3A_590 = tpu.memref_squeeze %dma_wait3A_589 : memref<1x80x128xf32, #tpu.memory_space<vmem>> -> memref<80x128xf32, #tpu.memory_space<vmem>>
      %dma_wait3A_591 = arith.constant 0 : i32
      %dma_wait3A_592 = tpu.memref_slice %arg6[%dma_wait3A_585, %dma_wait3A_591] : memref<25x80xi32, #tpu.memory_space<vmem>> -> memref<1x80xi32, #tpu.memory_space<vmem>>
      %dma_wait3A_593 = tpu.memref_squeeze %dma_wait3A_592 : memref<1x80xi32, #tpu.memory_space<vmem>> -> memref<80xi32, #tpu.memory_space<vmem>>
      %dma_wait3A_594 = arith.constant 0 : i32
      %dma_wait3A_595 = arith.constant 0 : i32
      %dma_wait3A_596 = tpu.memref_slice %arg2[%dma_wait3A_594, %dma_wait3A_595] : memref<10000x128xf32, #tpu.memory_space<hbm>> -> memref<10000x128xf32, #tpu.memory_space<hbm>>
      tpu.wait_indirect_dma semaphore(%arg10 : memref<!tpu.dma_semaphore, #tpu.memory_space<semaphore_mem>>) src(%dma_wait3A_596 : memref<10000x128xf32, #tpu.memory_space<hbm>>) dst(%dma_wait3A_590 : memref<80x128xf32, #tpu.memory_space<vmem>>)
      %run_scoped3A_597 = arith.constant 1 : i32
      %run_scoped3A_598 = arith.constant 19 : i32
      "tpu.region"() ({
        %run_scoped3A_705 = tpu.sem_alloc : memref<!tpu.dma_semaphore, #tpu.memory_space<semaphore_mem>>
        %dma_start3A_706 = arith.constant 0 : i32
        %dma_start3A_707 = arith.constant 0 : i32
        %dma_start3A_708 = tpu.memref_slice %arg8[%run_scoped3A_597, %dma_start3A_706, %dma_start3A_707] : memref<3x80x128xf32, #tpu.memory_space<vmem>> -> memref<1x80x128xf32, #tpu.memory_space<vmem>>
        %dma_start3A_709 = tpu.memref_squeeze %dma_start3A_708 : memref<1x80x128xf32, #tpu.memory_space<vmem>> -> memref<80x128xf32, #tpu.memory_space<vmem>>
        %dma_start3A_710 = arith.constant 0 : i32
        %dma_start3A_711 = tpu.memref_slice %arg7[%run_scoped3A_598, %dma_start3A_710] : memref<25x80xi32, #tpu.memory_space<vmem>> -> memref<1x80xi32, #tpu.memory_space<vmem>>
        %dma_start3A_712 = tpu.memref_squeeze %dma_start3A_711 : memref<1x80xi32, #tpu.memory_space<vmem>> -> memref<80xi32, #tpu.memory_space<vmem>>
        %dma_start3A_713 = arith.constant 0 : i32
        %dma_start3A_714 = arith.constant 0 : i32
        %dma_start3A_715 = tpu.memref_slice %arg9[%dma_start3A_713, %dma_start3A_714] : memref<10000x128xf32, #tpu.memory_space<vmem_shared>> -> memref<10000x128xf32, #tpu.memory_space<vmem_shared>>
        tpu.enqueue_indirect_dma source(%dma_start3A_709 : memref<80x128xf32, #tpu.memory_space<vmem>>) target(%dma_start3A_715 : memref<10000x128xf32, #tpu.memory_space<vmem_shared>>) offsets(%dma_start3A_712 : memref<80xi32, #tpu.memory_space<vmem>>) semaphore(%run_scoped3A_705 : memref<!tpu.dma_semaphore, #tpu.memory_space<semaphore_mem>>) {add = true}
        %dma_wait3A_716 = arith.constant 0 : i32
        %dma_wait3A_717 = arith.constant 0 : i32
        %dma_wait3A_718 = tpu.memref_slice %arg8[%run_scoped3A_597, %dma_wait3A_716, %dma_wait3A_717] : memref<3x80x128xf32, #tpu.memory_space<vmem>> -> memref<1x80x128xf32, #tpu.memory_space<vmem>>
        %dma_wait3A_719 = tpu.memref_squeeze %dma_wait3A_718 : memref<1x80x128xf32, #tpu.memory_space<vmem>> -> memref<80x128xf32, #tpu.memory_space<vmem>>
        %dma_wait3A_720 = arith.constant 0 : i32
        %dma_wait3A_721 = tpu.memref_slice %arg7[%run_scoped3A_598, %dma_wait3A_720] : memref<25x80xi32, #tpu.memory_space<vmem>> -> memref<1x80xi32, #tpu.memory_space<vmem>>
        %dma_wait3A_722 = tpu.memref_squeeze %dma_wait3A_721 : memref<1x80xi32, #tpu.memory_space<vmem>> -> memref<80xi32, #tpu.memory_space<vmem>>
        %dma_wait3A_723 = arith.constant 0 : i32
        %dma_wait3A_724 = arith.constant 0 : i32
        %dma_wait3A_725 = tpu.memref_slice %arg9[%dma_wait3A_723, %dma_wait3A_724] : memref<10000x128xf32, #tpu.memory_space<vmem_shared>> -> memref<10000x128xf32, #tpu.memory_space<vmem_shared>>
        tpu.wait_indirect_dma semaphore(%run_scoped3A_705 : memref<!tpu.dma_semaphore, #tpu.memory_space<semaphore_mem>>) src(%dma_wait3A_719 : memref<80x128xf32, #tpu.memory_space<vmem>>) dst(%dma_wait3A_725 : memref<10000x128xf32, #tpu.memory_space<vmem_shared>>)
        tpu.yield
      }) : () -> ()
      %dma_start3A_599 = arith.constant 22 : i32
      %dma_start3A_600 = arith.constant 1 : i32
      %dma_start3A_601 = arith.constant 0 : i32
      %dma_start3A_602 = arith.constant 0 : i32
      %dma_start3A_603 = tpu.memref_slice %arg8[%dma_start3A_600, %dma_start3A_601, %dma_start3A_602] : memref<3x80x128xf32, #tpu.memory_space<vmem>> -> memref<1x80x128xf32, #tpu.memory_space<vmem>>
      %dma_start3A_604 = tpu.memref_squeeze %dma_start3A_603 : memref<1x80x128xf32, #tpu.memory_space<vmem>> -> memref<80x128xf32, #tpu.memory_space<vmem>>
      %dma_start3A_605 = arith.constant 0 : i32
      %dma_start3A_606 = tpu.memref_slice %arg6[%dma_start3A_599, %dma_start3A_605] : memref<25x80xi32, #tpu.memory_space<vmem>> -> memref<1x80xi32, #tpu.memory_space<vmem>>
      %dma_start3A_607 = tpu.memref_squeeze %dma_start3A_606 : memref<1x80xi32, #tpu.memory_space<vmem>> -> memref<80xi32, #tpu.memory_space<vmem>>
      %dma_start3A_608 = arith.constant 0 : i32
      %dma_start3A_609 = arith.constant 0 : i32
      %dma_start3A_610 = tpu.memref_slice %arg2[%dma_start3A_608, %dma_start3A_609] : memref<10000x128xf32, #tpu.memory_space<hbm>> -> memref<10000x128xf32, #tpu.memory_space<hbm>>
      tpu.enqueue_indirect_dma source(%dma_start3A_610 : memref<10000x128xf32, #tpu.memory_space<hbm>>) target(%dma_start3A_604 : memref<80x128xf32, #tpu.memory_space<vmem>>) offsets(%dma_start3A_607 : memref<80xi32, #tpu.memory_space<vmem>>) semaphore(%arg10 : memref<!tpu.dma_semaphore, #tpu.memory_space<semaphore_mem>>)
      %dma_wait3A_611 = arith.constant 20 : i32
      %dma_wait3A_612 = arith.constant 2 : i32
      %dma_wait3A_613 = arith.constant 0 : i32
      %dma_wait3A_614 = arith.constant 0 : i32
      %dma_wait3A_615 = tpu.memref_slice %arg8[%dma_wait3A_612, %dma_wait3A_613, %dma_wait3A_614] : memref<3x80x128xf32, #tpu.memory_space<vmem>> -> memref<1x80x128xf32, #tpu.memory_space<vmem>>
      %dma_wait3A_616 = tpu.memref_squeeze %dma_wait3A_615 : memref<1x80x128xf32, #tpu.memory_space<vmem>> -> memref<80x128xf32, #tpu.memory_space<vmem>>
      %dma_wait3A_617 = arith.constant 0 : i32
      %dma_wait3A_618 = tpu.memref_slice %arg6[%dma_wait3A_611, %dma_wait3A_617] : memref<25x80xi32, #tpu.memory_space<vmem>> -> memref<1x80xi32, #tpu.memory_space<vmem>>
      %dma_wait3A_619 = tpu.memref_squeeze %dma_wait3A_618 : memref<1x80xi32, #tpu.memory_space<vmem>> -> memref<80xi32, #tpu.memory_space<vmem>>
      %dma_wait3A_620 = arith.constant 0 : i32
      %dma_wait3A_621 = arith.constant 0 : i32
      %dma_wait3A_622 = tpu.memref_slice %arg2[%dma_wait3A_620, %dma_wait3A_621] : memref<10000x128xf32, #tpu.memory_space<hbm>> -> memref<10000x128xf32, #tpu.memory_space<hbm>>
      tpu.wait_indirect_dma semaphore(%arg10 : memref<!tpu.dma_semaphore, #tpu.memory_space<semaphore_mem>>) src(%dma_wait3A_622 : memref<10000x128xf32, #tpu.memory_space<hbm>>) dst(%dma_wait3A_616 : memref<80x128xf32, #tpu.memory_space<vmem>>)
      %run_scoped3A_623 = arith.constant 2 : i32
      %run_scoped3A_624 = arith.constant 20 : i32
      "tpu.region"() ({
        %run_scoped3A_705 = tpu.sem_alloc : memref<!tpu.dma_semaphore, #tpu.memory_space<semaphore_mem>>
        %dma_start3A_706 = arith.constant 0 : i32
        %dma_start3A_707 = arith.constant 0 : i32
        %dma_start3A_708 = tpu.memref_slice %arg8[%run_scoped3A_623, %dma_start3A_706, %dma_start3A_707] : memref<3x80x128xf32, #tpu.memory_space<vmem>> -> memref<1x80x128xf32, #tpu.memory_space<vmem>>
        %dma_start3A_709 = tpu.memref_squeeze %dma_start3A_708 : memref<1x80x128xf32, #tpu.memory_space<vmem>> -> memref<80x128xf32, #tpu.memory_space<vmem>>
        %dma_start3A_710 = arith.constant 0 : i32
        %dma_start3A_711 = tpu.memref_slice %arg7[%run_scoped3A_624, %dma_start3A_710] : memref<25x80xi32, #tpu.memory_space<vmem>> -> memref<1x80xi32, #tpu.memory_space<vmem>>
        %dma_start3A_712 = tpu.memref_squeeze %dma_start3A_711 : memref<1x80xi32, #tpu.memory_space<vmem>> -> memref<80xi32, #tpu.memory_space<vmem>>
        %dma_start3A_713 = arith.constant 0 : i32
        %dma_start3A_714 = arith.constant 0 : i32
        %dma_start3A_715 = tpu.memref_slice %arg9[%dma_start3A_713, %dma_start3A_714] : memref<10000x128xf32, #tpu.memory_space<vmem_shared>> -> memref<10000x128xf32, #tpu.memory_space<vmem_shared>>
        tpu.enqueue_indirect_dma source(%dma_start3A_709 : memref<80x128xf32, #tpu.memory_space<vmem>>) target(%dma_start3A_715 : memref<10000x128xf32, #tpu.memory_space<vmem_shared>>) offsets(%dma_start3A_712 : memref<80xi32, #tpu.memory_space<vmem>>) semaphore(%run_scoped3A_705 : memref<!tpu.dma_semaphore, #tpu.memory_space<semaphore_mem>>) {add = true}
        %dma_wait3A_716 = arith.constant 0 : i32
        %dma_wait3A_717 = arith.constant 0 : i32
        %dma_wait3A_718 = tpu.memref_slice %arg8[%run_scoped3A_623, %dma_wait3A_716, %dma_wait3A_717] : memref<3x80x128xf32, #tpu.memory_space<vmem>> -> memref<1x80x128xf32, #tpu.memory_space<vmem>>
        %dma_wait3A_719 = tpu.memref_squeeze %dma_wait3A_718 : memref<1x80x128xf32, #tpu.memory_space<vmem>> -> memref<80x128xf32, #tpu.memory_space<vmem>>
        %dma_wait3A_720 = arith.constant 0 : i32
        %dma_wait3A_721 = tpu.memref_slice %arg7[%run_scoped3A_624, %dma_wait3A_720] : memref<25x80xi32, #tpu.memory_space<vmem>> -> memref<1x80xi32, #tpu.memory_space<vmem>>
        %dma_wait3A_722 = tpu.memref_squeeze %dma_wait3A_721 : memref<1x80xi32, #tpu.memory_space<vmem>> -> memref<80xi32, #tpu.memory_space<vmem>>
        %dma_wait3A_723 = arith.constant 0 : i32
        %dma_wait3A_724 = arith.constant 0 : i32
        %dma_wait3A_725 = tpu.memref_slice %arg9[%dma_wait3A_723, %dma_wait3A_724] : memref<10000x128xf32, #tpu.memory_space<vmem_shared>> -> memref<10000x128xf32, #tpu.memory_space<vmem_shared>>
        tpu.wait_indirect_dma semaphore(%run_scoped3A_705 : memref<!tpu.dma_semaphore, #tpu.memory_space<semaphore_mem>>) src(%dma_wait3A_719 : memref<80x128xf32, #tpu.memory_space<vmem>>) dst(%dma_wait3A_725 : memref<10000x128xf32, #tpu.memory_space<vmem_shared>>)
        tpu.yield
      }) : () -> ()
      %dma_start3A_625 = arith.constant 23 : i32
      %dma_start3A_626 = arith.constant 2 : i32
      %dma_start3A_627 = arith.constant 0 : i32
      %dma_start3A_628 = arith.constant 0 : i32
      %dma_start3A_629 = tpu.memref_slice %arg8[%dma_start3A_626, %dma_start3A_627, %dma_start3A_628] : memref<3x80x128xf32, #tpu.memory_space<vmem>> -> memref<1x80x128xf32, #tpu.memory_space<vmem>>
      %dma_start3A_630 = tpu.memref_squeeze %dma_start3A_629 : memref<1x80x128xf32, #tpu.memory_space<vmem>> -> memref<80x128xf32, #tpu.memory_space<vmem>>
      %dma_start3A_631 = arith.constant 0 : i32
      %dma_start3A_632 = tpu.memref_slice %arg6[%dma_start3A_625, %dma_start3A_631] : memref<25x80xi32, #tpu.memory_space<vmem>> -> memref<1x80xi32, #tpu.memory_space<vmem>>
      %dma_start3A_633 = tpu.memref_squeeze %dma_start3A_632 : memref<1x80xi32, #tpu.memory_space<vmem>> -> memref<80xi32, #tpu.memory_space<vmem>>
      %dma_start3A_634 = arith.constant 0 : i32
      %dma_start3A_635 = arith.constant 0 : i32
      %dma_start3A_636 = tpu.memref_slice %arg2[%dma_start3A_634, %dma_start3A_635] : memref<10000x128xf32, #tpu.memory_space<hbm>> -> memref<10000x128xf32, #tpu.memory_space<hbm>>
      tpu.enqueue_indirect_dma source(%dma_start3A_636 : memref<10000x128xf32, #tpu.memory_space<hbm>>) target(%dma_start3A_630 : memref<80x128xf32, #tpu.memory_space<vmem>>) offsets(%dma_start3A_633 : memref<80xi32, #tpu.memory_space<vmem>>) semaphore(%arg10 : memref<!tpu.dma_semaphore, #tpu.memory_space<semaphore_mem>>)
      %dma_wait3A_637 = arith.constant 21 : i32
      %dma_wait3A_638 = arith.constant 0 : i32
      %dma_wait3A_639 = arith.constant 0 : i32
      %dma_wait3A_640 = arith.constant 0 : i32
      %dma_wait3A_641 = tpu.memref_slice %arg8[%dma_wait3A_638, %dma_wait3A_639, %dma_wait3A_640] : memref<3x80x128xf32, #tpu.memory_space<vmem>> -> memref<1x80x128xf32, #tpu.memory_space<vmem>>
      %dma_wait3A_642 = tpu.memref_squeeze %dma_wait3A_641 : memref<1x80x128xf32, #tpu.memory_space<vmem>> -> memref<80x128xf32, #tpu.memory_space<vmem>>
      %dma_wait3A_643 = arith.constant 0 : i32
      %dma_wait3A_644 = tpu.memref_slice %arg6[%dma_wait3A_637, %dma_wait3A_643] : memref<25x80xi32, #tpu.memory_space<vmem>> -> memref<1x80xi32, #tpu.memory_space<vmem>>
      %dma_wait3A_645 = tpu.memref_squeeze %dma_wait3A_644 : memref<1x80xi32, #tpu.memory_space<vmem>> -> memref<80xi32, #tpu.memory_space<vmem>>
      %dma_wait3A_646 = arith.constant 0 : i32
      %dma_wait3A_647 = arith.constant 0 : i32
      %dma_wait3A_648 = tpu.memref_slice %arg2[%dma_wait3A_646, %dma_wait3A_647] : memref<10000x128xf32, #tpu.memory_space<hbm>> -> memref<10000x128xf32, #tpu.memory_space<hbm>>
      tpu.wait_indirect_dma semaphore(%arg10 : memref<!tpu.dma_semaphore, #tpu.memory_space<semaphore_mem>>) src(%dma_wait3A_648 : memref<10000x128xf32, #tpu.memory_space<hbm>>) dst(%dma_wait3A_642 : memref<80x128xf32, #tpu.memory_space<vmem>>)
      %run_scoped3A_649 = arith.constant 0 : i32
      %run_scoped3A_650 = arith.constant 21 : i32
      "tpu.region"() ({
        %run_scoped3A_705 = tpu.sem_alloc : memref<!tpu.dma_semaphore, #tpu.memory_space<semaphore_mem>>
        %dma_start3A_706 = arith.constant 0 : i32
        %dma_start3A_707 = arith.constant 0 : i32
        %dma_start3A_708 = tpu.memref_slice %arg8[%run_scoped3A_649, %dma_start3A_706, %dma_start3A_707] : memref<3x80x128xf32, #tpu.memory_space<vmem>> -> memref<1x80x128xf32, #tpu.memory_space<vmem>>
        %dma_start3A_709 = tpu.memref_squeeze %dma_start3A_708 : memref<1x80x128xf32, #tpu.memory_space<vmem>> -> memref<80x128xf32, #tpu.memory_space<vmem>>
        %dma_start3A_710 = arith.constant 0 : i32
        %dma_start3A_711 = tpu.memref_slice %arg7[%run_scoped3A_650, %dma_start3A_710] : memref<25x80xi32, #tpu.memory_space<vmem>> -> memref<1x80xi32, #tpu.memory_space<vmem>>
        %dma_start3A_712 = tpu.memref_squeeze %dma_start3A_711 : memref<1x80xi32, #tpu.memory_space<vmem>> -> memref<80xi32, #tpu.memory_space<vmem>>
        %dma_start3A_713 = arith.constant 0 : i32
        %dma_start3A_714 = arith.constant 0 : i32
        %dma_start3A_715 = tpu.memref_slice %arg9[%dma_start3A_713, %dma_start3A_714] : memref<10000x128xf32, #tpu.memory_space<vmem_shared>> -> memref<10000x128xf32, #tpu.memory_space<vmem_shared>>
        tpu.enqueue_indirect_dma source(%dma_start3A_709 : memref<80x128xf32, #tpu.memory_space<vmem>>) target(%dma_start3A_715 : memref<10000x128xf32, #tpu.memory_space<vmem_shared>>) offsets(%dma_start3A_712 : memref<80xi32, #tpu.memory_space<vmem>>) semaphore(%run_scoped3A_705 : memref<!tpu.dma_semaphore, #tpu.memory_space<semaphore_mem>>) {add = true}
        %dma_wait3A_716 = arith.constant 0 : i32
        %dma_wait3A_717 = arith.constant 0 : i32
        %dma_wait3A_718 = tpu.memref_slice %arg8[%run_scoped3A_649, %dma_wait3A_716, %dma_wait3A_717] : memref<3x80x128xf32, #tpu.memory_space<vmem>> -> memref<1x80x128xf32, #tpu.memory_space<vmem>>
        %dma_wait3A_719 = tpu.memref_squeeze %dma_wait3A_718 : memref<1x80x128xf32, #tpu.memory_space<vmem>> -> memref<80x128xf32, #tpu.memory_space<vmem>>
        %dma_wait3A_720 = arith.constant 0 : i32
        %dma_wait3A_721 = tpu.memref_slice %arg7[%run_scoped3A_650, %dma_wait3A_720] : memref<25x80xi32, #tpu.memory_space<vmem>> -> memref<1x80xi32, #tpu.memory_space<vmem>>
        %dma_wait3A_722 = tpu.memref_squeeze %dma_wait3A_721 : memref<1x80xi32, #tpu.memory_space<vmem>> -> memref<80xi32, #tpu.memory_space<vmem>>
        %dma_wait3A_723 = arith.constant 0 : i32
        %dma_wait3A_724 = arith.constant 0 : i32
        %dma_wait3A_725 = tpu.memref_slice %arg9[%dma_wait3A_723, %dma_wait3A_724] : memref<10000x128xf32, #tpu.memory_space<vmem_shared>> -> memref<10000x128xf32, #tpu.memory_space<vmem_shared>>
        tpu.wait_indirect_dma semaphore(%run_scoped3A_705 : memref<!tpu.dma_semaphore, #tpu.memory_space<semaphore_mem>>) src(%dma_wait3A_719 : memref<80x128xf32, #tpu.memory_space<vmem>>) dst(%dma_wait3A_725 : memref<10000x128xf32, #tpu.memory_space<vmem_shared>>)
        tpu.yield
      }) : () -> ()
      %dma_start3A_651 = arith.constant 24 : i32
      %dma_start3A_652 = arith.constant 0 : i32
      %dma_start3A_653 = arith.constant 0 : i32
      %dma_start3A_654 = arith.constant 0 : i32
      %dma_start3A_655 = tpu.memref_slice %arg8[%dma_start3A_652, %dma_start3A_653, %dma_start3A_654] : memref<3x80x128xf32, #tpu.memory_space<vmem>> -> memref<1x80x128xf32, #tpu.memory_space<vmem>>
      %dma_start3A_656 = tpu.memref_squeeze %dma_start3A_655 : memref<1x80x128xf32, #tpu.memory_space<vmem>> -> memref<80x128xf32, #tpu.memory_space<vmem>>
      %dma_start3A_657 = arith.constant 0 : i32
      %dma_start3A_658 = tpu.memref_slice %arg6[%dma_start3A_651, %dma_start3A_657] : memref<25x80xi32, #tpu.memory_space<vmem>> -> memref<1x80xi32, #tpu.memory_space<vmem>>
      %dma_start3A_659 = tpu.memref_squeeze %dma_start3A_658 : memref<1x80xi32, #tpu.memory_space<vmem>> -> memref<80xi32, #tpu.memory_space<vmem>>
      %dma_start3A_660 = arith.constant 0 : i32
      %dma_start3A_661 = arith.constant 0 : i32
      %dma_start3A_662 = tpu.memref_slice %arg2[%dma_start3A_660, %dma_start3A_661] : memref<10000x128xf32, #tpu.memory_space<hbm>> -> memref<10000x128xf32, #tpu.memory_space<hbm>>
      tpu.enqueue_indirect_dma source(%dma_start3A_662 : memref<10000x128xf32, #tpu.memory_space<hbm>>) target(%dma_start3A_656 : memref<80x128xf32, #tpu.memory_space<vmem>>) offsets(%dma_start3A_659 : memref<80xi32, #tpu.memory_space<vmem>>) semaphore(%arg10 : memref<!tpu.dma_semaphore, #tpu.memory_space<semaphore_mem>>)
      %dma_wait3A_663 = arith.constant 22 : i32
      %dma_wait3A_664 = arith.constant 1 : i32
      %dma_wait3A_665 = arith.constant 0 : i32
      %dma_wait3A_666 = arith.constant 0 : i32
      %dma_wait3A_667 = tpu.memref_slice %arg8[%dma_wait3A_664, %dma_wait3A_665, %dma_wait3A_666] : memref<3x80x128xf32, #tpu.memory_space<vmem>> -> memref<1x80x128xf32, #tpu.memory_space<vmem>>
      %dma_wait3A_668 = tpu.memref_squeeze %dma_wait3A_667 : memref<1x80x128xf32, #tpu.memory_space<vmem>> -> memref<80x128xf32, #tpu.memory_space<vmem>>
      %dma_wait3A_669 = arith.constant 0 : i32
      %dma_wait3A_670 = tpu.memref_slice %arg6[%dma_wait3A_663, %dma_wait3A_669] : memref<25x80xi32, #tpu.memory_space<vmem>> -> memref<1x80xi32, #tpu.memory_space<vmem>>
      %dma_wait3A_671 = tpu.memref_squeeze %dma_wait3A_670 : memref<1x80xi32, #tpu.memory_space<vmem>> -> memref<80xi32, #tpu.memory_space<vmem>>
      %dma_wait3A_672 = arith.constant 0 : i32
      %dma_wait3A_673 = arith.constant 0 : i32
      %dma_wait3A_674 = tpu.memref_slice %arg2[%dma_wait3A_672, %dma_wait3A_673] : memref<10000x128xf32, #tpu.memory_space<hbm>> -> memref<10000x128xf32, #tpu.memory_space<hbm>>
      tpu.wait_indirect_dma semaphore(%arg10 : memref<!tpu.dma_semaphore, #tpu.memory_space<semaphore_mem>>) src(%dma_wait3A_674 : memref<10000x128xf32, #tpu.memory_space<hbm>>) dst(%dma_wait3A_668 : memref<80x128xf32, #tpu.memory_space<vmem>>)
      %run_scoped3A_675 = arith.constant 1 : i32
      %run_scoped3A_676 = arith.constant 22 : i32
      "tpu.region"() ({
        %run_scoped3A_705 = tpu.sem_alloc : memref<!tpu.dma_semaphore, #tpu.memory_space<semaphore_mem>>
        %dma_start3A_706 = arith.constant 0 : i32
        %dma_start3A_707 = arith.constant 0 : i32
        %dma_start3A_708 = tpu.memref_slice %arg8[%run_scoped3A_675, %dma_start3A_706, %dma_start3A_707] : memref<3x80x128xf32, #tpu.memory_space<vmem>> -> memref<1x80x128xf32, #tpu.memory_space<vmem>>
        %dma_start3A_709 = tpu.memref_squeeze %dma_start3A_708 : memref<1x80x128xf32, #tpu.memory_space<vmem>> -> memref<80x128xf32, #tpu.memory_space<vmem>>
        %dma_start3A_710 = arith.constant 0 : i32
        %dma_start3A_711 = tpu.memref_slice %arg7[%run_scoped3A_676, %dma_start3A_710] : memref<25x80xi32, #tpu.memory_space<vmem>> -> memref<1x80xi32, #tpu.memory_space<vmem>>
        %dma_start3A_712 = tpu.memref_squeeze %dma_start3A_711 : memref<1x80xi32, #tpu.memory_space<vmem>> -> memref<80xi32, #tpu.memory_space<vmem>>
        %dma_start3A_713 = arith.constant 0 : i32
        %dma_start3A_714 = arith.constant 0 : i32
        %dma_start3A_715 = tpu.memref_slice %arg9[%dma_start3A_713, %dma_start3A_714] : memref<10000x128xf32, #tpu.memory_space<vmem_shared>> -> memref<10000x128xf32, #tpu.memory_space<vmem_shared>>
        tpu.enqueue_indirect_dma source(%dma_start3A_709 : memref<80x128xf32, #tpu.memory_space<vmem>>) target(%dma_start3A_715 : memref<10000x128xf32, #tpu.memory_space<vmem_shared>>) offsets(%dma_start3A_712 : memref<80xi32, #tpu.memory_space<vmem>>) semaphore(%run_scoped3A_705 : memref<!tpu.dma_semaphore, #tpu.memory_space<semaphore_mem>>) {add = true}
        %dma_wait3A_716 = arith.constant 0 : i32
        %dma_wait3A_717 = arith.constant 0 : i32
        %dma_wait3A_718 = tpu.memref_slice %arg8[%run_scoped3A_675, %dma_wait3A_716, %dma_wait3A_717] : memref<3x80x128xf32, #tpu.memory_space<vmem>> -> memref<1x80x128xf32, #tpu.memory_space<vmem>>
        %dma_wait3A_719 = tpu.memref_squeeze %dma_wait3A_718 : memref<1x80x128xf32, #tpu.memory_space<vmem>> -> memref<80x128xf32, #tpu.memory_space<vmem>>
        %dma_wait3A_720 = arith.constant 0 : i32
        %dma_wait3A_721 = tpu.memref_slice %arg7[%run_scoped3A_676, %dma_wait3A_720] : memref<25x80xi32, #tpu.memory_space<vmem>> -> memref<1x80xi32, #tpu.memory_space<vmem>>
        %dma_wait3A_722 = tpu.memref_squeeze %dma_wait3A_721 : memref<1x80xi32, #tpu.memory_space<vmem>> -> memref<80xi32, #tpu.memory_space<vmem>>
        %dma_wait3A_723 = arith.constant 0 : i32
        %dma_wait3A_724 = arith.constant 0 : i32
        %dma_wait3A_725 = tpu.memref_slice %arg9[%dma_wait3A_723, %dma_wait3A_724] : memref<10000x128xf32, #tpu.memory_space<vmem_shared>> -> memref<10000x128xf32, #tpu.memory_space<vmem_shared>>
        tpu.wait_indirect_dma semaphore(%run_scoped3A_705 : memref<!tpu.dma_semaphore, #tpu.memory_space<semaphore_mem>>) src(%dma_wait3A_719 : memref<80x128xf32, #tpu.memory_space<vmem>>) dst(%dma_wait3A_725 : memref<10000x128xf32, #tpu.memory_space<vmem_shared>>)
        tpu.yield
      }) : () -> ()
      %dma_wait3A_677 = arith.constant 23 : i32
      %dma_wait3A_678 = arith.constant 2 : i32
      %dma_wait3A_679 = arith.constant 0 : i32
      %dma_wait3A_680 = arith.constant 0 : i32
      %dma_wait3A_681 = tpu.memref_slice %arg8[%dma_wait3A_678, %dma_wait3A_679, %dma_wait3A_680] : memref<3x80x128xf32, #tpu.memory_space<vmem>> -> memref<1x80x128xf32, #tpu.memory_space<vmem>>
      %dma_wait3A_682 = tpu.memref_squeeze %dma_wait3A_681 : memref<1x80x128xf32, #tpu.memory_space<vmem>> -> memref<80x128xf32, #tpu.memory_space<vmem>>
      %dma_wait3A_683 = arith.constant 0 : i32
      %dma_wait3A_684 = tpu.memref_slice %arg6[%dma_wait3A_677, %dma_wait3A_683] : memref<25x80xi32, #tpu.memory_space<vmem>> -> memref<1x80xi32, #tpu.memory_space<vmem>>
      %dma_wait3A_685 = tpu.memref_squeeze %dma_wait3A_684 : memref<1x80xi32, #tpu.memory_space<vmem>> -> memref<80xi32, #tpu.memory_space<vmem>>
      %dma_wait3A_686 = arith.constant 0 : i32
      %dma_wait3A_687 = arith.constant 0 : i32
      %dma_wait3A_688 = tpu.memref_slice %arg2[%dma_wait3A_686, %dma_wait3A_687] : memref<10000x128xf32, #tpu.memory_space<hbm>> -> memref<10000x128xf32, #tpu.memory_space<hbm>>
      tpu.wait_indirect_dma semaphore(%arg10 : memref<!tpu.dma_semaphore, #tpu.memory_space<semaphore_mem>>) src(%dma_wait3A_688 : memref<10000x128xf32, #tpu.memory_space<hbm>>) dst(%dma_wait3A_682 : memref<80x128xf32, #tpu.memory_space<vmem>>)
      %run_scoped3A_689 = arith.constant 2 : i32
      %run_scoped3A_690 = arith.constant 23 : i32
      "tpu.region"() ({
        %run_scoped3A_705 = tpu.sem_alloc : memref<!tpu.dma_semaphore, #tpu.memory_space<semaphore_mem>>
        %dma_start3A_706 = arith.constant 0 : i32
        %dma_start3A_707 = arith.constant 0 : i32
        %dma_start3A_708 = tpu.memref_slice %arg8[%run_scoped3A_689, %dma_start3A_706, %dma_start3A_707] : memref<3x80x128xf32, #tpu.memory_space<vmem>> -> memref<1x80x128xf32, #tpu.memory_space<vmem>>
        %dma_start3A_709 = tpu.memref_squeeze %dma_start3A_708 : memref<1x80x128xf32, #tpu.memory_space<vmem>> -> memref<80x128xf32, #tpu.memory_space<vmem>>
        %dma_start3A_710 = arith.constant 0 : i32
        %dma_start3A_711 = tpu.memref_slice %arg7[%run_scoped3A_690, %dma_start3A_710] : memref<25x80xi32, #tpu.memory_space<vmem>> -> memref<1x80xi32, #tpu.memory_space<vmem>>
        %dma_start3A_712 = tpu.memref_squeeze %dma_start3A_711 : memref<1x80xi32, #tpu.memory_space<vmem>> -> memref<80xi32, #tpu.memory_space<vmem>>
        %dma_start3A_713 = arith.constant 0 : i32
        %dma_start3A_714 = arith.constant 0 : i32
        %dma_start3A_715 = tpu.memref_slice %arg9[%dma_start3A_713, %dma_start3A_714] : memref<10000x128xf32, #tpu.memory_space<vmem_shared>> -> memref<10000x128xf32, #tpu.memory_space<vmem_shared>>
        tpu.enqueue_indirect_dma source(%dma_start3A_709 : memref<80x128xf32, #tpu.memory_space<vmem>>) target(%dma_start3A_715 : memref<10000x128xf32, #tpu.memory_space<vmem_shared>>) offsets(%dma_start3A_712 : memref<80xi32, #tpu.memory_space<vmem>>) semaphore(%run_scoped3A_705 : memref<!tpu.dma_semaphore, #tpu.memory_space<semaphore_mem>>) {add = true}
        %dma_wait3A_716 = arith.constant 0 : i32
        %dma_wait3A_717 = arith.constant 0 : i32
        %dma_wait3A_718 = tpu.memref_slice %arg8[%run_scoped3A_689, %dma_wait3A_716, %dma_wait3A_717] : memref<3x80x128xf32, #tpu.memory_space<vmem>> -> memref<1x80x128xf32, #tpu.memory_space<vmem>>
        %dma_wait3A_719 = tpu.memref_squeeze %dma_wait3A_718 : memref<1x80x128xf32, #tpu.memory_space<vmem>> -> memref<80x128xf32, #tpu.memory_space<vmem>>
        %dma_wait3A_720 = arith.constant 0 : i32
        %dma_wait3A_721 = tpu.memref_slice %arg7[%run_scoped3A_690, %dma_wait3A_720] : memref<25x80xi32, #tpu.memory_space<vmem>> -> memref<1x80xi32, #tpu.memory_space<vmem>>
        %dma_wait3A_722 = tpu.memref_squeeze %dma_wait3A_721 : memref<1x80xi32, #tpu.memory_space<vmem>> -> memref<80xi32, #tpu.memory_space<vmem>>
        %dma_wait3A_723 = arith.constant 0 : i32
        %dma_wait3A_724 = arith.constant 0 : i32
        %dma_wait3A_725 = tpu.memref_slice %arg9[%dma_wait3A_723, %dma_wait3A_724] : memref<10000x128xf32, #tpu.memory_space<vmem_shared>> -> memref<10000x128xf32, #tpu.memory_space<vmem_shared>>
        tpu.wait_indirect_dma semaphore(%run_scoped3A_705 : memref<!tpu.dma_semaphore, #tpu.memory_space<semaphore_mem>>) src(%dma_wait3A_719 : memref<80x128xf32, #tpu.memory_space<vmem>>) dst(%dma_wait3A_725 : memref<10000x128xf32, #tpu.memory_space<vmem_shared>>)
        tpu.yield
      }) : () -> ()
      %dma_wait3A_691 = arith.constant 24 : i32
      %dma_wait3A_692 = arith.constant 0 : i32
      %dma_wait3A_693 = arith.constant 0 : i32
      %dma_wait3A_694 = arith.constant 0 : i32
      %dma_wait3A_695 = tpu.memref_slice %arg8[%dma_wait3A_692, %dma_wait3A_693, %dma_wait3A_694] : memref<3x80x128xf32, #tpu.memory_space<vmem>> -> memref<1x80x128xf32, #tpu.memory_space<vmem>>
      %dma_wait3A_696 = tpu.memref_squeeze %dma_wait3A_695 : memref<1x80x128xf32, #tpu.memory_space<vmem>> -> memref<80x128xf32, #tpu.memory_space<vmem>>
      %dma_wait3A_697 = arith.constant 0 : i32
      %dma_wait3A_698 = tpu.memref_slice %arg6[%dma_wait3A_691, %dma_wait3A_697] : memref<25x80xi32, #tpu.memory_space<vmem>> -> memref<1x80xi32, #tpu.memory_space<vmem>>
      %dma_wait3A_699 = tpu.memref_squeeze %dma_wait3A_698 : memref<1x80xi32, #tpu.memory_space<vmem>> -> memref<80xi32, #tpu.memory_space<vmem>>
      %dma_wait3A_700 = arith.constant 0 : i32
      %dma_wait3A_701 = arith.constant 0 : i32
      %dma_wait3A_702 = tpu.memref_slice %arg2[%dma_wait3A_700, %dma_wait3A_701] : memref<10000x128xf32, #tpu.memory_space<hbm>> -> memref<10000x128xf32, #tpu.memory_space<hbm>>
      tpu.wait_indirect_dma semaphore(%arg10 : memref<!tpu.dma_semaphore, #tpu.memory_space<semaphore_mem>>) src(%dma_wait3A_702 : memref<10000x128xf32, #tpu.memory_space<hbm>>) dst(%dma_wait3A_696 : memref<80x128xf32, #tpu.memory_space<vmem>>)
      %run_scoped3A_703 = arith.constant 0 : i32
      %run_scoped3A_704 = arith.constant 24 : i32
      "tpu.region"() ({
        %run_scoped3A_705 = tpu.sem_alloc : memref<!tpu.dma_semaphore, #tpu.memory_space<semaphore_mem>>
        %dma_start3A_706 = arith.constant 0 : i32
        %dma_start3A_707 = arith.constant 0 : i32
        %dma_start3A_708 = tpu.memref_slice %arg8[%run_scoped3A_703, %dma_start3A_706, %dma_start3A_707] : memref<3x80x128xf32, #tpu.memory_space<vmem>> -> memref<1x80x128xf32, #tpu.memory_space<vmem>>
        %dma_start3A_709 = tpu.memref_squeeze %dma_start3A_708 : memref<1x80x128xf32, #tpu.memory_space<vmem>> -> memref<80x128xf32, #tpu.memory_space<vmem>>
        %dma_start3A_710 = arith.constant 0 : i32
        %dma_start3A_711 = tpu.memref_slice %arg7[%run_scoped3A_704, %dma_start3A_710] : memref<25x80xi32, #tpu.memory_space<vmem>> -> memref<1x80xi32, #tpu.memory_space<vmem>>
        %dma_start3A_712 = tpu.memref_squeeze %dma_start3A_711 : memref<1x80xi32, #tpu.memory_space<vmem>> -> memref<80xi32, #tpu.memory_space<vmem>>
        %dma_start3A_713 = arith.constant 0 : i32
        %dma_start3A_714 = arith.constant 0 : i32
        %dma_start3A_715 = tpu.memref_slice %arg9[%dma_start3A_713, %dma_start3A_714] : memref<10000x128xf32, #tpu.memory_space<vmem_shared>> -> memref<10000x128xf32, #tpu.memory_space<vmem_shared>>
        tpu.enqueue_indirect_dma source(%dma_start3A_709 : memref<80x128xf32, #tpu.memory_space<vmem>>) target(%dma_start3A_715 : memref<10000x128xf32, #tpu.memory_space<vmem_shared>>) offsets(%dma_start3A_712 : memref<80xi32, #tpu.memory_space<vmem>>) semaphore(%run_scoped3A_705 : memref<!tpu.dma_semaphore, #tpu.memory_space<semaphore_mem>>) {add = true}
        %dma_wait3A_716 = arith.constant 0 : i32
        %dma_wait3A_717 = arith.constant 0 : i32
        %dma_wait3A_718 = tpu.memref_slice %arg8[%run_scoped3A_703, %dma_wait3A_716, %dma_wait3A_717] : memref<3x80x128xf32, #tpu.memory_space<vmem>> -> memref<1x80x128xf32, #tpu.memory_space<vmem>>
        %dma_wait3A_719 = tpu.memref_squeeze %dma_wait3A_718 : memref<1x80x128xf32, #tpu.memory_space<vmem>> -> memref<80x128xf32, #tpu.memory_space<vmem>>
        %dma_wait3A_720 = arith.constant 0 : i32
        %dma_wait3A_721 = tpu.memref_slice %arg7[%run_scoped3A_704, %dma_wait3A_720] : memref<25x80xi32, #tpu.memory_space<vmem>> -> memref<1x80xi32, #tpu.memory_space<vmem>>
        %dma_wait3A_722 = tpu.memref_squeeze %dma_wait3A_721 : memref<1x80xi32, #tpu.memory_space<vmem>> -> memref<80xi32, #tpu.memory_space<vmem>>
        %dma_wait3A_723 = arith.constant 0 : i32
        %dma_wait3A_724 = arith.constant 0 : i32
        %dma_wait3A_725 = tpu.memref_slice %arg9[%dma_wait3A_723, %dma_wait3A_724] : memref<10000x128xf32, #tpu.memory_space<vmem_shared>> -> memref<10000x128xf32, #tpu.memory_space<vmem_shared>>
        tpu.wait_indirect_dma semaphore(%run_scoped3A_705 : memref<!tpu.dma_semaphore, #tpu.memory_space<semaphore_mem>>) src(%dma_wait3A_719 : memref<80x128xf32, #tpu.memory_space<vmem>>) dst(%dma_wait3A_725 : memref<10000x128xf32, #tpu.memory_space<vmem_shared>>)
        tpu.yield
      }) : () -> ()
    }
    %scan3A_23 = arith.constant 5 : i32
    %barrier3A_24 = arith.constant 0 : index
    tpu.barrier barrier_id(%barrier3A_24)
    %eq3A_25 = arith.constant 0 : i32
    %eq3A_26 = arith.cmpi eq, %arg0, %eq3A_25 : i32
    %convert_element_type3A_27 = arith.extui %eq3A_26 : i1 to i32
    %cond3A_28 = arith.constant 0 : i32
    %cond3A_29 = arith.cmpi ne, %convert_element_type3A_27, %cond3A_28 : i32
    scf.if %cond3A_29 {
      "tpu.region"() ({
        %run_scoped3A_50 = tpu.sem_alloc : memref<!tpu.dma_semaphore, #tpu.memory_space<semaphore_mem>>
        %dma_start3A_51 = arith.constant 0 : i32
        %dma_start3A_52 = tpu.memref_slice %arg4[%mul3A_2, %dma_start3A_51] : memref<10000x128xf32, #tpu.memory_space<hbm>> -> memref<624x128xf32, #tpu.memory_space<hbm>>
        %dma_start3A_53 = arith.constant 0 : i32
        %dma_start3A_54 = tpu.memref_slice %arg9[%mul3A_2, %dma_start3A_53] : memref<10000x128xf32, #tpu.memory_space<vmem_shared>> -> memref<624x128xf32, #tpu.memory_space<vmem_shared>>
        tpu.enqueue_dma source(%dma_start3A_54 : memref<624x128xf32, #tpu.memory_space<vmem_shared>>) target(%dma_start3A_52 : memref<624x128xf32, #tpu.memory_space<hbm>>) target_semaphore(%run_scoped3A_50 : memref<!tpu.dma_semaphore, #tpu.memory_space<semaphore_mem>>)
        %dma_wait3A_55 = arith.constant 0 : i32
        %dma_wait3A_56 = tpu.memref_slice %arg4[%mul3A_2, %dma_wait3A_55] : memref<10000x128xf32, #tpu.memory_space<hbm>> -> memref<624x128xf32, #tpu.memory_space<hbm>>
        %dma_wait3A_57 = arith.constant 0 : i32
        %dma_wait3A_58 = tpu.memref_slice %arg9[%mul3A_2, %dma_wait3A_57] : memref<10000x128xf32, #tpu.memory_space<vmem_shared>> -> memref<624x128xf32, #tpu.memory_space<vmem_shared>>
        tpu.wait_dma2 semaphore(%run_scoped3A_50 : memref<!tpu.dma_semaphore, #tpu.memory_space<semaphore_mem>>) src(%dma_wait3A_58 : memref<624x128xf32, #tpu.memory_space<vmem_shared>>) dst(%dma_wait3A_56 : memref<624x128xf32, #tpu.memory_space<hbm>>)
        tpu.yield
      }) : () -> ()
    } else {
    }
    %eq3A_30 = arith.constant 1 : i32
    %eq3A_31 = arith.cmpi eq, %arg0, %eq3A_30 : i32
    %convert_element_type3A_32 = arith.extui %eq3A_31 : i1 to i32
    %cond3A_33 = arith.constant 0 : i32
    %cond3A_34 = arith.cmpi ne, %convert_element_type3A_32, %cond3A_33 : i32
    scf.if %cond3A_34 {
      "tpu.region"() ({
        %run_scoped3A_50 = tpu.sem_alloc : memref<!tpu.dma_semaphore, #tpu.memory_space<semaphore_mem>>
        %dma_start3A_51 = arith.constant 0 : i32
        %dma_start3A_52 = tpu.memref_slice %arg5[%mul3A_2, %dma_start3A_51] : memref<10000x128xf32, #tpu.memory_space<hbm>> -> memref<624x128xf32, #tpu.memory_space<hbm>>
        %dma_start3A_53 = arith.constant 0 : i32
        %dma_start3A_54 = tpu.memref_slice %arg9[%mul3A_2, %dma_start3A_53] : memref<10000x128xf32, #tpu.memory_space<vmem_shared>> -> memref<624x128xf32, #tpu.memory_space<vmem_shared>>
        tpu.enqueue_dma source(%dma_start3A_54 : memref<624x128xf32, #tpu.memory_space<vmem_shared>>) target(%dma_start3A_52 : memref<624x128xf32, #tpu.memory_space<hbm>>) target_semaphore(%run_scoped3A_50 : memref<!tpu.dma_semaphore, #tpu.memory_space<semaphore_mem>>)
        %dma_wait3A_55 = arith.constant 0 : i32
        %dma_wait3A_56 = tpu.memref_slice %arg5[%mul3A_2, %dma_wait3A_55] : memref<10000x128xf32, #tpu.memory_space<hbm>> -> memref<624x128xf32, #tpu.memory_space<hbm>>
        %dma_wait3A_57 = arith.constant 0 : i32
        %dma_wait3A_58 = tpu.memref_slice %arg9[%mul3A_2, %dma_wait3A_57] : memref<10000x128xf32, #tpu.memory_space<vmem_shared>> -> memref<624x128xf32, #tpu.memory_space<vmem_shared>>
        tpu.wait_dma2 semaphore(%run_scoped3A_50 : memref<!tpu.dma_semaphore, #tpu.memory_space<semaphore_mem>>) src(%dma_wait3A_58 : memref<624x128xf32, #tpu.memory_space<vmem_shared>>) dst(%dma_wait3A_56 : memref<624x128xf32, #tpu.memory_space<hbm>>)
        tpu.yield
      }) : () -> ()
    } else {
    }
    %eq3A_35 = arith.constant 15 : i32
    %eq3A_36 = arith.cmpi eq, %arg1, %eq3A_35 : i32
    %eq3A_37 = arith.constant 0 : i32
    %eq3A_38 = arith.cmpi eq, %arg0, %eq3A_37 : i32
    %and3A = arith.andi %eq3A_36, %eq3A_38 : i1
    %convert_element_type3A_39 = arith.extui %and3A : i1 to i32
    %cond3A_40 = arith.constant 0 : i32
    %cond3A_41 = arith.cmpi ne, %convert_element_type3A_39, %cond3A_40 : i32
    scf.if %cond3A_41 {
      "tpu.region"() ({
        %run_scoped3A_50 = tpu.sem_alloc : memref<!tpu.dma_semaphore, #tpu.memory_space<semaphore_mem>>
        %dma_start3A_51 = arith.constant 9984 : i32
        %dma_start3A_52 = arith.constant 0 : i32
        %dma_start3A_53 = tpu.memref_slice %arg4[%dma_start3A_51, %dma_start3A_52] : memref<10000x128xf32, #tpu.memory_space<hbm>> -> memref<16x128xf32, #tpu.memory_space<hbm>>
        %dma_start3A_54 = arith.constant 9984 : i32
        %dma_start3A_55 = arith.constant 0 : i32
        %dma_start3A_56 = tpu.memref_slice %arg9[%dma_start3A_54, %dma_start3A_55] : memref<10000x128xf32, #tpu.memory_space<vmem_shared>> -> memref<16x128xf32, #tpu.memory_space<vmem_shared>>
        tpu.enqueue_dma source(%dma_start3A_56 : memref<16x128xf32, #tpu.memory_space<vmem_shared>>) target(%dma_start3A_53 : memref<16x128xf32, #tpu.memory_space<hbm>>) target_semaphore(%run_scoped3A_50 : memref<!tpu.dma_semaphore, #tpu.memory_space<semaphore_mem>>)
        %dma_wait3A_57 = arith.constant 9984 : i32
        %dma_wait3A_58 = arith.constant 0 : i32
        %dma_wait3A_59 = tpu.memref_slice %arg4[%dma_wait3A_57, %dma_wait3A_58] : memref<10000x128xf32, #tpu.memory_space<hbm>> -> memref<16x128xf32, #tpu.memory_space<hbm>>
        %dma_wait3A_60 = arith.constant 9984 : i32
        %dma_wait3A_61 = arith.constant 0 : i32
        %dma_wait3A_62 = tpu.memref_slice %arg9[%dma_wait3A_60, %dma_wait3A_61] : memref<10000x128xf32, #tpu.memory_space<vmem_shared>> -> memref<16x128xf32, #tpu.memory_space<vmem_shared>>
        tpu.wait_dma2 semaphore(%run_scoped3A_50 : memref<!tpu.dma_semaphore, #tpu.memory_space<semaphore_mem>>) src(%dma_wait3A_62 : memref<16x128xf32, #tpu.memory_space<vmem_shared>>) dst(%dma_wait3A_59 : memref<16x128xf32, #tpu.memory_space<hbm>>)
        tpu.yield
      }) : () -> ()
    } else {
    }
    %eq3A_42 = arith.constant 15 : i32
    %eq3A_43 = arith.cmpi eq, %arg1, %eq3A_42 : i32
    %eq3A_44 = arith.constant 1 : i32
    %eq3A_45 = arith.cmpi eq, %arg0, %eq3A_44 : i32
    %and3A_46 = arith.andi %eq3A_43, %eq3A_45 : i1
    %convert_element_type3A_47 = arith.extui %and3A_46 : i1 to i32
    %cond3A_48 = arith.constant 0 : i32
    %cond3A_49 = arith.cmpi ne, %convert_element_type3A_47, %cond3A_48 : i32
    scf.if %cond3A_49 {
      "tpu.region"() ({
        %run_scoped3A_50 = tpu.sem_alloc : memref<!tpu.dma_semaphore, #tpu.memory_space<semaphore_mem>>
        %dma_start3A_51 = arith.constant 9984 : i32
        %dma_start3A_52 = arith.constant 0 : i32
        %dma_start3A_53 = tpu.memref_slice %arg5[%dma_start3A_51, %dma_start3A_52] : memref<10000x128xf32, #tpu.memory_space<hbm>> -> memref<16x128xf32, #tpu.memory_space<hbm>>
        %dma_start3A_54 = arith.constant 9984 : i32
        %dma_start3A_55 = arith.constant 0 : i32
        %dma_start3A_56 = tpu.memref_slice %arg9[%dma_start3A_54, %dma_start3A_55] : memref<10000x128xf32, #tpu.memory_space<vmem_shared>> -> memref<16x128xf32, #tpu.memory_space<vmem_shared>>
        tpu.enqueue_dma source(%dma_start3A_56 : memref<16x128xf32, #tpu.memory_space<vmem_shared>>) target(%dma_start3A_53 : memref<16x128xf32, #tpu.memory_space<hbm>>) target_semaphore(%run_scoped3A_50 : memref<!tpu.dma_semaphore, #tpu.memory_space<semaphore_mem>>)
        %dma_wait3A_57 = arith.constant 9984 : i32
        %dma_wait3A_58 = arith.constant 0 : i32
        %dma_wait3A_59 = tpu.memref_slice %arg5[%dma_wait3A_57, %dma_wait3A_58] : memref<10000x128xf32, #tpu.memory_space<hbm>> -> memref<16x128xf32, #tpu.memory_space<hbm>>
        %dma_wait3A_60 = arith.constant 9984 : i32
        %dma_wait3A_61 = arith.constant 0 : i32
        %dma_wait3A_62 = tpu.memref_slice %arg9[%dma_wait3A_60, %dma_wait3A_61] : memref<10000x128xf32, #tpu.memory_space<vmem_shared>> -> memref<16x128xf32, #tpu.memory_space<vmem_shared>>
        tpu.wait_dma2 semaphore(%run_scoped3A_50 : memref<!tpu.dma_semaphore, #tpu.memory_space<semaphore_mem>>) src(%dma_wait3A_62 : memref<16x128xf32, #tpu.memory_space<vmem_shared>>) dst(%dma_wait3A_59 : memref<16x128xf32, #tpu.memory_space<hbm>>)
        tpu.yield
      }) : () -> ()
    } else {
    }
    return
  }
}

module attributes {stable_mosaic.version = 14 : i64} {
  func.func @_tc_body(%arg0: memref<10000x128xf32, #tpu.memory_space<vmem>>, %arg1: memref<10000x128xf32, #tpu.memory_space<vmem>>, %arg2: memref<10000x128xf32, #tpu.memory_space<vmem>>, %arg3: memref<1x1xf32, #tpu.memory_space<vmem>>, %arg4: memref<128x128xf32, #tpu.memory_space<vmem>>, %arg5: memref<1x128xf32, #tpu.memory_space<vmem>>, %arg6: memref<1x128xf32, #tpu.memory_space<vmem>>, %arg7: memref<1x128xf32, #tpu.memory_space<vmem>>, %arg8: memref<128x128xf32, #tpu.memory_space<vmem>>, %arg9: memref<1x128xf32, #tpu.memory_space<vmem>>, %arg10: memref<1x128xf32, #tpu.memory_space<vmem>>, %arg11: memref<1x128xf32, #tpu.memory_space<vmem>>, %arg12: memref<10000x128xf32, #tpu.memory_space<vmem>>) attributes {dimension_semantics = [], scalar_prefetch = 0 : i64, scratch_operands = 0 : i64, tpu.core_type = #tpu.core_type<tc>} {
    %get3A = arith.constant 0 : index
    %get3A_0 = arith.constant 0 : index
    %get3A_1 = vector.load %arg3[%get3A, %get3A_0] : memref<1x1xf32, #tpu.memory_space<vmem>>, vector<1x1xf32>
    %get3A_2 = vector.extract %get3A_1[0, 0] : f32 from vector<1x1xf32>
    %get3A_3 = arith.constant 0 : index
    %get3A_4 = arith.constant 0 : index
    %get3A_5 = vector.load %arg1[%get3A_3, %get3A_4] : memref<10000x128xf32, #tpu.memory_space<vmem>>, vector<10000x128xf32>
    %get3A_6 = arith.constant 0 : index
    %get3A_7 = arith.constant 0 : index
    %get3A_8 = vector.load %arg2[%get3A_6, %get3A_7] : memref<10000x128xf32, #tpu.memory_space<vmem>>, vector<10000x128xf32>
    %add3A = arith.addf %get3A_5, %get3A_8 : vector<10000x128xf32>
    %sub3A = arith.constant 1.000000e+00 : f32
    %sub3A_9 = arith.subf %get3A_2, %sub3A : f32
    %get3A_10 = arith.constant 0 : index
    %get3A_11 = arith.constant 0 : index
    %get3A_12 = vector.load %arg0[%get3A_10, %get3A_11] : memref<10000x128xf32, #tpu.memory_space<vmem>>, vector<10000x128xf32>
    %mul3A = vector.broadcast %sub3A_9 : f32 to vector<10000x128xf32>
    %mul3A_13 = arith.mulf %mul3A, %get3A_12 : vector<10000x128xf32>
    %add3A_14 = arith.addf %add3A, %mul3A_13 : vector<10000x128xf32>
    %get3A_15 = arith.constant 0 : index
    %get3A_16 = arith.constant 0 : index
    %get3A_17 = vector.load %arg4[%get3A_15, %get3A_16] : memref<128x128xf32, #tpu.memory_space<vmem>>, vector<128x128xf32>
    %dot_general3A = arith.constant dense<0.000000e+00> : vector<10000x128xf32>
    %dot_general3A_18 = tpu.matmul %add3A_14, %get3A_17, %dot_general3A {dimension_numbers = #tpu.dot_dimension_numbers<[1], [1], [0], [0], [0, 0, 1, 0], [], []>, transpose_lhs_hint = false} : vector<10000x128xf32>, vector<128x128xf32>, vector<10000x128xf32> -> vector<10000x128xf32>
    %get3A_19 = arith.constant 0 : index
    %get3A_20 = arith.constant 0 : index
    %get3A_21 = vector.load %arg5[%get3A_19, %get3A_20] : memref<1x128xf32, #tpu.memory_space<vmem>>, vector<1x128xf32>
    %add3A_22 = vector.broadcast %get3A_21 : vector<1x128xf32> to vector<10000x128xf32>
    %add3A_23 = arith.addf %dot_general3A_18, %add3A_22 : vector<10000x128xf32>
    %reduce_sum3A = arith.constant dense<0.000000e+00> : vector<128xf32>
    %reduce_sum3A_24 = vector.multi_reduction <add>, %add3A_23, %reduce_sum3A [0] : vector<10000x128xf32> to vector<128xf32>
    %broadcast_in_dim3A = vector.shape_cast %reduce_sum3A_24 : vector<128xf32> to vector<1x128xf32>
    %div3A = arith.constant 1.000000e+04 : f32
    %div3A_25 = vector.broadcast %div3A : f32 to vector<1x128xf32>
    %div3A_26 = arith.divf %broadcast_in_dim3A, %div3A_25 : vector<1x128xf32>
    %sub3A_27 = vector.broadcast %div3A_26 : vector<1x128xf32> to vector<10000x128xf32>
    %sub3A_28 = arith.subf %add3A_23, %sub3A_27 : vector<10000x128xf32>
    %sub3A_29 = vector.broadcast %div3A_26 : vector<1x128xf32> to vector<10000x128xf32>
    %sub3A_30 = arith.subf %add3A_23, %sub3A_29 : vector<10000x128xf32>
    %mul3A_31 = arith.mulf %sub3A_28, %sub3A_30 : vector<10000x128xf32>
    %reduce_sum3A_32 = arith.constant dense<0.000000e+00> : vector<128xf32>
    %reduce_sum3A_33 = vector.multi_reduction <add>, %mul3A_31, %reduce_sum3A_32 [0] : vector<10000x128xf32> to vector<128xf32>
    %broadcast_in_dim3A_34 = vector.shape_cast %reduce_sum3A_33 : vector<128xf32> to vector<1x128xf32>
    %div3A_35 = arith.constant 1.000000e+04 : f32
    %div3A_36 = vector.broadcast %div3A_35 : f32 to vector<1x128xf32>
    %div3A_37 = arith.divf %broadcast_in_dim3A_34, %div3A_36 : vector<1x128xf32>
    %sub3A_38 = vector.broadcast %div3A_26 : vector<1x128xf32> to vector<10000x128xf32>
    %sub3A_39 = arith.subf %add3A_23, %sub3A_38 : vector<10000x128xf32>
    %add3A_40 = arith.constant 9.99999974E-6 : f32
    %add3A_41 = vector.broadcast %add3A_40 : f32 to vector<1x128xf32>
    %add3A_42 = arith.addf %div3A_37, %add3A_41 : vector<1x128xf32>
    %rsqrt3A = math.rsqrt %add3A_42 : vector<1x128xf32>
    %mul3A_43 = vector.broadcast %rsqrt3A : vector<1x128xf32> to vector<10000x128xf32>
    %mul3A_44 = arith.mulf %sub3A_39, %mul3A_43 : vector<10000x128xf32>
    %get3A_45 = arith.constant 0 : index
    %get3A_46 = arith.constant 0 : index
    %get3A_47 = vector.load %arg6[%get3A_45, %get3A_46] : memref<1x128xf32, #tpu.memory_space<vmem>>, vector<1x128xf32>
    %mul3A_48 = vector.broadcast %get3A_47 : vector<1x128xf32> to vector<10000x128xf32>
    %mul3A_49 = arith.mulf %mul3A_44, %mul3A_48 : vector<10000x128xf32>
    %get3A_50 = arith.constant 0 : index
    %get3A_51 = arith.constant 0 : index
    %get3A_52 = vector.load %arg7[%get3A_50, %get3A_51] : memref<1x128xf32, #tpu.memory_space<vmem>>, vector<1x128xf32>
    %add3A_53 = vector.broadcast %get3A_52 : vector<1x128xf32> to vector<10000x128xf32>
    %add3A_54 = arith.addf %mul3A_49, %add3A_53 : vector<10000x128xf32>
    %max3A = arith.constant 0.000000e+00 : f32
    %max3A_55 = vector.broadcast %max3A : f32 to vector<10000x128xf32>
    %max3A_56 = arith.maximumf %add3A_54, %max3A_55 : vector<10000x128xf32>
    %get3A_57 = arith.constant 0 : index
    %get3A_58 = arith.constant 0 : index
    %get3A_59 = vector.load %arg8[%get3A_57, %get3A_58] : memref<128x128xf32, #tpu.memory_space<vmem>>, vector<128x128xf32>
    %dot_general3A_60 = arith.constant dense<0.000000e+00> : vector<10000x128xf32>
    %dot_general3A_61 = tpu.matmul %max3A_56, %get3A_59, %dot_general3A_60 {dimension_numbers = #tpu.dot_dimension_numbers<[1], [1], [0], [0], [0, 0, 1, 0], [], []>, transpose_lhs_hint = false} : vector<10000x128xf32>, vector<128x128xf32>, vector<10000x128xf32> -> vector<10000x128xf32>
    %get3A_62 = arith.constant 0 : index
    %get3A_63 = arith.constant 0 : index
    %get3A_64 = vector.load %arg9[%get3A_62, %get3A_63] : memref<1x128xf32, #tpu.memory_space<vmem>>, vector<1x128xf32>
    %add3A_65 = vector.broadcast %get3A_64 : vector<1x128xf32> to vector<10000x128xf32>
    %add3A_66 = arith.addf %dot_general3A_61, %add3A_65 : vector<10000x128xf32>
    %reduce_sum3A_67 = arith.constant dense<0.000000e+00> : vector<128xf32>
    %reduce_sum3A_68 = vector.multi_reduction <add>, %add3A_66, %reduce_sum3A_67 [0] : vector<10000x128xf32> to vector<128xf32>
    %broadcast_in_dim3A_69 = vector.shape_cast %reduce_sum3A_68 : vector<128xf32> to vector<1x128xf32>
    %div3A_70 = arith.constant 1.000000e+04 : f32
    %div3A_71 = vector.broadcast %div3A_70 : f32 to vector<1x128xf32>
    %div3A_72 = arith.divf %broadcast_in_dim3A_69, %div3A_71 : vector<1x128xf32>
    %sub3A_73 = vector.broadcast %div3A_72 : vector<1x128xf32> to vector<10000x128xf32>
    %sub3A_74 = arith.subf %add3A_66, %sub3A_73 : vector<10000x128xf32>
    %sub3A_75 = vector.broadcast %div3A_72 : vector<1x128xf32> to vector<10000x128xf32>
    %sub3A_76 = arith.subf %add3A_66, %sub3A_75 : vector<10000x128xf32>
    %mul3A_77 = arith.mulf %sub3A_74, %sub3A_76 : vector<10000x128xf32>
    %reduce_sum3A_78 = arith.constant dense<0.000000e+00> : vector<128xf32>
    %reduce_sum3A_79 = vector.multi_reduction <add>, %mul3A_77, %reduce_sum3A_78 [0] : vector<10000x128xf32> to vector<128xf32>
    %broadcast_in_dim3A_80 = vector.shape_cast %reduce_sum3A_79 : vector<128xf32> to vector<1x128xf32>
    %div3A_81 = arith.constant 1.000000e+04 : f32
    %div3A_82 = vector.broadcast %div3A_81 : f32 to vector<1x128xf32>
    %div3A_83 = arith.divf %broadcast_in_dim3A_80, %div3A_82 : vector<1x128xf32>
    %sub3A_84 = vector.broadcast %div3A_72 : vector<1x128xf32> to vector<10000x128xf32>
    %sub3A_85 = arith.subf %add3A_66, %sub3A_84 : vector<10000x128xf32>
    %add3A_86 = arith.constant 9.99999974E-6 : f32
    %add3A_87 = vector.broadcast %add3A_86 : f32 to vector<1x128xf32>
    %add3A_88 = arith.addf %div3A_83, %add3A_87 : vector<1x128xf32>
    %rsqrt3A_89 = math.rsqrt %add3A_88 : vector<1x128xf32>
    %mul3A_90 = vector.broadcast %rsqrt3A_89 : vector<1x128xf32> to vector<10000x128xf32>
    %mul3A_91 = arith.mulf %sub3A_85, %mul3A_90 : vector<10000x128xf32>
    %get3A_92 = arith.constant 0 : index
    %get3A_93 = arith.constant 0 : index
    %get3A_94 = vector.load %arg10[%get3A_92, %get3A_93] : memref<1x128xf32, #tpu.memory_space<vmem>>, vector<1x128xf32>
    %mul3A_95 = vector.broadcast %get3A_94 : vector<1x128xf32> to vector<10000x128xf32>
    %mul3A_96 = arith.mulf %mul3A_91, %mul3A_95 : vector<10000x128xf32>
    %get3A_97 = arith.constant 0 : index
    %get3A_98 = arith.constant 0 : index
    %get3A_99 = vector.load %arg11[%get3A_97, %get3A_98] : memref<1x128xf32, #tpu.memory_space<vmem>>, vector<1x128xf32>
    %add3A_100 = vector.broadcast %get3A_99 : vector<1x128xf32> to vector<10000x128xf32>
    %add3A_101 = arith.addf %mul3A_96, %add3A_100 : vector<10000x128xf32>
    %max3A_102 = arith.constant 0.000000e+00 : f32
    %max3A_103 = vector.broadcast %max3A_102 : f32 to vector<10000x128xf32>
    %max3A_104 = arith.maximumf %add3A_101, %max3A_103 : vector<10000x128xf32>
    %swap3A = arith.constant 0 : index
    %swap3A_105 = arith.constant 0 : index
    %swap3A_106 = vector.load %arg12[%swap3A, %swap3A_105] : memref<10000x128xf32, #tpu.memory_space<vmem>>, vector<10000x128xf32>
    tpu.vector_store %arg12[%swap3A, %swap3A_105], %max3A_104 {strides = array<i32>} : memref<10000x128xf32, #tpu.memory_space<vmem>>, vector<10000x128xf32>,
    return
  }
}

</mosaic_0001>

<sc_bundles>
// kernel: kernel.4.cloned.1.call-start
scs
__scs_entry_jumppad:
0x0: {  	(pc) =	sbr.rel $0x88, $3  }
0x1: {  	(tag) =	ssettag $0x0;
	lr =	simm.s32 $0x1  }
0x2: {  	[smem:$0x3F96] =	sst lr;
	_ =	strace $0xD0000000  }
0x3: {  	_ = 	snop  }
0x4: {  	_ = 	snop  }
0x5: {  	_ = 	snop  }
0x6: {  	_ = 	snop  }
0x7: {  	_ = 	snop  }
__scs_overlays_trampoline_lowered:
0x8: {  	[smem:$0x3FA5] =	sst s0  }
0x9: {  	[smem:$0x3FA6] =	sst s1  }
0xa: {  	[smem:$0x3FA7] =	sst s2  }
0xb: {  	[smem:$0x3FA8] =	sst s3  }
0xc: {  	[smem:$0x3FA9] =	sst s4  }
0xd: {  	[smem:$0x3FAA] =	sst s5  }
0xe: {  	[smem:$0x3FAB] =	sst s6  }
0xf: {  	[smem:$0x3FAC] =	sst s7  }
0x10: {  	[smem:$0x3FAD] =	sst s8  }
0x11: {  	[smem:$0x3FAE] =	sst s9;
	s0 =	simm.s32 @!p0 $0x0  }
0x12: {  	s1 =	sld [smem:$0x3F94];
	s0 =	simm.s32 @p0 $0x1  }
0x13: {  	[smem:$0x3FAF] =	sst s0;
	s0 =	simm.s32 @!p1 $0x0  }
0x14: {  	s2 =	sld [smem:$0x3F93];
	s0 =	simm.s32 @p1 $0x1  }
0x15: {  	[smem:$0x3FB0] =	sst s0;
	s0 =	simm.s32 @!p2 $0x0  }
0x16: {  	s3 =	sld [smem:$0x3FDB];
	s0 =	simm.s32 @p2 $0x1  }
0x17: {  	s4 =	simm.s32 $0x1BF5;
	[smem:$0x3FB2] =	sst s0  }
0x18: {  	s0 =	sld [smem:$0x3F95];
	_ =	swait.ge [sflag:s4], $0x0  }
0x19: {  	s7 =	sld [smem:$0x3F96]  }
0x1a: {  	s8 =	sadd.s32 $0xFFFFE003, lr  }
0x1b: {  	s9 =	sadd.s32 $0xFFFFFEF7, lr;
	s5 =	simm.s32 $0xFFFFFFFF;
	p2 =	slt.u32 s8, $0xFFFFF086  }
0x1c: {  	p1 =	slt.u32 s9, $0xF7A;
	s5 =	simm.s32 @!p2 $0x0  }
0x1d: {  	s5 =	simm.s32 @p1 $0x1;
	p0 =	seq.s32 s7, s2  }
0x1e: {  	s7 =	smul.u32 @!p0 $0xF7A, s2;
	p2 =	seq.s32 @!p0 s5, $0x0  }
0x1f: {  	s9 =	smul.u32 $0xF7A, s1;
	s8 =	simm.s32 @!p0 $0x1BF5;
	p2 =	por !p2, p0  }
0x20: {  	[sflag:s8] =	ssyncset.s32 @!p0 $0xFFFFF086;
	s6 =	sadd.s32 @!p0 s3, s7;
	s7 =	simm.s32 @!p0 $0x108  }
0x21: {  	s3 =	sadd.s32 s3, s9;
	s6 =	sadd.s32 @!p0 $0x88, s6;
	s7 =	simm.s32 @p2 $0x1082  }
0x22: {  	[simem:s7], [sflag:s8] =	dma.local @!p0 [hbm:s6], $0xF7A  }
0x23: {  	s9 =	sor.u32 $0xD0000000, s2;
	s6 =	simm.s32 $0x108;
	_ =	swait.ge @!p0 [sflag:s8], $0x0  }
0x24: {  	s3 =	sadd.s32 $0x88, s3;
	s6 =	simm.s32 @!p1 $0x1082;
	[sflag:s4] =	ssyncset.s32 $0xFFFFF086  }
0x25: {  	[simem:s6], [sflag:s4] =	dma.local [hbm:s3], $0xF7A  }
0x26: {  	[smem:$0x3F96] =	sst s1;
	(tag) =	ssettag s2;
	_ =	strace s9  }
0x27: {  	s1 =	sld [smem:$0x3FA6]  }
0x28: {  	s2 =	sld [smem:$0x3FA7]  }
0x29: {  	s4 =	sld [smem:$0x3FA9]  }
0x2a: {  	p0 =	seq.s32 s5, $0x0;
	s5 =	sld [smem:$0x3FAA]  }
0x2b: {  	s6 =	sld [smem:$0x3FAB]  }
0x2c: {  	s7 =	sld [smem:$0x3FAC]  }
0x2d: {  	s3 =	simm.s32 $0x108;
	s8 =	sld [smem:$0x3FAD]  }
0x2e: {  	s3 =	simm.s32 @!p0 $0x1082;
	s9 =	sld [smem:$0x3FAE]  }
0x2f: {  	lr =	sadd.s32 s0, s3;
	s0 =	sld [smem:$0x3FA5]  }
0x30: {  	s3 =	sld [smem:$0x3FA8]  }
0x31: {  	[smem:$0x3FB1] =	sst s10  }
0x32: {  	s10 =	sld [smem:$0x3FAF];
	_ =	sdelay $0x3  }
0x33: {  	p0 =	seq.s32 s10, $0x1;
	s10 =	sld [smem:$0x3FB1];
	_ =	sdelay $0x3  }
0x34: {  	[smem:$0x3FB1] =	sst s10  }
0x35: {  	s10 =	sld [smem:$0x3FB0];
	_ =	sdelay $0x3  }
0x36: {  	p1 =	seq.s32 s10, $0x1;
	s10 =	sld [smem:$0x3FB1];
	_ =	sdelay $0x3  }
0x37: {  	[smem:$0x3FB1] =	sst s10  }
0x38: {  	s10 =	sld [smem:$0x3FB2]  }
0x39: {  	_ = 	snop;
	(pc) =	sbr.ind lr, $3  }
0x3a: {  	_ = 	snop  }
0x3b: {  	_ = 	snop  }
0x3c: {  	p2 =	seq.s32 s10, $0x1;
	s10 =	sld [smem:$0x3FB1]  }
0x3d: {  	_ =	shalt  }
0x3e: {  	_ =	shalt  }
0x3f: {  	_ =	shalt  }
0x40: {  	_ =	shalt  }
0x41: {  	_ =	shalt  }
0x42: {  	_ =	shalt  }
0x43: {  	_ =	shalt  }
0x44: {  	_ =	shalt  }
0x45: {  	_ =	shalt  }
0x46: {  	_ =	shalt  }
0x47: {  	_ =	shalt  }
0x48: {  	_ =	shalt  }
0x49: {  	_ =	shalt  }
0x4a: {  	_ =	shalt  }
0x4b: {  	_ =	shalt  }
0x4c: {  	_ =	shalt  }
0x4d: {  	_ =	shalt  }
0x4e: {  	_ =	shalt  }
0x4f: {  	_ =	shalt  }
0x50: {  	_ =	shalt  }
0x51: {  	_ =	shalt  }
0x52: {  	_ =	shalt  }
0x53: {  	_ =	shalt  }
0x54: {  	_ =	shalt  }
0x55: {  	_ =	shalt  }
0x56: {  	_ =	shalt  }
0x57: {  	_ =	shalt  }
0x58: {  	_ =	shalt  }
0x59: {  	_ =	shalt  }
0x5a: {  	_ =	shalt  }
0x5b: {  	_ =	shalt  }
0x5c: {  	_ =	shalt  }
0x5d: {  	_ =	shalt  }
0x5e: {  	_ =	shalt  }
0x5f: {  	_ =	shalt  }
0x60: {  	_ =	shalt  }
0x61: {  	_ =	shalt  }
0x62: {  	_ =	shalt  }
0x63: {  	_ =	shalt  }
0x64: {  	_ =	shalt  }
0x65: {  	_ =	shalt  }
0x66: {  	_ =	shalt  }
0x67: {  	_ =	shalt  }
0x68: {  	_ =	shalt  }
0x69: {  	_ =	shalt  }
0x6a: {  	_ =	shalt  }
0x6b: {  	_ =	shalt  }
0x6c: {  	_ =	shalt  }
0x6d: {  	_ =	shalt  }
0x6e: {  	_ =	shalt  }
0x6f: {  	_ =	shalt  }
0x70: {  	_ =	shalt  }
0x71: {  	_ =	shalt  }
0x72: {  	_ =	shalt  }
0x73: {  	_ =	shalt  }
0x74: {  	_ =	shalt  }
0x75: {  	_ =	shalt  }
0x76: {  	_ =	shalt  }
0x77: {  	_ =	shalt  }
0x78: {  	_ =	shalt  }
0x79: {  	_ =	shalt  }
0x7a: {  	_ =	shalt  }
0x7b: {  	_ =	shalt  }
0x7c: {  	_ =	shalt  }
0x7d: {  	_ =	shalt  }
0x7e: {  	_ =	shalt  }
0x7f: {  	_ =	shalt  }
0x80: {  	_ =	shalt  }
0x81: {  	_ =	shalt  }
0x82: {  	_ =	shalt  }
0x83: {  	_ =	shalt  }
0x84: {  	_ =	shalt  }
0x85: {  	_ =	shalt  }
0x86: {  	_ =	shalt  }
0x87: {  	_ =	shalt  }
.Lfunc_end0:
.L_simem_size_0:
called_computation_lowered:
.L_overlay_start_0:
0x88: {  	s2 =	sld [smem:$0x3FD9]  }
0x89: {  	s3 =	sld [smem:$0x3FFE];
	_ =	sdelay $0x1  }
0x8a: {  	s1 =	srdreg.scid  }
0x8b: {  	s0 =	sand.u32 $0x1, s1  }
0x8c: {  	s17 =	sshll.u32 s0, $0xA;
	s2 =	sadd.s32 s3, s2  }
0x8d: {  	s2 =	sadd.s32 s2, s17  }
0x8e: {  	[smem:$0x3FBD] =	sst s2  }
0x8f: {  	_ = 	snop  }
0x90: {  	s2 =	sld [smem:$0x3FC9]  }
0x91: {  	s18 =	sld [smem:$0x3FD0];
	(tm) =	ssettm $0x1  }
0x92: {  	s4 =	sld [smem:$0x3FFB];
	_ =	sdelay $0x3  }
0x93: {  	_ =	strace s4  }
0x94: {  	s4 =	sld [smem:$0x3FFC];
	_ =	sdelay $0x3  }
0x95: {  	_ =	strace s4  }
0x96: {  	s4 =	sld [smem:$0x3FFD];
	_ =	sdelay $0x3  }
0x97: {  	_ =	strace s4  }
0x98: {  	_ =	strace $0x8FFFFFFF  }
0x99: {  	s19 =	sld [smem:$0x3FDB];
	_ =	sdelay $0x1  }
0x9a: {  	s5 =	simm.s32 $_scs_section_size  }
0x9b: {  	s6 =	simm.s32 $_size__tile_overlayer_lowered;
	s7 =	simm.s32 $_tile_overlayer_lowered  }
0x9c: {  	s22 =	simm.s32 $0x1BFF;
	s21 =	sshll.u32 s7, $0x1;
	s4 =	sadd.s32 s5, s19  }
0x9d: {  	s8 =	simm.s32 $0x0;
	s20 =	sshll.u32 s6, $0x1;
	s6 =	sadd.s32 s21, s4  }
0x9e: {  	[timem:s8], [sflag:s22] =	dma.local [hbm:s6], s20  }
0x9f: {  	_ =	swait.ge [sflag:s22], s20  }
0xa0: {  	s5 =	ssub.s32 $0x0, s20;
	[sflag:s22] =	ssyncset.done $0x0  }
0xa1: {  	[sflag:s22] =	ssyncadd.s32 s5;
	_ =	sdelay $0x1  }
0xa2: {  	s23 =	simm.s32 $0x1B8B  }
0xa3: {  	_ =	swait.ge [sflag:s23], $0x1  }
0xa4: {  	[sflag:s23] =	ssyncset.done $0x0  }
0xa5: {  	s25 =	simm.s32 $0x1B8E;
	s24 =	sld [smem:$0x3FFE];
	[sflag:s23] =	ssyncadd.s32 $0xFFFFFFFF  }
0xa6: {  	s26 =	simm.s32 $execute0_lowered;
	[smem:$0x3FD2] =	sst s25  }
0xa7: {  	s6 =	sshll.u32 s26, $0x1;
	_ =	strace $0x80000046;
	[dreg:$0x1] =	wrdreg $0xFFFFFFFF  }
0xa8: {  	s28 =	simm.s32 $_size_execute0_lowered;
	s4 =	sadd.s32 s4, s6;
	[dreg:$0x0] =	wrdreg $0x0  }
0xa9: {  	s6 =	sshll.u32 s28, $0x1;
	[dreg:$0x2] =	wrdreg s4  }
0xaa: {  	[dreg:$0x3] =	wrdreg s6  }
0xab: {  	[dreg:$0x4] =	wrdreg $0xC0  }
0xac: {  	_ =	task [dreg:s8], $0x5FFFF  }
0xad: {  	[dreg:$0x1] =	wrdreg $0xFFFFFFFF  }
0xae: {  	[dreg:$0x0] =	wrdreg $0x60  }
0xaf: {  	[dreg:$0x2] =	wrdreg s2  }
0xb0: {  	[dreg:$0x3] =	wrdreg s24  }
0xb1: {  	[dreg:$0x4] =	wrdreg s18  }
0xb2: {  	[dreg:$0x5] =	wrdreg $0x98000  }
0xb3: {  	[dreg:$0x6] =	wrdreg $0x9  }
0xb4: {  	_ =	task.clear_ibuf [dreg:s8], $0x7FFFF;
	_ =	strace $0x90000046  }
0xb5: {  	s29 =	simm.s32 $0x9;
	_ =	strace $0x80000048  }
0xb6: {  	_ =	swait.ge [sflag:s29], $0x1  }
0xb7: {  	[sflag:s29] =	ssyncadd.s32 $0xFFFFFFFF  }
0xb8: {  	_ =	strace $0x90000048  }
0xb9: {  	_ =	sfence  }
0xba: {  	s30 =	sld [smem:$0x0];
	_ =	sdelay $0x2  }
0xbb: {  	s31 =	sshll.u32 s1, $0xD;
	s1 =	sshrl.u32 s1, $0x2  }
0xbc: {  	s3 =	sand.u32 $0x4000, s31;
	s1 =	sadd.s32 s1, s30  }
0xbd: {  	s0 =	sor.u32 s3, s0;
	s1 =	sshll.u32 s1, $0x11  }
0xbe: {  	s0 =	sor.u32 s1, s0  }
0xbf: {  	s0 =	sadd.s32 $0x8F2B, s0  }
0xc0: {  	[sflag:s0] =	ssyncadd.remote.s32 $0x1  }
0xc1: {  	_ =	sfence.sel $0xFFFF  }
0xc2: {  	[dreg:$0x0] =	wrdreg $0xFFFFFFFF;
	(pc) =	sbr.abs _section_cstart, $3  }
0xc3: {  	[dreg:$0x1] =	wrdreg $0xFFFFFFFF  }
0xc4: {  	_ =	task.clear_ibuf [dreg:s8], $0x2FFFF;
	_ =	strace $0x9FFFFFFF  }
0xc5: {  	(tm) =	ssettm $0x7FFFFFFF  }
tec
execute0_lowered:
.L_overlay_start_1:
0x0: {  	(tag) =	ssettag $0x1  }
0x1: {  	s1 =	rddreg [dreg:$0x0]  }
0x2: {  	s2 =	rddreg [dreg:$0x1]  }
0x3: {  	s6 =	rddreg [dreg:$0x2];
	s14 =	stileid.u32  }
0x4: {  	s0 =	srdreg.scid;
	s3 =	rddreg [dreg:$0x3]  }
0x5: {  	s4 =	simm.s32 $0x0;
	s19 =	simm.s32 $0x80;
	s20 =	simm.s32 $0x100  }
0x6: {  	s21 =	simm.s32 $0x180;
	s22 =	simm.s32 $0x1080;
	[smem:$0x7FF] =	sst s4  }
0x7: {  	s24 =	simm.s32 $0x200;
	_ =	strace $0x80000047;
	[dreg:$0x7] =	wrdreg s19  }
0x8: {  	s26 =	simm.s32 $0x1100;
	s15 =	simm.s32 $0x1180;
	[dreg:$0x8] =	wrdreg s20  }
0x9: {  	s28 =	simm.s32 $0x1800;
	s29 =	simm.s32 $0x980;
	[dreg:$0x9] =	wrdreg s21  }
0xa: {  	s30 =	simm.s32 $0x1880;
	s31 =	simm.s32 $0xA00;
	[dreg:$0xa] =	wrdreg s22  }
0xb: {  	s0 =	sand.u32 $0x1, s0;
	s5 =	smul.u32 $0xA000, s14;
	[dreg:$0xb] =	wrdreg s24  }
0xc: {  	s10 =	smul.u32 $0x2700, s14;
	s17 =	sshll.u32 s14, $0x1;
	[dreg:$0xc] =	wrdreg s26  }
0xd: {  	s18 =	smul.u32 $0x4E000, s14;
	[dreg:$0xe] =	wrdreg s15;
	s15 =	sadd.s32 $0x27000, s1  }
0xe: {  	s25 =	sshll.u32 s14, $0x6;
	s19 =	simm.s32 $0x1280;
	[smem:$0x7EA] =	sst s15  }
0xf: {  	p2 =	seq.s32 s14, $0xF;
	s20 =	simm.s32 $0x400;
	[dreg:$0x12] =	wrdreg s19  }
0x10: {  	p3 =	sne.s32 s14, $0xF;
	s21 =	simm.s32 $0x1300;
	[dreg:$0x13] =	wrdreg s20  }
0x11: {  	s14 =	simm.s32 $0x1A80;
	s22 =	simm.s32 $0x480;
	[dreg:$0x14] =	wrdreg s21  }
0x12: {  	s7 =	smul.u32 $0x5000, s0;
	s24 =	simm.s32 $0x500;
	[dreg:$0x15] =	wrdreg s22  }
0x13: {  	s8 =	ssub.s32 $0x2, s0;
	s26 =	simm.s32 $0x1400;
	[dreg:$0x17] =	wrdreg s24  }
0x14: {  	p1 =	seq.s32 s0, $0x0;
	s23 =	sadd.s32 s1, s10;
	[dreg:$0x18] =	wrdreg s26  }
0x15: {  	s11 =	sadd.s32 s10, s2;
	s10 =	sadd.s32 s6, s10;
	[smem:$0x7E8] =	sst s23  }
0x16: {  	p0 =	seq.s32 s0, $0x1;
	s6 =	sadd.s32 $0x27000, s6;
	[smem:$0x7ED] =	sst s10  }
0x17: {  	p4 =	sne.s32 s0, $0x0;
	s15 =	simm.s32 $0x680;
	[smem:$0x7EF] =	sst s6  }
0x18: {  	s12 =	sshrl.u32 s8, $0x1;
	s19 =	simm.s32 $0x1600;
	[dreg:$0x1d] =	wrdreg s15  }
0x19: {  	p1 =	por !p2, !p1;
	s20 =	simm.s32 $0x780;
	[smem:$0x7F4] =	sst s19  }
0x1a: {  	p2 =	por !p2, !p0;
	s21 =	simm.s32 $0x1680;
	[smem:$0x7F7] =	sst s20  }
0x1b: {  	s22 =	simm.s32 $0x800;
	s24 =	simm.s32 $0x880;
	[smem:$0x7F8] =	sst s21  }
0x1c: {  	s26 =	simm.s32 $0x900;
	s5 =	sadd.s32 s7, s5;
	[smem:$0x7F9] =	sst s22  }
0x1d: {  	s7 =	sadd.s32 $0x2400, s2;
	s23 =	simm.s32 $0x1380;
	[smem:$0x7FB] =	sst s24  }
0x1e: {  	s10 =	simm.s32 $0x580;
	p1 =	por !p1, !p1;
	[smem:$0x7FD] =	sst s26  }
0x1f: {  	p2 =	por !p2, !p2;
	s2 =	sadd.s32 $0x51400, s2;
	[dreg:$0x16] =	wrdreg s23  }
0x20: {  	s9 =	sadd.s32 $0xA0000, s5;
	s5 =	sshrl.u32 s5, $0x3;
	[dreg:$0x19] =	wrdreg s10  }
0x21: {  	[smem:$0x7F0] =	sst s2;
	s23 =	simm.s32 $0x1700;
	s13 =	sshrl.u32 s9, $0x3  }
0x22: {  	s9 =	ssub.s32 s8, s12;
	s5 =	sadd.s32 s5, s7;
	[smem:$0x7FA] =	sst s23  }
0x23: {  	s12 =	sor.u32 s0, s17;
	s17 =	simm.s32 $0x1200;
	[dreg:$0x6] =	wrdreg s5  }
0x24: {  	s8 =	sshrl.u32 s18, $0x2;
	s18 =	simm.s32 $0x380;
	[dreg:$0x10] =	wrdreg s17  }
0x25: {  	s19 =	simm.s32 $0x3;
	s16 =	sadd.s32 s13, s7;
	[dreg:$0x11] =	wrdreg s18  }
0x26: {  	s20 =	simm.s32 $0x1000;
	s13 =	sor.u32 $0x1C02, s25;
	[dreg:$0x5] =	wrdreg s16  }
0x27: {  	s22 =	simm.s32 $0x50;
	s25 =	sadd.s32 $0x2A400, s11;
	[smem:$0x7E9] =	sst s13  }
0x28: {  	s24 =	simm.s32 $0x4800;
	s11 =	simm.s32 $0x1480;
	[smem:$0x7EE] =	sst s25  }
0x29: {  	s26 =	simm.s32 $0x1;
	s17 =	smax.u32 s9, $0x1;
	[dreg:$0x1a] =	wrdreg s11  }
0x2a: {  	s6 =	simm.s32 $0xA80;
	s18 =	simm.s32 $0x700;
	[smem:$0x7F1] =	sst s17  }
0x2b: {  	s15 =	simm.s32 $0xC00;
	s5 =	sadd.s32 s8, s3;
	[dreg:$0x1f] =	wrdreg s18  }
0x2c: {  	s2 =	simm.s32 $0x1900;
	s8 =	sadd.s32 $0x138000, s3;
	[smem:$0x7F2] =	sst s5  }
0x2d: {  	s10 =	simm.s32 $0x1B00;
	s13 =	simm.s32 $0x280;
	[smem:$0x7F5] =	sst s8  }
0x2e: {  	s23 =	simm.s32 $0x2000;
	s16 =	simm.s32 $0x300;
	[dreg:$0xd] =	wrdreg s13  }
0x2f: {  	s12 =	smul.u32 $0x5000, s12;
	s5 =	sshrl.u32 s5, $0x3;
	[dreg:$0xf] =	wrdreg s16  }
0x30: {  	s9 =	simm.s32 $0x1980;
	s25 =	simm.s32 $0x1780;
	[smem:$0x7F3] =	sst s5  }
0x31: {  	s11 =	simm.s32 $0xB00;
	s13 =	simm.s32 $0x1500;
	[smem:$0x7FC] =	sst s25  }
0x32: {  	s17 =	simm.s32 $0x1C00;
	s16 =	simm.s32 $0x1580;
	[dreg:$0x1c] =	wrdreg s13  }
0x33: {  	s12 =	sshrl.u32 s12, $0x3;
	s5 =	sshrl.u32 @!p3 s8, $0x3;
	[dreg:$0x1e] =	wrdreg s16  }
0x34: {  	s25 =	simm.s32 $0x7000;
	s12 =	sadd.s32 s7, s12;
	[smem:$0x7F6] =	sst s5  }
0x35: {  	s8 =	simm.s32 $0x0;
	[smem:$0x7EB] =	sst s12;
	s12 =	sadd.s32 $0x14000, s12  }
0x36: {  	s13 =	simm.s32 $0xB80;
	[smem:$0x7EC] =	sst s12;
	s12 =	simm.s32 $0x600  }
0x37: {  	s16 =	simm.s32 $0x1B80;
	[dreg:$0x1b] =	wrdreg s12;
	s12 =	simm.s32 $0x1A00  }
.LBB2_1:
0x38: {  	s0 =	sld [smem:$0x7E8]  }
0x39: {  	s5 =	sld [smem:$0x7E9]  }
0x3a: {  	s7 =	sld [smem:$0x7F3];
	_ =	sdelay $0x1  }
0x3b: {  	[smem:$0x7E7] =	sst s8  }
0x3c: {  	[spmem:s7], [sflag:s5] =	dma.local [hbm:s0], $0x2700  }
0x3d: {  	s0 =	sld [smem:$0x7EA]  }
0x3e: {  	s7 =	sld [smem:$0x7F6];
	_ =	sdelay $0x2  }
0x3f: {  	[spmem:s7], [sflag:s5] =	dma.local @!p3 [hbm:s0], $0x100  }
0x40: {  	s0 =	sld [smem:$0x7EB];
	_ =	sdelay $0x2  }
0x41: {  	[tilespmem:s4], [sflag:$0x3] =	stream.linear.gather [hbm4b:s0+s4], $0xC80, $0x38;
	[tilespmem:$0x1D080] =	vst v63  }
0x42: {  	_ =	swait.ge [sflag:s19], $0xC80  }
0x43: {  	s5 =	sld [smem:$0x7EC]  }
0x44: {  	[sflag:s19] =	ssyncset.done $0x0  }
0x45: {  	[sflag:s19] =	ssyncadd.s32 $0xFFFFF380  }
0x46: {  	[tilespmem:s20], [sflag:$0x3] =	stream.linear.gather [hbm4b:s5+s4], $0xC80, $0x38;
	[tilespmem:$0x1D080] =	vst v63  }
0x47: {  	_ =	swait.ge [sflag:s19], $0xC80  }
0x48: {  	[sflag:s19] =	ssyncset.done $0x0  }
0x49: {  	s7 =	simm.s32 $0x2;
	[sflag:s19] =	ssyncadd.s32 $0xFFFFF380  }
0x4a: {  	_ =	swait.ge [sflag:s7], $0x2700  }
0x4b: {  	[sflag:s7] =	ssyncset.done $0x0  }
0x4c: {  	s0 =	simm.s32 @!p3 $0x2;
	[sflag:s7] =	ssyncadd.s32 $0xFFFFD900  }
0x4d: {  	_ =	swait.ge @!p3 [sflag:s0], $0x100  }
0x4e: {  	[sflag:s0] =	ssyncset.done @!p3 $0x0  }
0x4f: {  	[sflag:s0] =	ssyncadd.s32 @!p3 $0xFFFFFF00  }
0x50: {  	[bflag:$0x0] =	sbarrier.arrive $0xFFFF  }
0x51: {  	p5 =	por $0x1, $0x1;
	s0 =	rddreg [dreg:$0x6]  }
0x52: {  	s21 =	simm.s32 @!p5 $0x3;
	s7 =	simm.s32 @!p5 $0x0;
	s0 =	sadd.s32 @!p5 $0x0, s0  }
0x53: {  	[tilespmem:s7], [sflag:$0x3] =	stream.linear.gather @!p5 [hbm4b:s0+s7], $0xC80, $0x38;
	[tilespmem:$0x1D080] =	vst v63  }
0x54: {  	_ =	swait.ge @!p5 [sflag:s21], $0xC80  }
0x55: {  	s0 =	rddreg [dreg:$0x5];
	[sflag:s21] =	ssyncset.done @!p5 $0x0  }
0x56: {  	s5 =	simm.s32 @!p5 $0x1000;
	[sflag:s21] =	ssyncadd.s32 @!p5 $0xFFFFF380;
	s0 =	sadd.s32 @!p5 $0x0, s0  }
0x57: {  	[tilespmem:s5], [sflag:$0x3] =	stream.linear.gather @!p5 [hbm4b:s0+s7], $0xC80, $0x38;
	[tilespmem:$0x1D080] =	vst v63  }
0x58: {  	_ =	swait.ge @!p5 [sflag:s21], $0xC80  }
0x59: {  	[sflag:s21] =	ssyncset.done @!p5 $0x0  }
0x5a: {  	[sflag:s21] =	ssyncadd.s32 @!p5 $0xFFFFF380  }
0x5b: {  	[tilespmem:s23], [sflag:$0x1] =	stream.indirect.gather [hbm4b:s1+s22], $0x80, s4, s22, $0xb8;
	[tilespmem:$0x1D080] =	vst v63  }
0x5c: {  	s8 =	rddreg [dreg:$0x7]  }
0x5d: {  	[tilespmem:s24], [sflag:$0x1] =	stream.indirect.gather [hbm4b:s1+s22], $0x80, s8, s22, $0xb8;
	[tilespmem:$0x1D080] =	vst v63  }
0x5e: {  	s18 =	rddreg [dreg:$0x8]  }
0x5f: {  	[tilespmem:s25], [sflag:$0x1] =	stream.indirect.gather [hbm4b:s1+s22], $0x80, s18, s22, $0xb8;
	[tilespmem:$0x1D080] =	vst v63  }
0x60: {  	_ =	swait.ge [sflag:s26], $0x2800  }
0x61: {  	[sflag:s26] =	ssyncset.done $0x0  }
0x62: {  	[sflag:s26] =	ssyncadd.s32 $0xFFFFD800  }
0x63: {  	[spmem:s3] =	stream.indirect.scatter.add.f32 [tilespmem:s23], [sflag:$0x3], $0x80, s20, s22, $0xb8;
	[tilespmem:$0x1D080] =	vst v63  }
0x64: {  	_ =	swait.ge [sflag:s19], $0x2800  }
0x65: {  	[sflag:s19] =	ssyncset.done $0x0  }
0x66: {  	s21 =	rddreg [dreg:$0x9];
	[sflag:s19] =	ssyncadd.s32 $0xFFFFD800  }
0x67: {  	[tilespmem:s23], [sflag:$0x1] =	stream.indirect.gather [hbm4b:s1+s22], $0x80, s21, s22, $0xb8;
	[tilespmem:$0x1D080] =	vst v63  }
0x68: {  	_ =	swait.ge [sflag:s26], $0x2800  }
0x69: {  	[sflag:s26] =	ssyncset.done $0x0  }
0x6a: {  	s5 =	rddreg [dreg:$0xa];
	[sflag:s26] =	ssyncadd.s32 $0xFFFFD800  }
0x6b: {  	[spmem:s3] =	stream.indirect.scatter.add.f32 [tilespmem:s24], [sflag:$0x3], $0x80, s5, s22, $0xb8;
	[tilespmem:$0x1D080] =	vst v63  }
0x6c: {  	_ =	swait.ge [sflag:s19], $0x2800  }
0x6d: {  	[sflag:s19] =	ssyncset.done $0x0  }
0x6e: {  	s7 =	rddreg [dreg:$0xb];
	[sflag:s19] =	ssyncadd.s32 $0xFFFFD800  }
0x6f: {  	[tilespmem:s24], [sflag:$0x1] =	stream.indirect.gather [hbm4b:s1+s22], $0x80, s7, s22, $0xb8;
	[tilespmem:$0x1D080] =	vst v63  }
0x70: {  	_ =	swait.ge [sflag:s26], $0x2800  }
0x71: {  	[sflag:s26] =	ssyncset.done $0x0  }
0x72: {  	s8 =	rddreg [dreg:$0xc];
	[sflag:s26] =	ssyncadd.s32 $0xFFFFD800  }
0x73: {  	[spmem:s3] =	stream.indirect.scatter.add.f32 [tilespmem:s25], [sflag:$0x3], $0x80, s8, s22, $0xb8;
	[tilespmem:$0x1D080] =	vst v63  }
0x74: {  	_ =	swait.ge [sflag:s19], $0x2800  }
0x75: {  	[sflag:s19] =	ssyncset.done $0x0  }
0x76: {  	s18 =	rddreg [dreg:$0xd];
	[sflag:s19] =	ssyncadd.s32 $0xFFFFD800  }
0x77: {  	[tilespmem:s25], [sflag:$0x1] =	stream.indirect.gather [hbm4b:s1+s22], $0x80, s18, s22, $0xb8;
	[tilespmem:$0x1D080] =	vst v63  }
0x78: {  	_ =	swait.ge [sflag:s26], $0x2800  }
0x79: {  	[sflag:s26] =	ssyncset.done $0x0  }
0x7a: {  	s21 =	rddreg [dreg:$0xe];
	[sflag:s26] =	ssyncadd.s32 $0xFFFFD800  }
0x7b: {  	[spmem:s3] =	stream.indirect.scatter.add.f32 [tilespmem:s23], [sflag:$0x3], $0x80, s21, s22, $0xb8;
	[tilespmem:$0x1D080] =	vst v63  }
0x7c: {  	_ =	swait.ge [sflag:s19], $0x2800  }
0x7d: {  	[sflag:s19] =	ssyncset.done $0x0  }
0x7e: {  	s5 =	rddreg [dreg:$0xf];
	[sflag:s19] =	ssyncadd.s32 $0xFFFFD800  }
0x7f: {  	[tilespmem:s23], [sflag:$0x1] =	stream.indirect.gather [hbm4b:s1+s22], $0x80, s5, s22, $0xb8;
	[tilespmem:$0x1D080] =	vst v63  }
0x80: {  	_ =	swait.ge [sflag:s26], $0x2800  }
0x81: {  	[sflag:s26] =	ssyncset.done $0x0  }
0x82: {  	s7 =	rddreg [dreg:$0x10];
	[sflag:s26] =	ssyncadd.s32 $0xFFFFD800  }
0x83: {  	[spmem:s3] =	stream.indirect.scatter.add.f32 [tilespmem:s24], [sflag:$0x3], $0x80, s7, s22, $0xb8;
	[tilespmem:$0x1D080] =	vst v63  }
0x84: {  	_ =	swait.ge [sflag:s19], $0x2800  }
0x85: {  	[sflag:s19] =	ssyncset.done $0x0  }
0x86: {  	s8 =	rddreg [dreg:$0x11];
	[sflag:s19] =	ssyncadd.s32 $0xFFFFD800  }
0x87: {  	[tilespmem:s24], [sflag:$0x1] =	stream.indirect.gather [hbm4b:s1+s22], $0x80, s8, s22, $0xb8;
	[tilespmem:$0x1D080] =	vst v63  }
0x88: {  	_ =	swait.ge [sflag:s26], $0x2800  }
0x89: {  	[sflag:s26] =	ssyncset.done $0x0  }
0x8a: {  	s18 =	rddreg [dreg:$0x12];
	[sflag:s26] =	ssyncadd.s32 $0xFFFFD800  }
0x8b: {  	[spmem:s3] =	stream.indirect.scatter.add.f32 [tilespmem:s25], [sflag:$0x3], $0x80, s18, s22, $0xb8;
	[tilespmem:$0x1D080] =	vst v63  }
0x8c: {  	_ =	swait.ge [sflag:s19], $0x2800  }
0x8d: {  	[sflag:s19] =	ssyncset.done $0x0  }
0x8e: {  	s21 =	rddreg [dreg:$0x13];
	[sflag:s19] =	ssyncadd.s32 $0xFFFFD800  }
0x8f: {  	[tilespmem:s25], [sflag:$0x1] =	stream.indirect.gather [hbm4b:s1+s22], $0x80, s21, s22, $0xb8;
	[tilespmem:$0x1D080] =	vst v63  }
0x90: {  	_ =	swait.ge [sflag:s26], $0x2800  }
0x91: {  	[sflag:s26] =	ssyncset.done $0x0  }
0x92: {  	s5 =	rddreg [dreg:$0x14];
	[sflag:s26] =	ssyncadd.s32 $0xFFFFD800  }
0x93: {  	[spmem:s3] =	stream.indirect.scatter.add.f32 [tilespmem:s23], [sflag:$0x3], $0x80, s5, s22, $0xb8;
	[tilespmem:$0x1D080] =	vst v63  }
0x94: {  	_ =	swait.ge [sflag:s19], $0x2800  }
0x95: {  	[sflag:s19] =	ssyncset.done $0x0  }
0x96: {  	s7 =	rddreg [dreg:$0x15];
	[sflag:s19] =	ssyncadd.s32 $0xFFFFD800  }
0x97: {  	[tilespmem:s23], [sflag:$0x1] =	stream.indirect.gather [hbm4b:s1+s22], $0x80, s7, s22, $0xb8;
	[tilespmem:$0x1D080] =	vst v63  }
0x98: {  	_ =	swait.ge [sflag:s26], $0x2800  }
0x99: {  	[sflag:s26] =	ssyncset.done $0x0  }
0x9a: {  	s8 =	rddreg [dreg:$0x16];
	[sflag:s26] =	ssyncadd.s32 $0xFFFFD800  }
0x9b: {  	[spmem:s3] =	stream.indirect.scatter.add.f32 [tilespmem:s24], [sflag:$0x3], $0x80, s8, s22, $0xb8;
	[tilespmem:$0x1D080] =	vst v63  }
0x9c: {  	_ =	swait.ge [sflag:s19], $0x2800  }
0x9d: {  	[sflag:s19] =	ssyncset.done $0x0  }
0x9e: {  	s18 =	rddreg [dreg:$0x17];
	[sflag:s19] =	ssyncadd.s32 $0xFFFFD800  }
0x9f: {  	[tilespmem:s24], [sflag:$0x1] =	stream.indirect.gather [hbm4b:s1+s22], $0x80, s18, s22, $0xb8;
	[tilespmem:$0x1D080] =	vst v63  }
0xa0: {  	_ =	swait.ge [sflag:s26], $0x2800  }
0xa1: {  	[sflag:s26] =	ssyncset.done $0x0  }
0xa2: {  	s21 =	rddreg [dreg:$0x18];
	[sflag:s26] =	ssyncadd.s32 $0xFFFFD800  }
0xa3: {  	[spmem:s3] =	stream.indirect.scatter.add.f32 [tilespmem:s25], [sflag:$0x3], $0x80, s21, s22, $0xb8;
	[tilespmem:$0x1D080] =	vst v63  }
0xa4: {  	_ =	swait.ge [sflag:s19], $0x2800  }
0xa5: {  	[sflag:s19] =	ssyncset.done $0x0  }
0xa6: {  	s5 =	rddreg [dreg:$0x19];
	[sflag:s19] =	ssyncadd.s32 $0xFFFFD800  }
0xa7: {  	[tilespmem:s25], [sflag:$0x1] =	stream.indirect.gather [hbm4b:s1+s22], $0x80, s5, s22, $0xb8;
	[tilespmem:$0x1D080] =	vst v63  }
0xa8: {  	_ =	swait.ge [sflag:s26], $0x2800  }
0xa9: {  	[sflag:s26] =	ssyncset.done $0x0  }
0xaa: {  	s7 =	rddreg [dreg:$0x1a];
	[sflag:s26] =	ssyncadd.s32 $0xFFFFD800  }
0xab: {  	[spmem:s3] =	stream.indirect.scatter.add.f32 [tilespmem:s23], [sflag:$0x3], $0x80, s7, s22, $0xb8;
	[tilespmem:$0x1D080] =	vst v63  }
0xac: {  	_ =	swait.ge [sflag:s19], $0x2800  }
0xad: {  	[sflag:s19] =	ssyncset.done $0x0  }
0xae: {  	s8 =	rddreg [dreg:$0x1b];
	[sflag:s19] =	ssyncadd.s32 $0xFFFFD800  }
0xaf: {  	[tilespmem:s23], [sflag:$0x1] =	stream.indirect.gather [hbm4b:s1+s22], $0x80, s8, s22, $0xb8;
	[tilespmem:$0x1D080] =	vst v63  }
0xb0: {  	_ =	swait.ge [sflag:s26], $0x2800  }
0xb1: {  	[sflag:s26] =	ssyncset.done $0x0  }
0xb2: {  	s18 =	rddreg [dreg:$0x1c];
	[sflag:s26] =	ssyncadd.s32 $0xFFFFD800  }
0xb3: {  	[spmem:s3] =	stream.indirect.scatter.add.f32 [tilespmem:s24], [sflag:$0x3], $0x80, s18, s22, $0xb8;
	[tilespmem:$0x1D080] =	vst v63  }
0xb4: {  	_ =	swait.ge [sflag:s19], $0x2800  }
0xb5: {  	[sflag:s19] =	ssyncset.done $0x0  }
0xb6: {  	s21 =	rddreg [dreg:$0x1d];
	[sflag:s19] =	ssyncadd.s32 $0xFFFFD800  }
0xb7: {  	[tilespmem:s24], [sflag:$0x1] =	stream.indirect.gather [hbm4b:s1+s22], $0x80, s21, s22, $0xb8;
	[tilespmem:$0x1D080] =	vst v63  }
0xb8: {  	_ =	swait.ge [sflag:s26], $0x2800  }
0xb9: {  	[sflag:s26] =	ssyncset.done $0x0  }
0xba: {  	s5 =	rddreg [dreg:$0x1e];
	[sflag:s26] =	ssyncadd.s32 $0xFFFFD800  }
0xbb: {  	[spmem:s3] =	stream.indirect.scatter.add.f32 [tilespmem:s25], [sflag:$0x3], $0x80, s5, s22, $0xb8;
	[tilespmem:$0x1D080] =	vst v63  }
0xbc: {  	_ =	swait.ge [sflag:s19], $0x2800  }
0xbd: {  	[sflag:s19] =	ssyncset.done $0x0  }
0xbe: {  	s7 =	rddreg [dreg:$0x1f];
	[sflag:s19] =	ssyncadd.s32 $0xFFFFD800  }
0xbf: {  	[tilespmem:s25], [sflag:$0x1] =	stream.indirect.gather [hbm4b:s1+s22], $0x80, s7, s22, $0xb8;
	[tilespmem:$0x1D080] =	vst v63  }
0xc0: {  	_ =	swait.ge [sflag:s26], $0x2800  }
0xc1: {  	s8 =	sld [smem:$0x7F4]  }
0xc2: {  	[sflag:s26] =	ssyncset.done $0x0  }
0xc3: {  	[sflag:s26] =	ssyncadd.s32 $0xFFFFD800  }
0xc4: {  	[spmem:s3] =	stream.indirect.scatter.add.f32 [tilespmem:s23], [sflag:$0x3], $0x80, s8, s22, $0xb8;
	[tilespmem:$0x1D080] =	vst v63  }
0xc5: {  	_ =	swait.ge [sflag:s19], $0x2800  }
0xc6: {  	s18 =	sld [smem:$0x7F7]  }
0xc7: {  	[sflag:s19] =	ssyncset.done $0x0  }
0xc8: {  	[sflag:s19] =	ssyncadd.s32 $0xFFFFD800  }
0xc9: {  	[tilespmem:s23], [sflag:$0x1] =	stream.indirect.gather [hbm4b:s1+s22], $0x80, s18, s22, $0xb8;
	[tilespmem:$0x1D080] =	vst v63  }
0xca: {  	_ =	swait.ge [sflag:s26], $0x2800  }
0xcb: {  	s21 =	sld [smem:$0x7F8]  }
0xcc: {  	[sflag:s26] =	ssyncset.done $0x0  }
0xcd: {  	[sflag:s26] =	ssyncadd.s32 $0xFFFFD800  }
0xce: {  	[spmem:s3] =	stream.indirect.scatter.add.f32 [tilespmem:s24], [sflag:$0x3], $0x80, s21, s22, $0xb8;
	[tilespmem:$0x1D080] =	vst v63  }
0xcf: {  	_ =	swait.ge [sflag:s19], $0x2800  }
0xd0: {  	s5 =	sld [smem:$0x7F9]  }
0xd1: {  	[sflag:s19] =	ssyncset.done $0x0  }
0xd2: {  	[sflag:s19] =	ssyncadd.s32 $0xFFFFD800  }
0xd3: {  	[tilespmem:s24], [sflag:$0x1] =	stream.indirect.gather [hbm4b:s1+s22], $0x80, s5, s22, $0xb8;
	[tilespmem:$0x1D080] =	vst v63  }
0xd4: {  	_ =	swait.ge [sflag:s26], $0x2800  }
0xd5: {  	s7 =	sld [smem:$0x7FA]  }
0xd6: {  	[sflag:s26] =	ssyncset.done $0x0  }
0xd7: {  	[sflag:s26] =	ssyncadd.s32 $0xFFFFD800  }
0xd8: {  	[spmem:s3] =	stream.indirect.scatter.add.f32 [tilespmem:s25], [sflag:$0x3], $0x80, s7, s22, $0xb8;
	[tilespmem:$0x1D080] =	vst v63  }
0xd9: {  	_ =	swait.ge [sflag:s19], $0x2800  }
0xda: {  	s8 =	sld [smem:$0x7FB]  }
0xdb: {  	[sflag:s19] =	ssyncset.done $0x0  }
0xdc: {  	[sflag:s19] =	ssyncadd.s32 $0xFFFFD800  }
0xdd: {  	[tilespmem:s25], [sflag:$0x1] =	stream.indirect.gather [hbm4b:s1+s22], $0x80, s8, s22, $0xb8;
	[tilespmem:$0x1D080] =	vst v63  }
0xde: {  	_ =	swait.ge [sflag:s26], $0x2800  }
0xdf: {  	s18 =	sld [smem:$0x7FC]  }
0xe0: {  	[sflag:s26] =	ssyncset.done $0x0  }
0xe1: {  	[sflag:s26] =	ssyncadd.s32 $0xFFFFD800  }
0xe2: {  	[spmem:s3] =	stream.indirect.scatter.add.f32 [tilespmem:s23], [sflag:$0x3], $0x80, s18, s22, $0xb8;
	[tilespmem:$0x1D080] =	vst v63  }
0xe3: {  	_ =	swait.ge [sflag:s19], $0x2800  }
0xe4: {  	s21 =	sld [smem:$0x7FD]  }
0xe5: {  	[sflag:s19] =	ssyncset.done $0x0  }
0xe6: {  	[sflag:s19] =	ssyncadd.s32 $0xFFFFD800  }
0xe7: {  	[tilespmem:s23], [sflag:$0x1] =	stream.indirect.gather [hbm4b:s1+s22], $0x80, s21, s22, $0xb8;
	[tilespmem:$0x1D080] =	vst v63  }
0xe8: {  	_ =	swait.ge [sflag:s26], $0x2800  }
0xe9: {  	[sflag:s26] =	ssyncset.done $0x0  }
0xea: {  	[sflag:s26] =	ssyncadd.s32 $0xFFFFD800  }
0xeb: {  	[spmem:s3] =	stream.indirect.scatter.add.f32 [tilespmem:s24], [sflag:$0x3], $0x80, s28, s22, $0xb8;
	[tilespmem:$0x1D080] =	vst v63  }
0xec: {  	_ =	swait.ge [sflag:s19], $0x2800  }
0xed: {  	[sflag:s19] =	ssyncset.done $0x0  }
0xee: {  	[sflag:s19] =	ssyncadd.s32 $0xFFFFD800  }
0xef: {  	[tilespmem:s24], [sflag:$0x1] =	stream.indirect.gather [hbm4b:s1+s22], $0x80, s29, s22, $0xb8;
	[tilespmem:$0x1D080] =	vst v63  }
0xf0: {  	_ =	swait.ge [sflag:s26], $0x2800  }
0xf1: {  	[sflag:s26] =	ssyncset.done $0x0  }
0xf2: {  	[sflag:s26] =	ssyncadd.s32 $0xFFFFD800  }
0xf3: {  	[spmem:s3] =	stream.indirect.scatter.add.f32 [tilespmem:s25], [sflag:$0x3], $0x80, s30, s22, $0xb8;
	[tilespmem:$0x1D080] =	vst v63  }
0xf4: {  	_ =	swait.ge [sflag:s19], $0x2800  }
0xf5: {  	[sflag:s19] =	ssyncset.done $0x0  }
0xf6: {  	[sflag:s19] =	ssyncadd.s32 $0xFFFFD800  }
0xf7: {  	[tilespmem:s25], [sflag:$0x1] =	stream.indirect.gather [hbm4b:s1+s22], $0x80, s31, s22, $0xb8;
	[tilespmem:$0x1D080] =	vst v63  }
0xf8: {  	_ =	swait.ge [sflag:s26], $0x2800  }
0xf9: {  	[sflag:s26] =	ssyncset.done $0x0  }
0xfa: {  	[sflag:s26] =	ssyncadd.s32 $0xFFFFD800  }
0xfb: {  	[spmem:s3] =	stream.indirect.scatter.add.f32 [tilespmem:s23], [sflag:$0x3], $0x80, s2, s22, $0xb8;
	[tilespmem:$0x1D080] =	vst v63  }
0xfc: {  	_ =	swait.ge [sflag:s19], $0x2800  }
0xfd: {  	[sflag:s19] =	ssyncset.done $0x0  }
0xfe: {  	[sflag:s19] =	ssyncadd.s32 $0xFFFFD800  }
0xff: {  	[tilespmem:s23], [sflag:$0x1] =	stream.indirect.gather [hbm4b:s1+s22], $0x80, s6, s22, $0xb8;
	[tilespmem:$0x1D080] =	vst v63  }
0x100: {  	_ =	swait.ge [sflag:s26], $0x2800  }
0x101: {  	[sflag:s26] =	ssyncset.done $0x0  }
0x102: {  	[sflag:s26] =	ssyncadd.s32 $0xFFFFD800  }
0x103: {  	[spmem:s3] =	stream.indirect.scatter.add.f32 [tilespmem:s24], [sflag:$0x3], $0x80, s9, s22, $0xb8;
	[tilespmem:$0x1D080] =	vst v63  }
0x104: {  	_ =	swait.ge [sflag:s19], $0x2800  }
0x105: {  	[sflag:s19] =	ssyncset.done $0x0  }
0x106: {  	[sflag:s19] =	ssyncadd.s32 $0xFFFFD800  }
0x107: {  	[tilespmem:s24], [sflag:$0x1] =	stream.indirect.gather [hbm4b:s1+s22], $0x80, s11, s22, $0xb8;
	[tilespmem:$0x1D080] =	vst v63  }
0x108: {  	_ =	swait.ge [sflag:s26], $0x2800  }
0x109: {  	[sflag:s26] =	ssyncset.done $0x0  }
0x10a: {  	[sflag:s26] =	ssyncadd.s32 $0xFFFFD800  }
0x10b: {  	[spmem:s3] =	stream.indirect.scatter.add.f32 [tilespmem:s25], [sflag:$0x3], $0x80, s12, s22, $0xb8;
	[tilespmem:$0x1D080] =	vst v63  }
0x10c: {  	_ =	swait.ge [sflag:s19], $0x2800  }
0x10d: {  	[sflag:s19] =	ssyncset.done $0x0  }
0x10e: {  	[sflag:s19] =	ssyncadd.s32 $0xFFFFD800  }
0x10f: {  	[tilespmem:s25], [sflag:$0x1] =	stream.indirect.gather [hbm4b:s1+s22], $0x80, s13, s22, $0xb8;
	[tilespmem:$0x1D080] =	vst v63  }
0x110: {  	_ =	swait.ge [sflag:s26], $0x2800  }
0x111: {  	[sflag:s26] =	ssyncset.done $0x0  }
0x112: {  	[sflag:s26] =	ssyncadd.s32 $0xFFFFD800  }
0x113: {  	[spmem:s3] =	stream.indirect.scatter.add.f32 [tilespmem:s23], [sflag:$0x3], $0x80, s14, s22, $0xb8;
	[tilespmem:$0x1D080] =	vst v63  }
0x114: {  	_ =	swait.ge [sflag:s19], $0x2800  }
0x115: {  	[sflag:s19] =	ssyncset.done $0x0  }
0x116: {  	[sflag:s19] =	ssyncadd.s32 $0xFFFFD800  }
0x117: {  	[tilespmem:s23], [sflag:$0x1] =	stream.indirect.gather [hbm4b:s1+s22], $0x80, s15, s22, $0xb8;
	[tilespmem:$0x1D080] =	vst v63  }
0x118: {  	_ =	swait.ge [sflag:s26], $0x2800  }
0x119: {  	[sflag:s26] =	ssyncset.done $0x0  }
0x11a: {  	[sflag:s26] =	ssyncadd.s32 $0xFFFFD800  }
0x11b: {  	[spmem:s3] =	stream.indirect.scatter.add.f32 [tilespmem:s24], [sflag:$0x3], $0x80, s10, s22, $0xb8;
	[tilespmem:$0x1D080] =	vst v63  }
0x11c: {  	_ =	swait.ge [sflag:s19], $0x2800  }
0x11d: {  	[sflag:s19] =	ssyncset.done $0x0  }
0x11e: {  	[sflag:s19] =	ssyncadd.s32 $0xFFFFD800  }
0x11f: {  	_ =	swait.ge [sflag:s26], $0x2800  }
0x120: {  	[sflag:s26] =	ssyncset.done $0x0  }
0x121: {  	[sflag:s26] =	ssyncadd.s32 $0xFFFFD800  }
0x122: {  	[spmem:s3] =	stream.indirect.scatter.add.f32 [tilespmem:s25], [sflag:$0x3], $0x80, s16, s22, $0xb8;
	[tilespmem:$0x1D080] =	vst v63  }
0x123: {  	_ =	swait.ge [sflag:s19], $0x2800  }
0x124: {  	[sflag:s19] =	ssyncset.done $0x0  }
0x125: {  	[sflag:s19] =	ssyncadd.s32 $0xFFFFD800  }
0x126: {  	_ =	swait.ge [sflag:s26], $0x2800  }
0x127: {  	[sflag:s26] =	ssyncset.done $0x0  }
0x128: {  	[sflag:s26] =	ssyncadd.s32 $0xFFFFD800  }
0x129: {  	[spmem:s3] =	stream.indirect.scatter.add.f32 [tilespmem:s23], [sflag:$0x3], $0x80, s17, s22, $0xb8;
	[tilespmem:$0x1D080] =	vst v63  }
0x12a: {  	s0 =	simm.s32 $0x200;
	_ =	swait.ge [sflag:s19], $0x2800  }
0x12b: {  	s21 =	simm.s32 $0x400;
	s7 =	rddreg [dreg:$0x6];
	[sflag:s19] =	ssyncset.done $0x0  }
.LBB2_2:
0x12c: {  	[sflag:s19] =	ssyncadd.s32 $0xFFFFD800;
	p6 =	seq.s32 s0, $0x0  }
0x12d: {  	s7 =	sadd.s32 @!p6 s0, s7;
	s8 =	simm.s32 @!p6 $0x0;
	s18 =	simm.s32 @!p6 $0x3  }
0x12e: {  	[tilespmem:s8], [sflag:$0x3] =	stream.linear.gather @!p6 [hbm4b:s7+s8], $0xC80, $0x38;
	[tilespmem:$0x1D080] =	vst v63  }
0x12f: {  	_ =	swait.ge @!p6 [sflag:s18], $0xC80  }
0x130: {  	s7 =	rddreg [dreg:$0x5];
	[sflag:s18] =	ssyncset.done @!p6 $0x0  }
0x131: {  	[sflag:s18] =	ssyncadd.s32 @!p6 $0xFFFFF380;
	s0 =	sadd.s32 @!p6 s0, s7;
	s7 =	simm.s32 @!p6 $0x1000  }
0x132: {  	[tilespmem:s7], [sflag:$0x3] =	stream.linear.gather @!p6 [hbm4b:s0+s8], $0xC80, $0x38;
	[tilespmem:$0x1D080] =	vst v63  }
0x133: {  	_ =	swait.ge @!p6 [sflag:s18], $0xC80  }
0x134: {  	[sflag:s18] =	ssyncset.done @!p6 $0x0  }
0x135: {  	[sflag:s18] =	ssyncadd.s32 @!p6 $0xFFFFF380  }
0x136: {  	[tilespmem:s23], [sflag:$0x1] =	stream.indirect.gather [hbm4b:s1+s22], $0x80, s4, s22, $0xb8;
	[tilespmem:$0x1D080] =	vst v63  }
0x137: {  	s7 =	rddreg [dreg:$0x7]  }
0x138: {  	[tilespmem:s24], [sflag:$0x1] =	stream.indirect.gather [hbm4b:s1+s22], $0x80, s7, s22, $0xb8;
	[tilespmem:$0x1D080] =	vst v63  }
0x139: {  	s8 =	rddreg [dreg:$0x8]  }
0x13a: {  	[tilespmem:s25], [sflag:$0x1] =	stream.indirect.gather [hbm4b:s1+s22], $0x80, s8, s22, $0xb8;
	[tilespmem:$0x1D080] =	vst v63  }
0x13b: {  	_ =	swait.ge [sflag:s26], $0x2800  }
0x13c: {  	[sflag:s26] =	ssyncset.done $0x0  }
0x13d: {  	[sflag:s26] =	ssyncadd.s32 $0xFFFFD800  }
0x13e: {  	[spmem:s3] =	stream.indirect.scatter.add.f32 [tilespmem:s23], [sflag:$0x3], $0x80, s20, s22, $0xb8;
	[tilespmem:$0x1D080] =	vst v63  }
0x13f: {  	_ =	swait.ge [sflag:s19], $0x2800  }
0x140: {  	[sflag:s19] =	ssyncset.done $0x0  }
0x141: {  	s18 =	rddreg [dreg:$0x9];
	[sflag:s19] =	ssyncadd.s32 $0xFFFFD800  }
0x142: {  	[tilespmem:s23], [sflag:$0x1] =	stream.indirect.gather [hbm4b:s1+s22], $0x80, s18, s22, $0xb8;
	[tilespmem:$0x1D080] =	vst v63  }
0x143: {  	_ =	swait.ge [sflag:s26], $0x2800  }
0x144: {  	[sflag:s26] =	ssyncset.done $0x0  }
0x145: {  	s7 =	rddreg [dreg:$0xa];
	[sflag:s26] =	ssyncadd.s32 $0xFFFFD800  }
0x146: {  	[spmem:s3] =	stream.indirect.scatter.add.f32 [tilespmem:s24], [sflag:$0x3], $0x80, s7, s22, $0xb8;
	[tilespmem:$0x1D080] =	vst v63  }
0x147: {  	_ =	swait.ge [sflag:s19], $0x2800  }
0x148: {  	[sflag:s19] =	ssyncset.done $0x0  }
0x149: {  	s8 =	rddreg [dreg:$0xb];
	[sflag:s19] =	ssyncadd.s32 $0xFFFFD800  }
0x14a: {  	[tilespmem:s24], [sflag:$0x1] =	stream.indirect.gather [hbm4b:s1+s22], $0x80, s8, s22, $0xb8;
	[tilespmem:$0x1D080] =	vst v63  }
0x14b: {  	_ =	swait.ge [sflag:s26], $0x2800  }
0x14c: {  	[sflag:s26] =	ssyncset.done $0x0  }
0x14d: {  	s18 =	rddreg [dreg:$0xc];
	[sflag:s26] =	ssyncadd.s32 $0xFFFFD800  }
0x14e: {  	[spmem:s3] =	stream.indirect.scatter.add.f32 [tilespmem:s25], [sflag:$0x3], $0x80, s18, s22, $0xb8;
	[tilespmem:$0x1D080] =	vst v63  }
0x14f: {  	_ =	swait.ge [sflag:s19], $0x2800  }
0x150: {  	[sflag:s19] =	ssyncset.done $0x0  }
0x151: {  	s7 =	rddreg [dreg:$0xd];
	[sflag:s19] =	ssyncadd.s32 $0xFFFFD800  }
0x152: {  	[tilespmem:s25], [sflag:$0x1] =	stream.indirect.gather [hbm4b:s1+s22], $0x80, s7, s22, $0xb8;
	[tilespmem:$0x1D080] =	vst v63  }
0x153: {  	_ =	swait.ge [sflag:s26], $0x2800  }
0x154: {  	[sflag:s26] =	ssyncset.done $0x0  }
0x155: {  	s8 =	rddreg [dreg:$0xe];
	[sflag:s26] =	ssyncadd.s32 $0xFFFFD800  }
0x156: {  	[spmem:s3] =	stream.indirect.scatter.add.f32 [tilespmem:s23], [sflag:$0x3], $0x80, s8, s22, $0xb8;
	[tilespmem:$0x1D080] =	vst v63  }
0x157: {  	_ =	swait.ge [sflag:s19], $0x2800  }
0x158: {  	[sflag:s19] =	ssyncset.done $0x0  }
0x159: {  	s18 =	rddreg [dreg:$0xf];
	[sflag:s19] =	ssyncadd.s32 $0xFFFFD800  }
0x15a: {  	[tilespmem:s23], [sflag:$0x1] =	stream.indirect.gather [hbm4b:s1+s22], $0x80, s18, s22, $0xb8;
	[tilespmem:$0x1D080] =	vst v63  }
0x15b: {  	_ =	swait.ge [sflag:s26], $0x2800  }
0x15c: {  	[sflag:s26] =	ssyncset.done $0x0  }
0x15d: {  	s7 =	rddreg [dreg:$0x10];
	[sflag:s26] =	ssyncadd.s32 $0xFFFFD800  }
0x15e: {  	[spmem:s3] =	stream.indirect.scatter.add.f32 [tilespmem:s24], [sflag:$0x3], $0x80, s7, s22, $0xb8;
	[tilespmem:$0x1D080] =	vst v63  }
0x15f: {  	_ =	swait.ge [sflag:s19], $0x2800  }
0x160: {  	[sflag:s19] =	ssyncset.done $0x0  }
0x161: {  	s8 =	rddreg [dreg:$0x11];
	[sflag:s19] =	ssyncadd.s32 $0xFFFFD800  }
0x162: {  	[tilespmem:s24], [sflag:$0x1] =	stream.indirect.gather [hbm4b:s1+s22], $0x80, s8, s22, $0xb8;
	[tilespmem:$0x1D080] =	vst v63  }
0x163: {  	_ =	swait.ge [sflag:s26], $0x2800  }
0x164: {  	[sflag:s26] =	ssyncset.done $0x0  }
0x165: {  	s18 =	rddreg [dreg:$0x12];
	[sflag:s26] =	ssyncadd.s32 $0xFFFFD800  }
0x166: {  	[spmem:s3] =	stream.indirect.scatter.add.f32 [tilespmem:s25], [sflag:$0x3], $0x80, s18, s22, $0xb8;
	[tilespmem:$0x1D080] =	vst v63  }
0x167: {  	_ =	swait.ge [sflag:s19], $0x2800  }
0x168: {  	[sflag:s19] =	ssyncset.done $0x0  }
0x169: {  	s7 =	rddreg [dreg:$0x13];
	[sflag:s19] =	ssyncadd.s32 $0xFFFFD800  }
0x16a: {  	[tilespmem:s25], [sflag:$0x1] =	stream.indirect.gather [hbm4b:s1+s22], $0x80, s7, s22, $0xb8;
	[tilespmem:$0x1D080] =	vst v63  }
0x16b: {  	_ =	swait.ge [sflag:s26], $0x2800  }
0x16c: {  	[sflag:s26] =	ssyncset.done $0x0  }
0x16d: {  	s8 =	rddreg [dreg:$0x14];
	[sflag:s26] =	ssyncadd.s32 $0xFFFFD800  }
0x16e: {  	[spmem:s3] =	stream.indirect.scatter.add.f32 [tilespmem:s23], [sflag:$0x3], $0x80, s8, s22, $0xb8;
	[tilespmem:$0x1D080] =	vst v63  }
0x16f: {  	_ =	swait.ge [sflag:s19], $0x2800  }
0x170: {  	[sflag:s19] =	ssyncset.done $0x0  }
0x171: {  	s18 =	rddreg [dreg:$0x15];
	[sflag:s19] =	ssyncadd.s32 $0xFFFFD800  }
0x172: {  	[tilespmem:s23], [sflag:$0x1] =	stream.indirect.gather [hbm4b:s1+s22], $0x80, s18, s22, $0xb8;
	[tilespmem:$0x1D080] =	vst v63  }
0x173: {  	_ =	swait.ge [sflag:s26], $0x2800  }
0x174: {  	[sflag:s26] =	ssyncset.done $0x0  }
0x175: {  	s7 =	rddreg [dreg:$0x16];
	[sflag:s26] =	ssyncadd.s32 $0xFFFFD800  }
0x176: {  	[spmem:s3] =	stream.indirect.scatter.add.f32 [tilespmem:s24], [sflag:$0x3], $0x80, s7, s22, $0xb8;
	[tilespmem:$0x1D080] =	vst v63  }
0x177: {  	_ =	swait.ge [sflag:s19], $0x2800  }
0x178: {  	[sflag:s19] =	ssyncset.done $0x0  }
0x179: {  	s8 =	rddreg [dreg:$0x17];
	[sflag:s19] =	ssyncadd.s32 $0xFFFFD800  }
0x17a: {  	[tilespmem:s24], [sflag:$0x1] =	stream.indirect.gather [hbm4b:s1+s22], $0x80, s8, s22, $0xb8;
	[tilespmem:$0x1D080] =	vst v63  }
0x17b: {  	_ =	swait.ge [sflag:s26], $0x2800  }
0x17c: {  	[sflag:s26] =	ssyncset.done $0x0  }
0x17d: {  	s18 =	rddreg [dreg:$0x18];
	[sflag:s26] =	ssyncadd.s32 $0xFFFFD800  }
0x17e: {  	[spmem:s3] =	stream.indirect.scatter.add.f32 [tilespmem:s25], [sflag:$0x3], $0x80, s18, s22, $0xb8;
	[tilespmem:$0x1D080] =	vst v63  }
0x17f: {  	_ =	swait.ge [sflag:s19], $0x2800  }
0x180: {  	[sflag:s19] =	ssyncset.done $0x0  }
0x181: {  	s7 =	rddreg [dreg:$0x19];
	[sflag:s19] =	ssyncadd.s32 $0xFFFFD800  }
0x182: {  	[tilespmem:s25], [sflag:$0x1] =	stream.indirect.gather [hbm4b:s1+s22], $0x80, s7, s22, $0xb8;
	[tilespmem:$0x1D080] =	vst v63  }
0x183: {  	_ =	swait.ge [sflag:s26], $0x2800  }
0x184: {  	[sflag:s26] =	ssyncset.done $0x0  }
0x185: {  	s8 =	rddreg [dreg:$0x1a];
	[sflag:s26] =	ssyncadd.s32 $0xFFFFD800  }
0x186: {  	[spmem:s3] =	stream.indirect.scatter.add.f32 [tilespmem:s23], [sflag:$0x3], $0x80, s8, s22, $0xb8;
	[tilespmem:$0x1D080] =	vst v63  }
0x187: {  	_ =	swait.ge [sflag:s19], $0x2800  }
0x188: {  	[sflag:s19] =	ssyncset.done $0x0  }
0x189: {  	s18 =	rddreg [dreg:$0x1b];
	[sflag:s19] =	ssyncadd.s32 $0xFFFFD800  }
0x18a: {  	[tilespmem:s23], [sflag:$0x1] =	stream.indirect.gather [hbm4b:s1+s22], $0x80, s18, s22, $0xb8;
	[tilespmem:$0x1D080] =	vst v63  }
0x18b: {  	_ =	swait.ge [sflag:s26], $0x2800  }
0x18c: {  	[sflag:s26] =	ssyncset.done $0x0  }
0x18d: {  	s7 =	rddreg [dreg:$0x1c];
	[sflag:s26] =	ssyncadd.s32 $0xFFFFD800  }
0x18e: {  	[spmem:s3] =	stream.indirect.scatter.add.f32 [tilespmem:s24], [sflag:$0x3], $0x80, s7, s22, $0xb8;
	[tilespmem:$0x1D080] =	vst v63  }
0x18f: {  	_ =	swait.ge [sflag:s19], $0x2800  }
0x190: {  	[sflag:s19] =	ssyncset.done $0x0  }
0x191: {  	s8 =	rddreg [dreg:$0x1d];
	[sflag:s19] =	ssyncadd.s32 $0xFFFFD800  }
0x192: {  	[tilespmem:s24], [sflag:$0x1] =	stream.indirect.gather [hbm4b:s1+s22], $0x80, s8, s22, $0xb8;
	[tilespmem:$0x1D080] =	vst v63  }
0x193: {  	_ =	swait.ge [sflag:s26], $0x2800  }
0x194: {  	[sflag:s26] =	ssyncset.done $0x0  }
0x195: {  	s18 =	rddreg [dreg:$0x1e];
	[sflag:s26] =	ssyncadd.s32 $0xFFFFD800  }
0x196: {  	[spmem:s3] =	stream.indirect.scatter.add.f32 [tilespmem:s25], [sflag:$0x3], $0x80, s18, s22, $0xb8;
	[tilespmem:$0x1D080] =	vst v63  }
0x197: {  	_ =	swait.ge [sflag:s19], $0x2800  }
0x198: {  	[sflag:s19] =	ssyncset.done $0x0  }
0x199: {  	s7 =	rddreg [dreg:$0x1f];
	[sflag:s19] =	ssyncadd.s32 $0xFFFFD800  }
0x19a: {  	[tilespmem:s25], [sflag:$0x1] =	stream.indirect.gather [hbm4b:s1+s22], $0x80, s7, s22, $0xb8;
	[tilespmem:$0x1D080] =	vst v63  }
0x19b: {  	_ =	swait.ge [sflag:s26], $0x2800  }
0x19c: {  	s8 =	sld [smem:$0x7F4]  }
0x19d: {  	[sflag:s26] =	ssyncset.done $0x0  }
0x19e: {  	[sflag:s26] =	ssyncadd.s32 $0xFFFFD800  }
0x19f: {  	[spmem:s3] =	stream.indirect.scatter.add.f32 [tilespmem:s23], [sflag:$0x3], $0x80, s8, s22, $0xb8;
	[tilespmem:$0x1D080] =	vst v63  }
0x1a0: {  	_ =	swait.ge [sflag:s19], $0x2800  }
0x1a1: {  	s18 =	sld [smem:$0x7F7]  }
0x1a2: {  	[sflag:s19] =	ssyncset.done $0x0  }
0x1a3: {  	[sflag:s19] =	ssyncadd.s32 $0xFFFFD800  }
0x1a4: {  	[tilespmem:s23], [sflag:$0x1] =	stream.indirect.gather [hbm4b:s1+s22], $0x80, s18, s22, $0xb8;
	[tilespmem:$0x1D080] =	vst v63  }
0x1a5: {  	_ =	swait.ge [sflag:s26], $0x2800  }
0x1a6: {  	s7 =	sld [smem:$0x7F8]  }
0x1a7: {  	[sflag:s26] =	ssyncset.done $0x0  }
0x1a8: {  	[sflag:s26] =	ssyncadd.s32 $0xFFFFD800  }
0x1a9: {  	[spmem:s3] =	stream.indirect.scatter.add.f32 [tilespmem:s24], [sflag:$0x3], $0x80, s7, s22, $0xb8;
	[tilespmem:$0x1D080] =	vst v63  }
0x1aa: {  	_ =	swait.ge [sflag:s19], $0x2800  }
0x1ab: {  	s8 =	sld [smem:$0x7F9]  }
0x1ac: {  	[sflag:s19] =	ssyncset.done $0x0  }
0x1ad: {  	[sflag:s19] =	ssyncadd.s32 $0xFFFFD800  }
0x1ae: {  	[tilespmem:s24], [sflag:$0x1] =	stream.indirect.gather [hbm4b:s1+s22], $0x80, s8, s22, $0xb8;
	[tilespmem:$0x1D080] =	vst v63  }
0x1af: {  	_ =	swait.ge [sflag:s26], $0x2800  }
0x1b0: {  	s18 =	sld [smem:$0x7FA]  }
0x1b1: {  	[sflag:s26] =	ssyncset.done $0x0  }
0x1b2: {  	[sflag:s26] =	ssyncadd.s32 $0xFFFFD800  }
0x1b3: {  	[spmem:s3] =	stream.indirect.scatter.add.f32 [tilespmem:s25], [sflag:$0x3], $0x80, s18, s22, $0xb8;
	[tilespmem:$0x1D080] =	vst v63  }
0x1b4: {  	_ =	swait.ge [sflag:s19], $0x2800  }
0x1b5: {  	s7 =	sld [smem:$0x7FB]  }
0x1b6: {  	[sflag:s19] =	ssyncset.done $0x0  }
0x1b7: {  	[sflag:s19] =	ssyncadd.s32 $0xFFFFD800  }
0x1b8: {  	[tilespmem:s25], [sflag:$0x1] =	stream.indirect.gather [hbm4b:s1+s22], $0x80, s7, s22, $0xb8;
	[tilespmem:$0x1D080] =	vst v63  }
0x1b9: {  	_ =	swait.ge [sflag:s26], $0x2800  }
0x1ba: {  	s8 =	sld [smem:$0x7FC]  }
0x1bb: {  	[sflag:s26] =	ssyncset.done $0x0  }
0x1bc: {  	[sflag:s26] =	ssyncadd.s32 $0xFFFFD800  }
0x1bd: {  	[spmem:s3] =	stream.indirect.scatter.add.f32 [tilespmem:s23], [sflag:$0x3], $0x80, s8, s22, $0xb8;
	[tilespmem:$0x1D080] =	vst v63  }
0x1be: {  	_ =	swait.ge [sflag:s19], $0x2800  }
0x1bf: {  	s18 =	sld [smem:$0x7FD]  }
0x1c0: {  	[sflag:s19] =	ssyncset.done $0x0  }
0x1c1: {  	[sflag:s19] =	ssyncadd.s32 $0xFFFFD800  }
0x1c2: {  	[tilespmem:s23], [sflag:$0x1] =	stream.indirect.gather [hbm4b:s1+s22], $0x80, s18, s22, $0xb8;
	[tilespmem:$0x1D080] =	vst v63  }
0x1c3: {  	_ =	swait.ge [sflag:s26], $0x2800  }
0x1c4: {  	[sflag:s26] =	ssyncset.done $0x0  }
0x1c5: {  	[sflag:s26] =	ssyncadd.s32 $0xFFFFD800  }
0x1c6: {  	[spmem:s3] =	stream.indirect.scatter.add.f32 [tilespmem:s24], [sflag:$0x3], $0x80, s28, s22, $0xb8;
	[tilespmem:$0x1D080] =	vst v63  }
0x1c7: {  	_ =	swait.ge [sflag:s19], $0x2800  }
0x1c8: {  	[sflag:s19] =	ssyncset.done $0x0  }
0x1c9: {  	[sflag:s19] =	ssyncadd.s32 $0xFFFFD800  }
0x1ca: {  	[tilespmem:s24], [sflag:$0x1] =	stream.indirect.gather [hbm4b:s1+s22], $0x80, s29, s22, $0xb8;
	[tilespmem:$0x1D080] =	vst v63  }
0x1cb: {  	_ =	swait.ge [sflag:s26], $0x2800  }
0x1cc: {  	[sflag:s26] =	ssyncset.done $0x0  }
0x1cd: {  	[sflag:s26] =	ssyncadd.s32 $0xFFFFD800  }
0x1ce: {  	[spmem:s3] =	stream.indirect.scatter.add.f32 [tilespmem:s25], [sflag:$0x3], $0x80, s30, s22, $0xb8;
	[tilespmem:$0x1D080] =	vst v63  }
0x1cf: {  	_ =	swait.ge [sflag:s19], $0x2800  }
0x1d0: {  	[sflag:s19] =	ssyncset.done $0x0  }
0x1d1: {  	[sflag:s19] =	ssyncadd.s32 $0xFFFFD800  }
0x1d2: {  	[tilespmem:s25], [sflag:$0x1] =	stream.indirect.gather [hbm4b:s1+s22], $0x80, s31, s22, $0xb8;
	[tilespmem:$0x1D080] =	vst v63  }
0x1d3: {  	_ =	swait.ge [sflag:s26], $0x2800  }
0x1d4: {  	[sflag:s26] =	ssyncset.done $0x0  }
0x1d5: {  	[sflag:s26] =	ssyncadd.s32 $0xFFFFD800  }
0x1d6: {  	[spmem:s3] =	stream.indirect.scatter.add.f32 [tilespmem:s23], [sflag:$0x3], $0x80, s2, s22, $0xb8;
	[tilespmem:$0x1D080] =	vst v63  }
0x1d7: {  	_ =	swait.ge [sflag:s19], $0x2800  }
0x1d8: {  	[sflag:s19] =	ssyncset.done $0x0  }
0x1d9: {  	[sflag:s19] =	ssyncadd.s32 $0xFFFFD800  }
0x1da: {  	[tilespmem:s23], [sflag:$0x1] =	stream.indirect.gather [hbm4b:s1+s22], $0x80, s6, s22, $0xb8;
	[tilespmem:$0x1D080] =	vst v63  }
0x1db: {  	_ =	swait.ge [sflag:s26], $0x2800  }
0x1dc: {  	[sflag:s26] =	ssyncset.done $0x0  }
0x1dd: {  	[sflag:s26] =	ssyncadd.s32 $0xFFFFD800  }
0x1de: {  	[spmem:s3] =	stream.indirect.scatter.add.f32 [tilespmem:s24], [sflag:$0x3], $0x80, s9, s22, $0xb8;
	[tilespmem:$0x1D080] =	vst v63  }
0x1df: {  	_ =	swait.ge [sflag:s19], $0x2800  }
0x1e0: {  	[sflag:s19] =	ssyncset.done $0x0  }
0x1e1: {  	[sflag:s19] =	ssyncadd.s32 $0xFFFFD800  }
0x1e2: {  	[tilespmem:s24], [sflag:$0x1] =	stream.indirect.gather [hbm4b:s1+s22], $0x80, s11, s22, $0xb8;
	[tilespmem:$0x1D080] =	vst v63  }
0x1e3: {  	_ =	swait.ge [sflag:s26], $0x2800  }
0x1e4: {  	[sflag:s26] =	ssyncset.done $0x0  }
0x1e5: {  	[sflag:s26] =	ssyncadd.s32 $0xFFFFD800  }
0x1e6: {  	[spmem:s3] =	stream.indirect.scatter.add.f32 [tilespmem:s25], [sflag:$0x3], $0x80, s12, s22, $0xb8;
	[tilespmem:$0x1D080] =	vst v63  }
0x1e7: {  	_ =	swait.ge [sflag:s19], $0x2800  }
0x1e8: {  	[sflag:s19] =	ssyncset.done $0x0  }
0x1e9: {  	[sflag:s19] =	ssyncadd.s32 $0xFFFFD800  }
0x1ea: {  	[tilespmem:s25], [sflag:$0x1] =	stream.indirect.gather [hbm4b:s1+s22], $0x80, s13, s22, $0xb8;
	[tilespmem:$0x1D080] =	vst v63  }
0x1eb: {  	_ =	swait.ge [sflag:s26], $0x2800  }
0x1ec: {  	[sflag:s26] =	ssyncset.done $0x0  }
0x1ed: {  	[sflag:s26] =	ssyncadd.s32 $0xFFFFD800  }
0x1ee: {  	[spmem:s3] =	stream.indirect.scatter.add.f32 [tilespmem:s23], [sflag:$0x3], $0x80, s14, s22, $0xb8;
	[tilespmem:$0x1D080] =	vst v63  }
0x1ef: {  	_ =	swait.ge [sflag:s19], $0x2800  }
0x1f0: {  	[sflag:s19] =	ssyncset.done $0x0  }
0x1f1: {  	[sflag:s19] =	ssyncadd.s32 $0xFFFFD800  }
0x1f2: {  	[tilespmem:s23], [sflag:$0x1] =	stream.indirect.gather [hbm4b:s1+s22], $0x80, s15, s22, $0xb8;
	[tilespmem:$0x1D080] =	vst v63  }
0x1f3: {  	_ =	swait.ge [sflag:s26], $0x2800  }
0x1f4: {  	[sflag:s26] =	ssyncset.done $0x0  }
0x1f5: {  	[sflag:s26] =	ssyncadd.s32 $0xFFFFD800  }
0x1f6: {  	[spmem:s3] =	stream.indirect.scatter.add.f32 [tilespmem:s24], [sflag:$0x3], $0x80, s10, s22, $0xb8;
	[tilespmem:$0x1D080] =	vst v63  }
0x1f7: {  	_ =	swait.ge [sflag:s19], $0x2800  }
0x1f8: {  	[sflag:s19] =	ssyncset.done $0x0  }
0x1f9: {  	[sflag:s19] =	ssyncadd.s32 $0xFFFFD800  }
0x1fa: {  	_ =	swait.ge [sflag:s26], $0x2800  }
0x1fb: {  	[sflag:s26] =	ssyncset.done $0x0  }
0x1fc: {  	[sflag:s26] =	ssyncadd.s32 $0xFFFFD800  }
0x1fd: {  	[spmem:s3] =	stream.indirect.scatter.add.f32 [tilespmem:s25], [sflag:$0x3], $0x80, s16, s22, $0xb8;
	[tilespmem:$0x1D080] =	vst v63  }
0x1fe: {  	_ =	swait.ge [sflag:s19], $0x2800  }
0x1ff: {  	[sflag:s19] =	ssyncset.done $0x0  }
0x200: {  	s5 =	smov.u32 s21;
	s21 =	sadd.s32 $0x200, s21;
	[sflag:s19] =	ssyncadd.s32 $0xFFFFD800  }
0x201: {  	p5 =	sne.s32 s21, $0xA00;
	_ =	swait.ge [sflag:s26], $0x2800  }
.Ltmp0:
0x202: {  	[sflag:s26] =	ssyncset.done $0x0;
	(pc) =	sbr.rel @p5 .LBB2_2-.Ltmp0, $4  }
0x203: {  	[sflag:s26] =	ssyncadd.s32 $0xFFFFD800  }
0x204: {  	[spmem:s3] =	stream.indirect.scatter.add.f32 [tilespmem:s23], [sflag:$0x3], $0x80, s17, s22, $0xb8;
	[tilespmem:$0x1D080] =	vst v63  }
0x205: {  	_ =	swait.ge [sflag:s19], $0x2800  }
0x206: {  	s0 =	smov.u32 s5;
	s7 =	rddreg [dreg:$0x6];
	[sflag:s19] =	ssyncset.done $0x0  }
0x207: {  	[sflag:s19] =	ssyncadd.s32 $0xFFFFD800;
	p5 =	seq.s32 s0, $0x0  }
0x208: {  	s5 =	sadd.s32 @!p5 s0, s7;
	s7 =	simm.s32 @!p5 $0x0;
	s8 =	simm.s32 @!p5 $0x3  }
0x209: {  	[tilespmem:s7], [sflag:$0x3] =	stream.linear.gather @!p5 [hbm4b:s5+s7], $0xC80, $0x38;
	[tilespmem:$0x1D080] =	vst v63  }
0x20a: {  	_ =	swait.ge @!p5 [sflag:s8], $0xC80  }
0x20b: {  	s5 =	rddreg [dreg:$0x5];
	[sflag:s8] =	ssyncset.done @!p5 $0x0  }
0x20c: {  	[sflag:s8] =	ssyncadd.s32 @!p5 $0xFFFFF380;
	s0 =	sadd.s32 @!p5 s0, s5;
	s5 =	simm.s32 @!p5 $0x1000  }
0x20d: {  	[tilespmem:s5], [sflag:$0x3] =	stream.linear.gather @!p5 [hbm4b:s0+s7], $0xC80, $0x38;
	[tilespmem:$0x1D080] =	vst v63  }
0x20e: {  	_ =	swait.ge @!p5 [sflag:s8], $0xC80  }
0x20f: {  	[sflag:s8] =	ssyncset.done @!p5 $0x0  }
0x210: {  	[sflag:s8] =	ssyncadd.s32 @!p5 $0xFFFFF380  }
0x211: {  	[tilespmem:s23], [sflag:$0x1] =	stream.indirect.gather [hbm4b:s1+s22], $0x80, s4, s22, $0xb8;
	[tilespmem:$0x1D080] =	vst v63  }
0x212: {  	s5 =	rddreg [dreg:$0x7]  }
0x213: {  	[tilespmem:s24], [sflag:$0x1] =	stream.indirect.gather [hbm4b:s1+s22], $0x80, s5, s22, $0xb8;
	[tilespmem:$0x1D080] =	vst v63  }
0x214: {  	s7 =	rddreg [dreg:$0x8]  }
0x215: {  	[tilespmem:s25], [sflag:$0x1] =	stream.indirect.gather [hbm4b:s1+s22], $0x80, s7, s22, $0xb8;
	[tilespmem:$0x1D080] =	vst v63  }
0x216: {  	_ =	swait.ge [sflag:s26], $0x2800  }
0x217: {  	[sflag:s26] =	ssyncset.done $0x0  }
0x218: {  	[sflag:s26] =	ssyncadd.s32 $0xFFFFD800  }
0x219: {  	[spmem:s3] =	stream.indirect.scatter.add.f32 [tilespmem:s23], [sflag:$0x3], $0x80, s20, s22, $0xb8;
	[tilespmem:$0x1D080] =	vst v63  }
0x21a: {  	_ =	swait.ge [sflag:s19], $0x2800  }
0x21b: {  	[sflag:s19] =	ssyncset.done $0x0  }
0x21c: {  	s8 =	rddreg [dreg:$0x9];
	[sflag:s19] =	ssyncadd.s32 $0xFFFFD800  }
0x21d: {  	[tilespmem:s23], [sflag:$0x1] =	stream.indirect.gather [hbm4b:s1+s22], $0x80, s8, s22, $0xb8;
	[tilespmem:$0x1D080] =	vst v63  }
0x21e: {  	_ =	swait.ge [sflag:s26], $0x2800  }
0x21f: {  	[sflag:s26] =	ssyncset.done $0x0  }
0x220: {  	s18 =	rddreg [dreg:$0xa];
	[sflag:s26] =	ssyncadd.s32 $0xFFFFD800  }
0x221: {  	[spmem:s3] =	stream.indirect.scatter.add.f32 [tilespmem:s24], [sflag:$0x3], $0x80, s18, s22, $0xb8;
	[tilespmem:$0x1D080] =	vst v63  }
0x222: {  	_ =	swait.ge [sflag:s19], $0x2800  }
0x223: {  	[sflag:s19] =	ssyncset.done $0x0  }
0x224: {  	s21 =	rddreg [dreg:$0xb];
	[sflag:s19] =	ssyncadd.s32 $0xFFFFD800  }
0x225: {  	[tilespmem:s24], [sflag:$0x1] =	stream.indirect.gather [hbm4b:s1+s22], $0x80, s21, s22, $0xb8;
	[tilespmem:$0x1D080] =	vst v63  }
0x226: {  	_ =	swait.ge [sflag:s26], $0x2800  }
0x227: {  	[sflag:s26] =	ssyncset.done $0x0  }
0x228: {  	s5 =	rddreg [dreg:$0xc];
	[sflag:s26] =	ssyncadd.s32 $0xFFFFD800  }
0x229: {  	[spmem:s3] =	stream.indirect.scatter.add.f32 [tilespmem:s25], [sflag:$0x3], $0x80, s5, s22, $0xb8;
	[tilespmem:$0x1D080] =	vst v63  }
0x22a: {  	_ =	swait.ge [sflag:s19], $0x2800  }
0x22b: {  	[sflag:s19] =	ssyncset.done $0x0  }
0x22c: {  	s7 =	rddreg [dreg:$0xd];
	[sflag:s19] =	ssyncadd.s32 $0xFFFFD800  }
0x22d: {  	[tilespmem:s25], [sflag:$0x1] =	stream.indirect.gather [hbm4b:s1+s22], $0x80, s7, s22, $0xb8;
	[tilespmem:$0x1D080] =	vst v63  }
0x22e: {  	_ =	swait.ge [sflag:s26], $0x2800  }
0x22f: {  	[sflag:s26] =	ssyncset.done $0x0  }
0x230: {  	s8 =	rddreg [dreg:$0xe];
	[sflag:s26] =	ssyncadd.s32 $0xFFFFD800  }
0x231: {  	[spmem:s3] =	stream.indirect.scatter.add.f32 [tilespmem:s23], [sflag:$0x3], $0x80, s8, s22, $0xb8;
	[tilespmem:$0x1D080] =	vst v63  }
0x232: {  	_ =	swait.ge [sflag:s19], $0x2800  }
0x233: {  	[sflag:s19] =	ssyncset.done $0x0  }
0x234: {  	s18 =	rddreg [dreg:$0xf];
	[sflag:s19] =	ssyncadd.s32 $0xFFFFD800  }
0x235: {  	[tilespmem:s23], [sflag:$0x1] =	stream.indirect.gather [hbm4b:s1+s22], $0x80, s18, s22, $0xb8;
	[tilespmem:$0x1D080] =	vst v63  }
0x236: {  	_ =	swait.ge [sflag:s26], $0x2800  }
0x237: {  	[sflag:s26] =	ssyncset.done $0x0  }
0x238: {  	s21 =	rddreg [dreg:$0x10];
	[sflag:s26] =	ssyncadd.s32 $0xFFFFD800  }
0x239: {  	[spmem:s3] =	stream.indirect.scatter.add.f32 [tilespmem:s24], [sflag:$0x3], $0x80, s21, s22, $0xb8;
	[tilespmem:$0x1D080] =	vst v63  }
0x23a: {  	_ =	swait.ge [sflag:s19], $0x2800  }
0x23b: {  	[sflag:s19] =	ssyncset.done $0x0  }
0x23c: {  	s5 =	rddreg [dreg:$0x11];
	[sflag:s19] =	ssyncadd.s32 $0xFFFFD800  }
0x23d: {  	[tilespmem:s24], [sflag:$0x1] =	stream.indirect.gather [hbm4b:s1+s22], $0x80, s5, s22, $0xb8;
	[tilespmem:$0x1D080] =	vst v63  }
0x23e: {  	_ =	swait.ge [sflag:s26], $0x2800  }
0x23f: {  	[sflag:s26] =	ssyncset.done $0x0  }
0x240: {  	s7 =	rddreg [dreg:$0x12];
	[sflag:s26] =	ssyncadd.s32 $0xFFFFD800  }
0x241: {  	[spmem:s3] =	stream.indirect.scatter.add.f32 [tilespmem:s25], [sflag:$0x3], $0x80, s7, s22, $0xb8;
	[tilespmem:$0x1D080] =	vst v63  }
0x242: {  	_ =	swait.ge [sflag:s19], $0x2800  }
0x243: {  	[sflag:s19] =	ssyncset.done $0x0  }
0x244: {  	s8 =	rddreg [dreg:$0x13];
	[sflag:s19] =	ssyncadd.s32 $0xFFFFD800  }
0x245: {  	[tilespmem:s25], [sflag:$0x1] =	stream.indirect.gather [hbm4b:s1+s22], $0x80, s8, s22, $0xb8;
	[tilespmem:$0x1D080] =	vst v63  }
0x246: {  	_ =	swait.ge [sflag:s26], $0x2800  }
0x247: {  	[sflag:s26] =	ssyncset.done $0x0  }
0x248: {  	s18 =	rddreg [dreg:$0x14];
	[sflag:s26] =	ssyncadd.s32 $0xFFFFD800  }
0x249: {  	[spmem:s3] =	stream.indirect.scatter.add.f32 [tilespmem:s23], [sflag:$0x3], $0x80, s18, s22, $0xb8;
	[tilespmem:$0x1D080] =	vst v63  }
0x24a: {  	_ =	swait.ge [sflag:s19], $0x2800  }
0x24b: {  	[sflag:s19] =	ssyncset.done $0x0  }
0x24c: {  	s21 =	rddreg [dreg:$0x15];
	[sflag:s19] =	ssyncadd.s32 $0xFFFFD800  }
0x24d: {  	[tilespmem:s23], [sflag:$0x1] =	stream.indirect.gather [hbm4b:s1+s22], $0x80, s21, s22, $0xb8;
	[tilespmem:$0x1D080] =	vst v63  }
0x24e: {  	_ =	swait.ge [sflag:s26], $0x2800  }
0x24f: {  	[sflag:s26] =	ssyncset.done $0x0  }
0x250: {  	s5 =	rddreg [dreg:$0x16];
	[sflag:s26] =	ssyncadd.s32 $0xFFFFD800  }
0x251: {  	[spmem:s3] =	stream.indirect.scatter.add.f32 [tilespmem:s24], [sflag:$0x3], $0x80, s5, s22, $0xb8;
	[tilespmem:$0x1D080] =	vst v63  }
0x252: {  	_ =	swait.ge [sflag:s19], $0x2800  }
0x253: {  	[sflag:s19] =	ssyncset.done $0x0  }
0x254: {  	s7 =	rddreg [dreg:$0x17];
	[sflag:s19] =	ssyncadd.s32 $0xFFFFD800  }
0x255: {  	[tilespmem:s24], [sflag:$0x1] =	stream.indirect.gather [hbm4b:s1+s22], $0x80, s7, s22, $0xb8;
	[tilespmem:$0x1D080] =	vst v63  }
0x256: {  	_ =	swait.ge [sflag:s26], $0x2800  }
0x257: {  	[sflag:s26] =	ssyncset.done $0x0  }
0x258: {  	s8 =	rddreg [dreg:$0x18];
	[sflag:s26] =	ssyncadd.s32 $0xFFFFD800  }
0x259: {  	[spmem:s3] =	stream.indirect.scatter.add.f32 [tilespmem:s25], [sflag:$0x3], $0x80, s8, s22, $0xb8;
	[tilespmem:$0x1D080] =	vst v63  }
0x25a: {  	_ =	swait.ge [sflag:s19], $0x2800  }
0x25b: {  	[sflag:s19] =	ssyncset.done $0x0  }
0x25c: {  	s18 =	rddreg [dreg:$0x19];
	[sflag:s19] =	ssyncadd.s32 $0xFFFFD800  }
0x25d: {  	[tilespmem:s25], [sflag:$0x1] =	stream.indirect.gather [hbm4b:s1+s22], $0x80, s18, s22, $0xb8;
	[tilespmem:$0x1D080] =	vst v63  }
0x25e: {  	_ =	swait.ge [sflag:s26], $0x2800  }
0x25f: {  	[sflag:s26] =	ssyncset.done $0x0  }
0x260: {  	s21 =	rddreg [dreg:$0x1a];
	[sflag:s26] =	ssyncadd.s32 $0xFFFFD800  }
0x261: {  	[spmem:s3] =	stream.indirect.scatter.add.f32 [tilespmem:s23], [sflag:$0x3], $0x80, s21, s22, $0xb8;
	[tilespmem:$0x1D080] =	vst v63  }
0x262: {  	_ =	swait.ge [sflag:s19], $0x2800  }
0x263: {  	[sflag:s19] =	ssyncset.done $0x0  }
0x264: {  	s5 =	rddreg [dreg:$0x1b];
	[sflag:s19] =	ssyncadd.s32 $0xFFFFD800  }
0x265: {  	[tilespmem:s23], [sflag:$0x1] =	stream.indirect.gather [hbm4b:s1+s22], $0x80, s5, s22, $0xb8;
	[tilespmem:$0x1D080] =	vst v63  }
0x266: {  	_ =	swait.ge [sflag:s26], $0x2800  }
0x267: {  	[sflag:s26] =	ssyncset.done $0x0  }
0x268: {  	s7 =	rddreg [dreg:$0x1c];
	[sflag:s26] =	ssyncadd.s32 $0xFFFFD800  }
0x269: {  	[spmem:s3] =	stream.indirect.scatter.add.f32 [tilespmem:s24], [sflag:$0x3], $0x80, s7, s22, $0xb8;
	[tilespmem:$0x1D080] =	vst v63  }
0x26a: {  	_ =	swait.ge [sflag:s19], $0x2800  }
0x26b: {  	[sflag:s19] =	ssyncset.done $0x0  }
0x26c: {  	s8 =	rddreg [dreg:$0x1d];
	[sflag:s19] =	ssyncadd.s32 $0xFFFFD800  }
0x26d: {  	[tilespmem:s24], [sflag:$0x1] =	stream.indirect.gather [hbm4b:s1+s22], $0x80, s8, s22, $0xb8;
	[tilespmem:$0x1D080] =	vst v63  }
0x26e: {  	_ =	swait.ge [sflag:s26], $0x2800  }
0x26f: {  	[sflag:s26] =	ssyncset.done $0x0  }
0x270: {  	s18 =	rddreg [dreg:$0x1e];
	[sflag:s26] =	ssyncadd.s32 $0xFFFFD800  }
0x271: {  	[spmem:s3] =	stream.indirect.scatter.add.f32 [tilespmem:s25], [sflag:$0x3], $0x80, s18, s22, $0xb8;
	[tilespmem:$0x1D080] =	vst v63  }
0x272: {  	_ =	swait.ge [sflag:s19], $0x2800  }
0x273: {  	[sflag:s19] =	ssyncset.done $0x0  }
0x274: {  	s21 =	rddreg [dreg:$0x1f];
	[sflag:s19] =	ssyncadd.s32 $0xFFFFD800  }
0x275: {  	[tilespmem:s25], [sflag:$0x1] =	stream.indirect.gather [hbm4b:s1+s22], $0x80, s21, s22, $0xb8;
	[tilespmem:$0x1D080] =	vst v63  }
0x276: {  	_ =	swait.ge [sflag:s26], $0x2800  }
0x277: {  	s5 =	sld [smem:$0x7F4]  }
0x278: {  	[sflag:s26] =	ssyncset.done $0x0  }
0x279: {  	[sflag:s26] =	ssyncadd.s32 $0xFFFFD800  }
0x27a: {  	[spmem:s3] =	stream.indirect.scatter.add.f32 [tilespmem:s23], [sflag:$0x3], $0x80, s5, s22, $0xb8;
	[tilespmem:$0x1D080] =	vst v63  }
0x27b: {  	_ =	swait.ge [sflag:s19], $0x2800  }
0x27c: {  	s7 =	sld [smem:$0x7F7]  }
0x27d: {  	[sflag:s19] =	ssyncset.done $0x0  }
0x27e: {  	[sflag:s19] =	ssyncadd.s32 $0xFFFFD800  }
0x27f: {  	[tilespmem:s23], [sflag:$0x1] =	stream.indirect.gather [hbm4b:s1+s22], $0x80, s7, s22, $0xb8;
	[tilespmem:$0x1D080] =	vst v63  }
0x280: {  	_ =	swait.ge [sflag:s26], $0x2800  }
0x281: {  	s8 =	sld [smem:$0x7F8]  }
0x282: {  	[sflag:s26] =	ssyncset.done $0x0  }
0x283: {  	[sflag:s26] =	ssyncadd.s32 $0xFFFFD800  }
0x284: {  	[spmem:s3] =	stream.indirect.scatter.add.f32 [tilespmem:s24], [sflag:$0x3], $0x80, s8, s22, $0xb8;
	[tilespmem:$0x1D080] =	vst v63  }
0x285: {  	_ =	swait.ge [sflag:s19], $0x2800  }
0x286: {  	s18 =	sld [smem:$0x7F9]  }
0x287: {  	[sflag:s19] =	ssyncset.done $0x0  }
0x288: {  	[sflag:s19] =	ssyncadd.s32 $0xFFFFD800  }
0x289: {  	[tilespmem:s24], [sflag:$0x1] =	stream.indirect.gather [hbm4b:s1+s22], $0x80, s18, s22, $0xb8;
	[tilespmem:$0x1D080] =	vst v63  }
0x28a: {  	_ =	swait.ge [sflag:s26], $0x2800  }
0x28b: {  	s21 =	sld [smem:$0x7FA]  }
0x28c: {  	[sflag:s26] =	ssyncset.done $0x0  }
0x28d: {  	[sflag:s26] =	ssyncadd.s32 $0xFFFFD800  }
0x28e: {  	[spmem:s3] =	stream.indirect.scatter.add.f32 [tilespmem:s25], [sflag:$0x3], $0x80, s21, s22, $0xb8;
	[tilespmem:$0x1D080] =	vst v63  }
0x28f: {  	_ =	swait.ge [sflag:s19], $0x2800  }
0x290: {  	s5 =	sld [smem:$0x7FB]  }
0x291: {  	[sflag:s19] =	ssyncset.done $0x0  }
0x292: {  	[sflag:s19] =	ssyncadd.s32 $0xFFFFD800  }
0x293: {  	[tilespmem:s25], [sflag:$0x1] =	stream.indirect.gather [hbm4b:s1+s22], $0x80, s5, s22, $0xb8;
	[tilespmem:$0x1D080] =	vst v63  }
0x294: {  	_ =	swait.ge [sflag:s26], $0x2800  }
0x295: {  	s7 =	sld [smem:$0x7FC]  }
0x296: {  	[sflag:s26] =	ssyncset.done $0x0  }
0x297: {  	[sflag:s26] =	ssyncadd.s32 $0xFFFFD800  }
0x298: {  	[spmem:s3] =	stream.indirect.scatter.add.f32 [tilespmem:s23], [sflag:$0x3], $0x80, s7, s22, $0xb8;
	[tilespmem:$0x1D080] =	vst v63  }
0x299: {  	_ =	swait.ge [sflag:s19], $0x2800  }
0x29a: {  	s8 =	sld [smem:$0x7FD]  }
0x29b: {  	[sflag:s19] =	ssyncset.done $0x0  }
0x29c: {  	[sflag:s19] =	ssyncadd.s32 $0xFFFFD800  }
0x29d: {  	[tilespmem:s23], [sflag:$0x1] =	stream.indirect.gather [hbm4b:s1+s22], $0x80, s8, s22, $0xb8;
	[tilespmem:$0x1D080] =	vst v63  }
0x29e: {  	_ =	swait.ge [sflag:s26], $0x2800  }
0x29f: {  	[sflag:s26] =	ssyncset.done $0x0  }
0x2a0: {  	[sflag:s26] =	ssyncadd.s32 $0xFFFFD800  }
0x2a1: {  	[spmem:s3] =	stream.indirect.scatter.add.f32 [tilespmem:s24], [sflag:$0x3], $0x80, s28, s22, $0xb8;
	[tilespmem:$0x1D080] =	vst v63  }
0x2a2: {  	_ =	swait.ge [sflag:s19], $0x2800  }
0x2a3: {  	[sflag:s19] =	ssyncset.done $0x0  }
0x2a4: {  	[sflag:s19] =	ssyncadd.s32 $0xFFFFD800  }
0x2a5: {  	[tilespmem:s24], [sflag:$0x1] =	stream.indirect.gather [hbm4b:s1+s22], $0x80, s29, s22, $0xb8;
	[tilespmem:$0x1D080] =	vst v63  }
0x2a6: {  	_ =	swait.ge [sflag:s26], $0x2800  }
0x2a7: {  	[sflag:s26] =	ssyncset.done $0x0  }
0x2a8: {  	[sflag:s26] =	ssyncadd.s32 $0xFFFFD800  }
0x2a9: {  	[spmem:s3] =	stream.indirect.scatter.add.f32 [tilespmem:s25], [sflag:$0x3], $0x80, s30, s22, $0xb8;
	[tilespmem:$0x1D080] =	vst v63  }
0x2aa: {  	_ =	swait.ge [sflag:s19], $0x2800  }
0x2ab: {  	[sflag:s19] =	ssyncset.done $0x0  }
0x2ac: {  	[sflag:s19] =	ssyncadd.s32 $0xFFFFD800  }
0x2ad: {  	[tilespmem:s25], [sflag:$0x1] =	stream.indirect.gather [hbm4b:s1+s22], $0x80, s31, s22, $0xb8;
	[tilespmem:$0x1D080] =	vst v63  }
0x2ae: {  	_ =	swait.ge [sflag:s26], $0x2800  }
0x2af: {  	[sflag:s26] =	ssyncset.done $0x0  }
0x2b0: {  	[sflag:s26] =	ssyncadd.s32 $0xFFFFD800  }
0x2b1: {  	[spmem:s3] =	stream.indirect.scatter.add.f32 [tilespmem:s23], [sflag:$0x3], $0x80, s2, s22, $0xb8;
	[tilespmem:$0x1D080] =	vst v63  }
0x2b2: {  	_ =	swait.ge [sflag:s19], $0x2800  }
0x2b3: {  	[sflag:s19] =	ssyncset.done $0x0  }
0x2b4: {  	[sflag:s19] =	ssyncadd.s32 $0xFFFFD800  }
0x2b5: {  	[tilespmem:s23], [sflag:$0x1] =	stream.indirect.gather [hbm4b:s1+s22], $0x80, s6, s22, $0xb8;
	[tilespmem:$0x1D080] =	vst v63  }
0x2b6: {  	_ =	swait.ge [sflag:s26], $0x2800  }
0x2b7: {  	[sflag:s26] =	ssyncset.done $0x0  }
0x2b8: {  	[sflag:s26] =	ssyncadd.s32 $0xFFFFD800  }
0x2b9: {  	[spmem:s3] =	stream.indirect.scatter.add.f32 [tilespmem:s24], [sflag:$0x3], $0x80, s9, s22, $0xb8;
	[tilespmem:$0x1D080] =	vst v63  }
0x2ba: {  	_ =	swait.ge [sflag:s19], $0x2800  }
0x2bb: {  	[sflag:s19] =	ssyncset.done $0x0  }
0x2bc: {  	[sflag:s19] =	ssyncadd.s32 $0xFFFFD800  }
0x2bd: {  	[tilespmem:s24], [sflag:$0x1] =	stream.indirect.gather [hbm4b:s1+s22], $0x80, s11, s22, $0xb8;
	[tilespmem:$0x1D080] =	vst v63  }
0x2be: {  	_ =	swait.ge [sflag:s26], $0x2800  }
0x2bf: {  	[sflag:s26] =	ssyncset.done $0x0  }
0x2c0: {  	[sflag:s26] =	ssyncadd.s32 $0xFFFFD800  }
0x2c1: {  	[spmem:s3] =	stream.indirect.scatter.add.f32 [tilespmem:s25], [sflag:$0x3], $0x80, s12, s22, $0xb8;
	[tilespmem:$0x1D080] =	vst v63  }
0x2c2: {  	_ =	swait.ge [sflag:s19], $0x2800  }
0x2c3: {  	[sflag:s19] =	ssyncset.done $0x0  }
0x2c4: {  	[sflag:s19] =	ssyncadd.s32 $0xFFFFD800  }
0x2c5: {  	[tilespmem:s25], [sflag:$0x1] =	stream.indirect.gather [hbm4b:s1+s22], $0x80, s13, s22, $0xb8;
	[tilespmem:$0x1D080] =	vst v63  }
0x2c6: {  	_ =	swait.ge [sflag:s26], $0x2800  }
0x2c7: {  	[sflag:s26] =	ssyncset.done $0x0  }
0x2c8: {  	[sflag:s26] =	ssyncadd.s32 $0xFFFFD800  }
0x2c9: {  	[spmem:s3] =	stream.indirect.scatter.add.f32 [tilespmem:s23], [sflag:$0x3], $0x80, s14, s22, $0xb8;
	[tilespmem:$0x1D080] =	vst v63  }
0x2ca: {  	_ =	swait.ge [sflag:s19], $0x2800  }
0x2cb: {  	[sflag:s19] =	ssyncset.done $0x0  }
0x2cc: {  	[sflag:s19] =	ssyncadd.s32 $0xFFFFD800  }
0x2cd: {  	[tilespmem:s23], [sflag:$0x1] =	stream.indirect.gather [hbm4b:s1+s22], $0x80, s15, s22, $0xb8;
	[tilespmem:$0x1D080] =	vst v63  }
0x2ce: {  	_ =	swait.ge [sflag:s26], $0x2800  }
0x2cf: {  	[sflag:s26] =	ssyncset.done $0x0  }
0x2d0: {  	[sflag:s26] =	ssyncadd.s32 $0xFFFFD800  }
0x2d1: {  	[spmem:s3] =	stream.indirect.scatter.add.f32 [tilespmem:s24], [sflag:$0x3], $0x80, s10, s22, $0xb8;
	[tilespmem:$0x1D080] =	vst v63  }
0x2d2: {  	_ =	swait.ge [sflag:s19], $0x2800  }
0x2d3: {  	[sflag:s19] =	ssyncset.done $0x0  }
0x2d4: {  	[sflag:s19] =	ssyncadd.s32 $0xFFFFD800  }
0x2d5: {  	_ =	swait.ge [sflag:s26], $0x2800  }
0x2d6: {  	[sflag:s26] =	ssyncset.done $0x0  }
0x2d7: {  	[sflag:s26] =	ssyncadd.s32 $0xFFFFD800  }
0x2d8: {  	[spmem:s3] =	stream.indirect.scatter.add.f32 [tilespmem:s25], [sflag:$0x3], $0x80, s16, s22, $0xb8;
	[tilespmem:$0x1D080] =	vst v63  }
0x2d9: {  	_ =	swait.ge [sflag:s19], $0x2800  }
0x2da: {  	[sflag:s19] =	ssyncset.done $0x0  }
0x2db: {  	[sflag:s19] =	ssyncadd.s32 $0xFFFFD800  }
0x2dc: {  	_ =	swait.ge [sflag:s26], $0x2800  }
0x2dd: {  	[sflag:s26] =	ssyncset.done $0x0  }
0x2de: {  	[sflag:s26] =	ssyncadd.s32 $0xFFFFD800  }
0x2df: {  	[spmem:s3] =	stream.indirect.scatter.add.f32 [tilespmem:s23], [sflag:$0x3], $0x80, s17, s22, $0xb8;
	[tilespmem:$0x1D080] =	vst v63  }
0x2e0: {  	_ =	swait.ge [sflag:s19], $0x2800  }
0x2e1: {  	[sflag:s19] =	ssyncset.done $0x0  }
0x2e2: {  	[sflag:s19] =	ssyncadd.s32 $0xFFFFD800  }
0x2e3: {  	[bflag:$0x0] =	sbarrier.arrive $0xFFFF  }
0x2e4: {  	s18 =	sld [smem:$0x7F2]  }
0x2e5: {  	s8 =	stileid.u32;
	s7 =	sld [smem:$0x7ED]  }
0x2e6: {  	s0 =	sshll.u32 @!p4 s8, $0x6  }
0x2e7: {  	s0 =	sor.u32 @!p4 $0x1C03, s0;
	s5 =	sshrl.u32 @!p4 s18, $0x3  }
0x2e8: {  	[hbm:s7], [sflag:s0] =	dma.local @!p4 [spmem:s5], $0x2700  }
0x2e9: {  	s0 =	simm.s32 @!p4 $0x3  }
0x2ea: {  	_ =	swait.ge @!p4 [sflag:s0], $0x2700  }
0x2eb: {  	s5 =	sshll.u32 @p0 s8, $0x6;
	s8 =	sld [smem:$0x7EE]  }
0x2ec: {  	[sflag:s0] =	ssyncset.done @!p4 $0x0  }
0x2ed: {  	[sflag:s0] =	ssyncadd.s32 @!p4 $0xFFFFD900;
	s0 =	sor.u32 @p0 $0x1C03, s5;
	s5 =	sshrl.u32 @p0 s18, $0x3  }
0x2ee: {  	[hbm:s8], [sflag:s0] =	dma.local @p0 [spmem:s5], $0x2700  }
0x2ef: {  	s0 =	simm.s32 @p0 $0x3  }
0x2f0: {  	_ =	swait.ge @p0 [sflag:s0], $0x2700  }
0x2f1: {  	s8 =	sld [smem:$0x7F5]  }
0x2f2: {  	s18 =	sld [smem:$0x7EF]  }
0x2f3: {  	[sflag:s0] =	ssyncset.done @p0 $0x0  }
0x2f4: {  	s5 =	simm.s32 @p1 $0x1FC3;
	[sflag:s0] =	ssyncadd.s32 @p0 $0xFFFFD900;
	s0 =	sshrl.u32 @p1 s8, $0x3  }
0x2f5: {  	[hbm:s18], [sflag:s5] =	dma.local @p1 [spmem:s0], $0x100  }
0x2f6: {  	s0 =	simm.s32 @p1 $0x3  }
0x2f7: {  	_ =	swait.ge @p1 [sflag:s0], $0x100  }
0x2f8: {  	[sflag:s0] =	ssyncset.done @p1 $0x0  }
0x2f9: {  	[sflag:s0] =	ssyncadd.s32 @p1 $0xFFFFFF00;
	s0 =	sshrl.u32 @p2 s8, $0x3;
	s8 =	sld [smem:$0x7F0]  }
0x2fa: {  	_ = 	snop  }
0x2fb: {  	s5 =	simm.s32 @p2 $0x1FC3  }
0x2fc: {  	[hbm:s8], [sflag:s5] =	dma.local @p2 [spmem:s0], $0x100  }
0x2fd: {  	s0 =	simm.s32 @p2 $0x3  }
0x2fe: {  	_ =	swait.ge @p2 [sflag:s0], $0x100  }
0x2ff: {  	s18 =	sld [smem:$0x7E7]  }
0x300: {  	s21 =	sld [smem:$0x7F1];
	_ =	sdelay $0x1  }
0x301: {  	s8 =	sadd.s32 $0x1, s18  }
0x302: {  	p5 =	sne.s32 s8, s21  }
.Ltmp1:
0x303: {  	_ = 	snop;
	(pc) =	sbr.rel @p5 .LBB2_1-.Ltmp1, $3  }
0x304: {  	_ =	sdelay $0x1  }
0x305: {  	[sflag:s0] =	ssyncset.done @p2 $0x0  }
0x306: {  	s7 =	stileid.u32;
	[sflag:s0] =	ssyncadd.s32 @p2 $0xFFFFFF00  }
0x307: {  	_ =	sfence.sel $0x180000  }
0x308: {  	[bflag:$0x0] =	sbarrier.arrive $0xFFFF  }
0x309: {  	_ =	strace $0x90000047  }
0x30a: {  	[bflag:$0x2] =	sbarrier.arrive $0xFFFF  }
0x30b: {  	p0 =	sne.s32 s7, $0x0;
	s0 =	rddreg [dreg:$0x4]  }
0x30c: {  	s0 =	sadd.s32 @!p0 $0x100000, s0  }
0x30d: {  	[sflag:s0] =	ssyncadd.tile.s32 @!p0 $0x1;
	_ =	shalt  }
.Lfunc_end2:
_tile_overlayer_lowered:
.L_overlay_start_2:
0x30e: {  	(tag) =	ssettag $0x2  }
0x30f: {  	s0 =	rddreg [dreg:$0x0];
	s2 =	stileid.u32  }
0x310: {  	s1 =	rddreg [dreg:$0x1];
	p0 =	sne.s32 s2, $0x0  }
0x311: {  	s3 =	rddreg [dreg:$0x2];
	[bflag:$0x3] =	sbarrier.arrive $0xFFFF;
	s2 =	simm.s32 @!p0 $0x1C03  }
0x312: {  	[timem:s3], [sflag:s2] =	dma.local @!p0 [hbm:s0], s1  }
0x313: {  	s0 =	simm.s32 @!p0 $0x3  }
0x314: {  	_ =	swait.ge @!p0 [sflag:s0], s1  }
0x315: {  	s1 =	ssub.s32 @!p0 $0x0, s1;
	[sflag:s0] =	ssyncset.done @!p0 $0x0  }
0x316: {  	[sflag:s0] =	ssyncadd.s32 @!p0 s1  }
0x317: {  	[bflag:$0x3] =	sbarrier.arrive $0xFFFF  }
0x318: {  	_ =	shalt  }

</sc_bundles>
